<compile_context>
chip_gen: v7x
topology: tpu7x:2x2x1
jax: 0.10.2.dev20260603
libtpu: 0.0.44.dev20260713+nightly
codegen_flags: <defaults>
</compile_context>

<pallas_src>
import functools

import jax
import jax.numpy as jnp
from jax import lax
from jax.experimental import pallas as pl
from jax.experimental.pallas import tpu as pltpu
from jax.experimental.pallas import tpu_sc as plsc

_NUM_CORES = 2
_NUM_SUBCORES = 16
_NW = _NUM_CORES * _NUM_SUBCORES

_L = 16
_BT = 128
_NBUF = 4



_VBLK = 128


def _make_sc_convert(vocab: int, d: int):
    n_full = vocab // _VBLK
    mesh = plsc.VectorSubcoreMesh(core_axis_name="c", subcore_axis_name="s")
    kmax = (n_full + _NW - 1) // _NW
    ngrp = (kmax + 1) // 2

    @functools.partial(
        pl.kernel,
        mesh=mesh,
        out_type=jax.ShapeDtypeStruct((vocab * d,), jnp.float32),
        compiler_params=pltpu.CompilerParams(
            use_tc_tiling_on_sc=True, needs_layout_passes=False,
        ),
        scratch_types=(
            [pltpu.VMEM((d, _VBLK), jnp.float32) for _ in range(2)]
            + [pltpu.VMEM((_VBLK * d,), jnp.float32) for _ in range(2)]
            + [pltpu.VMEM((d, vocab - (vocab // _VBLK) * _VBLK or _VBLK), jnp.float32)]
            + [pltpu.SemaphoreType.DMA for _ in range(4)]
        ),
    )
    def convert_kernel(tt_hbm, rm_hbm, in0, in1, out0, out1, tail_in, *sems):
        ins = (in0, in1)
        outs = (out0, out1)
        gsem = sems[:2]
        ssem = sems[2:]
        wid = lax.axis_index("s") * _NUM_CORES + lax.axis_index("c")

        def ct_of(k):
            return wid + k * _NW

        def in_start(k, b):
            pltpu.make_async_copy(
                tt_hbm.at[:, pl.ds(ct_of(k) * _VBLK, _VBLK)], ins[b], gsem[b],
            ).start()

        def in_wait(k, b):
            pltpu.make_async_copy(
                tt_hbm.at[:, pl.ds(ct_of(k) * _VBLK, _VBLK)], ins[b], gsem[b],
            ).wait()

        def out_start(k, b):
            pltpu.make_async_copy(
                outs[b], rm_hbm.at[pl.ds(ct_of(k) * _VBLK * d, _VBLK * d)],
                ssem[b],
            ).start()

        def out_wait(k, b):
            pltpu.make_async_copy(
                outs[b], rm_hbm.at[pl.ds(ct_of(k) * _VBLK * d, _VBLK * d)],
                ssem[b],
            ).wait()

        lane = jnp.arange(_L, dtype=jnp.int32)

        lane_d = lane * d

        def permute(it, ot, width):
            @plsc.parallel_loop(0, d, unroll=8)
            def _(dlt):
                rr = (lane + dlt) & (d - 1)
                base = rr + lane_d
                for c8 in range(width // _L):
                    cc = lane + c8 * _L
                    v = plsc.load_gather(it, [rr, cc])
                    plsc.store_scatter(ot, [base + c8 * (_L * d)], v)

        def permute_block(b):
            permute(ins[b], outs[b], _VBLK)

        for b in range(2):
            @pl.when(ct_of(b) < n_full)
            def _():
                in_start(b, b)

        def g_body(g, carry):
            for b in range(2):
                k = 2 * g + b

                @pl.when(ct_of(k) < n_full)
                def _():
                    in_wait(k, b)

                    @pl.when(k >= 2)
                    def _():
                        out_wait(k - 2, b)

                    permute_block(b)
                    out_start(k, b)

                    @pl.when(ct_of(k + 2) < n_full)
                    def _():
                        in_start(k + 2, b)

            return carry

        lax.fori_loop(0, ngrp, g_body, 0)

        for b in range(2):
            @pl.when(ct_of(b) < n_full)
            def _():
                out_wait(b, b)

        tail_w = vocab - n_full * _VBLK
        if tail_w:
            @pl.when(wid == _NW - 1)
            def _():
                pltpu.sync_copy(
                    tt_hbm.at[:, pl.ds(n_full * _VBLK, tail_w)], tail_in)
                permute(tail_in, outs[0], tail_w)
                pltpu.sync_copy(
                    outs[0].at[pl.ds(0, tail_w * d)],
                    rm_hbm.at[pl.ds(n_full * _VBLK * d, tail_w * d)])

    return convert_kernel


def _make_sc_gather(hist: int, d: int, batch: int):
    assert batch == _NW * _NBUF * _BT
    nd8 = d // 8
    mesh = plsc.VectorSubcoreMesh(core_axis_name="c", subcore_axis_name="s")

    @functools.partial(
        pl.kernel,
        mesh=mesh,
        out_type=jax.ShapeDtypeStruct((hist, nd8, batch // _BT, 8, _BT),
                                      jnp.float32),
        compiler_params=pltpu.CompilerParams(
            use_tc_tiling_on_sc=False, needs_layout_passes=False,
        ),
        scratch_types=(
            [pltpu.VMEM((hist, _NBUF * _BT), jnp.int32)]
            + [pltpu.VMEM((_BT, d), jnp.float32) for _ in range(_NBUF)]
            + [pltpu.VMEM((nd8, 8, _BT), jnp.float32) for _ in range(_NBUF)]
            + [pltpu.SemaphoreType.DMA for _ in range(2 * _NBUF)]
        ),
    )
    def gather_kernel(table_hbm, xt_hbm, out_hbm, idx_v, *rest):
        bufs = rest[:_NBUF]
        tbufs = rest[_NBUF:2 * _NBUF]
        gsem = rest[2 * _NBUF:3 * _NBUF]
        ssem = rest[3 * _NBUF:]
        wid = lax.axis_index("s") * _NUM_CORES + lax.axis_index("c")

        pltpu.sync_copy(xt_hbm.at[:, pl.ds(wid * (_NBUF * _BT), _NBUF * _BT)],
                        idx_v)

        def gather_start(j, b):
            pltpu.make_async_copy(
                table_hbm.at[idx_v.at[j, pl.ds(b * _BT, _BT)]],
                bufs[b], gsem[b],
            ).start()

        def gather_wait(j, b):
            pltpu.make_async_copy(
                table_hbm.at[idx_v.at[j, pl.ds(b * _BT, _BT)]],
                bufs[b], gsem[b],
            ).wait()

        def store_start(j, b):
            pltpu.make_async_copy(
                tbufs[b],
                out_hbm.at[j, :, wid * _NBUF + b], ssem[b],
            ).start()

        def store_wait(j, b):
            pltpu.make_async_copy(
                tbufs[b],
                out_hbm.at[j, :, wid * _NBUF + b], ssem[b],
            ).wait()

        lane = jnp.arange(_L, dtype=jnp.int32)
        col_idx = [lane + c * _L for c in range(d // _L)]
        dt_idx = [lane // 8 + (c * _L) // 8 for c in range(d // _L)]
        ds_idx = lane % 8

        def transpose_block(b):
            buf, tbuf = bufs[b], tbufs[b]

            @plsc.parallel_loop(0, _BT, unroll=8)
            def _(r0):
                rr = (jnp.full((_L,), r0, jnp.int32) + lane) & (_BT - 1)
                for c in range(d // _L):
                    v = plsc.load_gather(buf, [rr, col_idx[c]])
                    plsc.store_scatter(tbuf, [dt_idx[c], ds_idx, rr], v)

        for b in range(_NBUF):
            gather_start(0, b)

        def j_body(j, carry):
            for b in range(_NBUF):
                gather_wait(j, b)

                @pl.when(j > 0)
                def _():
                    store_wait(j - 1, b)

                transpose_block(b)
                store_start(j, b)

                @pl.when(j < hist - 1)
                def _():
                    gather_start(j + 1, b)

            return carry

        lax.fori_loop(0, hist, j_body, 0)

        for b in range(_NBUF):
            store_wait(hist - 1, b)

    return gather_kernel


def kernel(x, table):
    batch, hist = x.shape
    vocab, d = table.shape
    rm = _make_sc_convert(vocab, d)(table.T)
    out5 = _make_sc_gather(hist, d, batch)(rm.reshape(vocab, d), x.T)
    return out5.transpose(2, 4, 0, 1, 3).reshape(batch, hist, d)

# --- scband reference (transcript-rebuilt; emitter-appended) ---
"""Pipeline reference for scband-dive-embed-84344567759528 (READ-ONLY COPY).

The authoritative reference and input builder live on the scoring server;
editing this copy changes nothing except your own understanding.
"""

import jax, jax.numpy as jnp
import numpy as np

D_VOCAB = 1000000
D_EMBED = 32
BATCH = 16384
HIST = 50

def setup_inputs(seed: int = 0) -> dict:
    key = jax.random.key(seed)
    k1, k2 = jax.random.split(key)
    x = jax.random.randint(k1, (BATCH, HIST), 0, D_VOCAB, dtype=jnp.int32)
    table = jax.random.normal(k2, (D_VOCAB, D_EMBED), dtype=jnp.float32)
    return {"x": x, "table": table}

def reference(x, table):
    # nn.Embedding forward: gather rows of the table by index
    return jnp.take(table, x, axis=0)

if __name__ == "__main__":
    import jax
    _d = setup_inputs()
    print(jax.jit(kernel)(*tuple(_d.values())))

</pallas_src>

<mosaic_0001>
#map = affine_map<(d0, d1) -> (0, 0)>
#map1 = affine_map<(d0, d1) -> (0)>
module attributes {stable_mosaic.version = 14 : i64} {
  func.func @convert_kernel(%arg0: i32, %arg1: i32, %arg2: memref<32x1000000xf32, #tpu.memory_space<hbm>>, %arg3: memref<32000000xf32, #tpu.memory_space<hbm>>, %arg4: memref<32x128xf32, #tpu.memory_space<vmem>>, %arg5: memref<32x128xf32, #tpu.memory_space<vmem>>, %arg6: memref<4096xf32, #tpu.memory_space<vmem>>, %arg7: memref<4096xf32, #tpu.memory_space<vmem>>, %arg8: memref<32x64xf32, #tpu.memory_space<vmem>>, %arg9: memref<!tpu.dma_semaphore, #tpu.memory_space<semaphore_mem>>, %arg10: memref<!tpu.dma_semaphore, #tpu.memory_space<semaphore_mem>>, %arg11: memref<!tpu.dma_semaphore, #tpu.memory_space<semaphore_mem>>, %arg12: memref<!tpu.dma_semaphore, #tpu.memory_space<semaphore_mem>>) attributes {dimension_semantics = [#tpu.dimension_semantics<core_parallel>, #tpu.dimension_semantics<subcore_parallel>], iteration_bounds = array<i64: 2, 16>, scalar_prefetch = 0 : i64, scratch_operands = 9 : i64, tpu.core_type = #tpu.core_type<sc_vector_subcore>, window_params = [{transform_indices = #map}, {transform_indices = #map1}]} {
    %mul3A = arith.constant 2 : i32
    %mul3A_0 = arith.muli %arg1, %mul3A : i32
    %add3A = arith.addi %mul3A_0, %arg0 : i32
    %iota3A = tpu.iota {dimensions = array<i32: 0>} : vector<16xi32>
    %mul3A_1 = arith.constant 32 : i32
    %mul3A_2 = vector.broadcast %mul3A_1 : i32 to vector<16xi32>
    %mul3A_3 = arith.muli %iota3A, %mul3A_2 : vector<16xi32>
    %add3A_4 = arith.constant 0 : i32
    %add3A_5 = arith.addi %add3A, %add3A_4 : i32
    %lt3A = arith.constant 7812 : i32
    %lt3A_6 = arith.cmpi slt, %add3A_5, %lt3A : i32
    %convert_element_type3A = arith.extui %lt3A_6 : i1 to i32
    %cond3A = arith.constant 0 : i32
    %cond3A_7 = arith.cmpi ne, %convert_element_type3A, %cond3A : i32
    scf.if %cond3A_7 {
      %add3A_38 = arith.constant 0 : i32
      %add3A_39 = arith.addi %add3A, %add3A_38 : i32
      %mul3A_40 = arith.constant 128 : i32
      %mul3A_41 = arith.muli %add3A_39, %mul3A_40 : i32
      %dma_start3A = arith.constant 0 : i32
      %dma_start3A_42 = tpu.memref_slice %arg2[%dma_start3A, %mul3A_41] : memref<32x1000000xf32, #tpu.memory_space<hbm>> -> memref<32x128xf32, #tpu.memory_space<hbm>>
      %dma_start3A_43 = arith.constant 0 : i32
      %dma_start3A_44 = tpu.memref_slice %arg2[%dma_start3A_43, %mul3A_41] : memref<32x1000000xf32, #tpu.memory_space<hbm>> -> memref<32x128xf32, #tpu.memory_space<hbm>>
      tpu.enqueue_dma source(%dma_start3A_44 : memref<32x128xf32, #tpu.memory_space<hbm>>) target(%arg4 : memref<32x128xf32, #tpu.memory_space<vmem>>) target_semaphore(%arg9 : memref<!tpu.dma_semaphore, #tpu.memory_space<semaphore_mem>>)
    } else {
    }
    %add3A_8 = arith.constant 32 : i32
    %add3A_9 = arith.addi %add3A, %add3A_8 : i32
    %lt3A_10 = arith.constant 7812 : i32
    %lt3A_11 = arith.cmpi slt, %add3A_9, %lt3A_10 : i32
    %convert_element_type3A_12 = arith.extui %lt3A_11 : i1 to i32
    %cond3A_13 = arith.constant 0 : i32
    %cond3A_14 = arith.cmpi ne, %convert_element_type3A_12, %cond3A_13 : i32
    scf.if %cond3A_14 {
      %add3A_38 = arith.constant 32 : i32
      %add3A_39 = arith.addi %add3A, %add3A_38 : i32
      %mul3A_40 = arith.constant 128 : i32
      %mul3A_41 = arith.muli %add3A_39, %mul3A_40 : i32
      %dma_start3A = arith.constant 0 : i32
      %dma_start3A_42 = tpu.memref_slice %arg2[%dma_start3A, %mul3A_41] : memref<32x1000000xf32, #tpu.memory_space<hbm>> -> memref<32x128xf32, #tpu.memory_space<hbm>>
      %dma_start3A_43 = arith.constant 0 : i32
      %dma_start3A_44 = tpu.memref_slice %arg2[%dma_start3A_43, %mul3A_41] : memref<32x1000000xf32, #tpu.memory_space<hbm>> -> memref<32x128xf32, #tpu.memory_space<hbm>>
      tpu.enqueue_dma source(%dma_start3A_44 : memref<32x128xf32, #tpu.memory_space<hbm>>) target(%arg5 : memref<32x128xf32, #tpu.memory_space<vmem>>) target_semaphore(%arg10 : memref<!tpu.dma_semaphore, #tpu.memory_space<semaphore_mem>>)
    } else {
    }
    %scan3A = arith.constant 0 : i32
    %scan3A_15 = arith.constant 0 : i32
    %scan3A_16 = arith.constant 123 : i32
    %scan3A_17 = arith.addi %scan3A_15, %scan3A_16 : i32
    %scan3A_18 = arith.constant 1 : i32
    scf.for %scan3A_38 = %scan3A_15 to %scan3A_17 step %scan3A_18  : i32 {
      %mul3A_39 = arith.constant 2 : i32
      %mul3A_40 = arith.muli %mul3A_39, %scan3A_38 : i32
      %add3A_41 = arith.constant 0 : i32
      %add3A_42 = arith.addi %mul3A_40, %add3A_41 : i32
      %mul3A_43 = arith.constant 32 : i32
      %mul3A_44 = arith.muli %add3A_42, %mul3A_43 : i32
      %add3A_45 = arith.addi %add3A, %mul3A_44 : i32
      %lt3A_46 = arith.constant 7812 : i32
      %lt3A_47 = arith.cmpi slt, %add3A_45, %lt3A_46 : i32
      %convert_element_type3A_48 = arith.extui %lt3A_47 : i1 to i32
      %cond3A_49 = arith.constant 0 : i32
      %cond3A_50 = arith.cmpi ne, %convert_element_type3A_48, %cond3A_49 : i32
      scf.if %cond3A_50 {
        %mul3A_63 = arith.constant 32 : i32
        %mul3A_64 = arith.muli %add3A_42, %mul3A_63 : i32
        %add3A_65 = arith.addi %add3A, %mul3A_64 : i32
        %mul3A_66 = arith.constant 128 : i32
        %mul3A_67 = arith.muli %add3A_65, %mul3A_66 : i32
        %dma_wait3A = arith.constant 0 : i32
        %dma_wait3A_68 = tpu.memref_slice %arg2[%dma_wait3A, %mul3A_67] : memref<32x1000000xf32, #tpu.memory_space<hbm>> -> memref<32x128xf32, #tpu.memory_space<hbm>>
        %dma_wait3A_69 = arith.constant 0 : i32
        %dma_wait3A_70 = tpu.memref_slice %arg2[%dma_wait3A_69, %mul3A_67] : memref<32x1000000xf32, #tpu.memory_space<hbm>> -> memref<32x128xf32, #tpu.memory_space<hbm>>
        tpu.wait_dma2 semaphore(%arg9 : memref<!tpu.dma_semaphore, #tpu.memory_space<semaphore_mem>>) src(%dma_wait3A_70 : memref<32x128xf32, #tpu.memory_space<hbm>>) dst(%arg4 : memref<32x128xf32, #tpu.memory_space<vmem>>)
        %ge3A = arith.constant 2 : i32
        %ge3A_71 = arith.cmpi sge, %add3A_42, %ge3A : i32
        %convert_element_type3A_72 = arith.extui %ge3A_71 : i1 to i32
        %cond3A_73 = arith.constant 0 : i32
        %cond3A_74 = arith.cmpi ne, %convert_element_type3A_72, %cond3A_73 : i32
        scf.if %cond3A_74 {
          %sub3A = arith.constant 2 : i32
          %sub3A_95 = arith.subi %add3A_42, %sub3A : i32
          %mul3A_96 = arith.constant 32 : i32
          %mul3A_97 = arith.muli %sub3A_95, %mul3A_96 : i32
          %add3A_98 = arith.addi %add3A, %mul3A_97 : i32
          %mul3A_99 = arith.constant 128 : i32
          %mul3A_100 = arith.muli %add3A_98, %mul3A_99 : i32
          %mul3A_101 = arith.constant 32 : i32
          %mul3A_102 = arith.muli %mul3A_100, %mul3A_101 : i32
          %dma_wait3A_103 = tpu.memref_slice %arg3[%mul3A_102] : memref<32000000xf32, #tpu.memory_space<hbm>> -> memref<4096xf32, #tpu.memory_space<hbm>>
          %dma_wait3A_104 = tpu.memref_slice %arg3[%mul3A_102] : memref<32000000xf32, #tpu.memory_space<hbm>> -> memref<4096xf32, #tpu.memory_space<hbm>>
          tpu.wait_dma2 semaphore(%arg11 : memref<!tpu.dma_semaphore, #tpu.memory_space<semaphore_mem>>) src(%arg6 : memref<4096xf32, #tpu.memory_space<vmem>>) dst(%dma_wait3A_104 : memref<4096xf32, #tpu.memory_space<hbm>>)
        } else {
        }
        %parallel_loop3A = arith.constant 0 : i32
        %parallel_loop3A_75 = arith.constant 32 : i32
        %parallel_loop3A_76 = arith.constant 1 : i32
        scf.for %parallel_loop3A_95 = %parallel_loop3A to %parallel_loop3A_75 step %parallel_loop3A_76  : i32 {
          %parallel_loop3A_96 = vector.broadcast %parallel_loop3A_95 : i32 to vector<16xi32>
          %parallel_loop3A_97 = arith.addi %iota3A, %parallel_loop3A_96 : vector<16xi32>
          %parallel_loop3A_98 = arith.constant 31 : i32
          %parallel_loop3A_99 = vector.broadcast %parallel_loop3A_98 : i32 to vector<16xi32>
          %parallel_loop3A_100 = arith.andi %parallel_loop3A_97, %parallel_loop3A_99 : vector<16xi32>
          %parallel_loop3A_101 = arith.addi %parallel_loop3A_100, %mul3A_3 : vector<16xi32>
          %parallel_loop3A_102 = arith.constant 0 : i32
          %parallel_loop3A_103 = vector.broadcast %parallel_loop3A_102 : i32 to vector<16xi32>
          %parallel_loop3A_104 = arith.addi %iota3A, %parallel_loop3A_103 : vector<16xi32>
          %parallel_loop3A_105 = tpu.vector_load_idx %arg4[%parallel_loop3A_100, %parallel_loop3A_104] : memref<32x128xf32, #tpu.memory_space<vmem>>[vector<16xi32>, vector<16xi32>], vector<16xf32>,
          %parallel_loop3A_106 = arith.constant 0 : i32
          %parallel_loop3A_107 = vector.broadcast %parallel_loop3A_106 : i32 to vector<16xi32>
          %parallel_loop3A_108 = arith.addi %parallel_loop3A_101, %parallel_loop3A_107 : vector<16xi32>
          tpu.vector_store_idx %arg6[%parallel_loop3A_108], %parallel_loop3A_105 : memref<4096xf32, #tpu.memory_space<vmem>>[vector<16xi32>], vector<16xf32>,
          %parallel_loop3A_109 = arith.constant 16 : i32
          %parallel_loop3A_110 = vector.broadcast %parallel_loop3A_109 : i32 to vector<16xi32>
          %parallel_loop3A_111 = arith.addi %iota3A, %parallel_loop3A_110 : vector<16xi32>
          %parallel_loop3A_112 = tpu.vector_load_idx %arg4[%parallel_loop3A_100, %parallel_loop3A_111] : memref<32x128xf32, #tpu.memory_space<vmem>>[vector<16xi32>, vector<16xi32>], vector<16xf32>,
          %parallel_loop3A_113 = arith.constant 512 : i32
          %parallel_loop3A_114 = vector.broadcast %parallel_loop3A_113 : i32 to vector<16xi32>
          %parallel_loop3A_115 = arith.addi %parallel_loop3A_101, %parallel_loop3A_114 : vector<16xi32>
          tpu.vector_store_idx %arg6[%parallel_loop3A_115], %parallel_loop3A_112 : memref<4096xf32, #tpu.memory_space<vmem>>[vector<16xi32>], vector<16xf32>,
          %parallel_loop3A_116 = arith.constant 32 : i32
          %parallel_loop3A_117 = vector.broadcast %parallel_loop3A_116 : i32 to vector<16xi32>
          %parallel_loop3A_118 = arith.addi %iota3A, %parallel_loop3A_117 : vector<16xi32>
          %parallel_loop3A_119 = tpu.vector_load_idx %arg4[%parallel_loop3A_100, %parallel_loop3A_118] : memref<32x128xf32, #tpu.memory_space<vmem>>[vector<16xi32>, vector<16xi32>], vector<16xf32>,
          %parallel_loop3A_120 = arith.constant 1024 : i32
          %parallel_loop3A_121 = vector.broadcast %parallel_loop3A_120 : i32 to vector<16xi32>
          %parallel_loop3A_122 = arith.addi %parallel_loop3A_101, %parallel_loop3A_121 : vector<16xi32>
          tpu.vector_store_idx %arg6[%parallel_loop3A_122], %parallel_loop3A_119 : memref<4096xf32, #tpu.memory_space<vmem>>[vector<16xi32>], vector<16xf32>,
          %parallel_loop3A_123 = arith.constant 48 : i32
          %parallel_loop3A_124 = vector.broadcast %parallel_loop3A_123 : i32 to vector<16xi32>
          %parallel_loop3A_125 = arith.addi %iota3A, %parallel_loop3A_124 : vector<16xi32>
          %parallel_loop3A_126 = tpu.vector_load_idx %arg4[%parallel_loop3A_100, %parallel_loop3A_125] : memref<32x128xf32, #tpu.memory_space<vmem>>[vector<16xi32>, vector<16xi32>], vector<16xf32>,
          %parallel_loop3A_127 = arith.constant 1536 : i32
          %parallel_loop3A_128 = vector.broadcast %parallel_loop3A_127 : i32 to vector<16xi32>
          %parallel_loop3A_129 = arith.addi %parallel_loop3A_101, %parallel_loop3A_128 : vector<16xi32>
          tpu.vector_store_idx %arg6[%parallel_loop3A_129], %parallel_loop3A_126 : memref<4096xf32, #tpu.memory_space<vmem>>[vector<16xi32>], vector<16xf32>,
          %parallel_loop3A_130 = arith.constant 64 : i32
          %parallel_loop3A_131 = vector.broadcast %parallel_loop3A_130 : i32 to vector<16xi32>
          %parallel_loop3A_132 = arith.addi %iota3A, %parallel_loop3A_131 : vector<16xi32>
          %parallel_loop3A_133 = tpu.vector_load_idx %arg4[%parallel_loop3A_100, %parallel_loop3A_132] : memref<32x128xf32, #tpu.memory_space<vmem>>[vector<16xi32>, vector<16xi32>], vector<16xf32>,
          %parallel_loop3A_134 = arith.constant 2048 : i32
          %parallel_loop3A_135 = vector.broadcast %parallel_loop3A_134 : i32 to vector<16xi32>
          %parallel_loop3A_136 = arith.addi %parallel_loop3A_101, %parallel_loop3A_135 : vector<16xi32>
          tpu.vector_store_idx %arg6[%parallel_loop3A_136], %parallel_loop3A_133 : memref<4096xf32, #tpu.memory_space<vmem>>[vector<16xi32>], vector<16xf32>,
          %parallel_loop3A_137 = arith.constant 80 : i32
          %parallel_loop3A_138 = vector.broadcast %parallel_loop3A_137 : i32 to vector<16xi32>
          %parallel_loop3A_139 = arith.addi %iota3A, %parallel_loop3A_138 : vector<16xi32>
          %parallel_loop3A_140 = tpu.vector_load_idx %arg4[%parallel_loop3A_100, %parallel_loop3A_139] : memref<32x128xf32, #tpu.memory_space<vmem>>[vector<16xi32>, vector<16xi32>], vector<16xf32>,
          %parallel_loop3A_141 = arith.constant 2560 : i32
          %parallel_loop3A_142 = vector.broadcast %parallel_loop3A_141 : i32 to vector<16xi32>
          %parallel_loop3A_143 = arith.addi %parallel_loop3A_101, %parallel_loop3A_142 : vector<16xi32>
          tpu.vector_store_idx %arg6[%parallel_loop3A_143], %parallel_loop3A_140 : memref<4096xf32, #tpu.memory_space<vmem>>[vector<16xi32>], vector<16xf32>,
          %parallel_loop3A_144 = arith.constant 96 : i32
          %parallel_loop3A_145 = vector.broadcast %parallel_loop3A_144 : i32 to vector<16xi32>
          %parallel_loop3A_146 = arith.addi %iota3A, %parallel_loop3A_145 : vector<16xi32>
          %parallel_loop3A_147 = tpu.vector_load_idx %arg4[%parallel_loop3A_100, %parallel_loop3A_146] : memref<32x128xf32, #tpu.memory_space<vmem>>[vector<16xi32>, vector<16xi32>], vector<16xf32>,
          %parallel_loop3A_148 = arith.constant 3072 : i32
          %parallel_loop3A_149 = vector.broadcast %parallel_loop3A_148 : i32 to vector<16xi32>
          %parallel_loop3A_150 = arith.addi %parallel_loop3A_101, %parallel_loop3A_149 : vector<16xi32>
          tpu.vector_store_idx %arg6[%parallel_loop3A_150], %parallel_loop3A_147 : memref<4096xf32, #tpu.memory_space<vmem>>[vector<16xi32>], vector<16xf32>,
          %parallel_loop3A_151 = arith.constant 112 : i32
          %parallel_loop3A_152 = vector.broadcast %parallel_loop3A_151 : i32 to vector<16xi32>
          %parallel_loop3A_153 = arith.addi %iota3A, %parallel_loop3A_152 : vector<16xi32>
          %parallel_loop3A_154 = tpu.vector_load_idx %arg4[%parallel_loop3A_100, %parallel_loop3A_153] : memref<32x128xf32, #tpu.memory_space<vmem>>[vector<16xi32>, vector<16xi32>], vector<16xf32>,
          %parallel_loop3A_155 = arith.constant 3584 : i32
          %parallel_loop3A_156 = vector.broadcast %parallel_loop3A_155 : i32 to vector<16xi32>
          %parallel_loop3A_157 = arith.addi %parallel_loop3A_101, %parallel_loop3A_156 : vector<16xi32>
          tpu.vector_store_idx %arg6[%parallel_loop3A_157], %parallel_loop3A_154 : memref<4096xf32, #tpu.memory_space<vmem>>[vector<16xi32>], vector<16xf32>,
        } {sc.loop_unroll_factor = 8 : i64, sc.parallel_access}
        %mul3A_77 = arith.constant 32 : i32
        %mul3A_78 = arith.muli %add3A_42, %mul3A_77 : i32
        %add3A_79 = arith.addi %add3A, %mul3A_78 : i32
        %mul3A_80 = arith.constant 128 : i32
        %mul3A_81 = arith.muli %add3A_79, %mul3A_80 : i32
        %mul3A_82 = arith.constant 32 : i32
        %mul3A_83 = arith.muli %mul3A_81, %mul3A_82 : i32
        %dma_start3A = tpu.memref_slice %arg3[%mul3A_83] : memref<32000000xf32, #tpu.memory_space<hbm>> -> memref<4096xf32, #tpu.memory_space<hbm>>
        %dma_start3A_84 = tpu.memref_slice %arg3[%mul3A_83] : memref<32000000xf32, #tpu.memory_space<hbm>> -> memref<4096xf32, #tpu.memory_space<hbm>>
        tpu.enqueue_dma source(%arg6 : memref<4096xf32, #tpu.memory_space<vmem>>) target(%dma_start3A_84 : memref<4096xf32, #tpu.memory_space<hbm>>) target_semaphore(%arg11 : memref<!tpu.dma_semaphore, #tpu.memory_space<semaphore_mem>>)
        %add3A_85 = arith.constant 2 : i32
        %add3A_86 = arith.addi %add3A_42, %add3A_85 : i32
        %mul3A_87 = arith.constant 32 : i32
        %mul3A_88 = arith.muli %add3A_86, %mul3A_87 : i32
        %add3A_89 = arith.addi %add3A, %mul3A_88 : i32
        %lt3A_90 = arith.constant 7812 : i32
        %lt3A_91 = arith.cmpi slt, %add3A_89, %lt3A_90 : i32
        %convert_element_type3A_92 = arith.extui %lt3A_91 : i1 to i32
        %cond3A_93 = arith.constant 0 : i32
        %cond3A_94 = arith.cmpi ne, %convert_element_type3A_92, %cond3A_93 : i32
        scf.if %cond3A_94 {
          %add3A_95 = arith.constant 2 : i32
          %add3A_96 = arith.addi %add3A_42, %add3A_95 : i32
          %mul3A_97 = arith.constant 32 : i32
          %mul3A_98 = arith.muli %add3A_96, %mul3A_97 : i32
          %add3A_99 = arith.addi %add3A, %mul3A_98 : i32
          %mul3A_100 = arith.constant 128 : i32
          %mul3A_101 = arith.muli %add3A_99, %mul3A_100 : i32
          %dma_start3A_102 = arith.constant 0 : i32
          %dma_start3A_103 = tpu.memref_slice %arg2[%dma_start3A_102, %mul3A_101] : memref<32x1000000xf32, #tpu.memory_space<hbm>> -> memref<32x128xf32, #tpu.memory_space<hbm>>
          %dma_start3A_104 = arith.constant 0 : i32
          %dma_start3A_105 = tpu.memref_slice %arg2[%dma_start3A_104, %mul3A_101] : memref<32x1000000xf32, #tpu.memory_space<hbm>> -> memref<32x128xf32, #tpu.memory_space<hbm>>
          tpu.enqueue_dma source(%dma_start3A_105 : memref<32x128xf32, #tpu.memory_space<hbm>>) target(%arg4 : memref<32x128xf32, #tpu.memory_space<vmem>>) target_semaphore(%arg9 : memref<!tpu.dma_semaphore, #tpu.memory_space<semaphore_mem>>)
        } else {
        }
      } else {
      }
      %mul3A_51 = arith.constant 2 : i32
      %mul3A_52 = arith.muli %mul3A_51, %scan3A_38 : i32
      %add3A_53 = arith.constant 1 : i32
      %add3A_54 = arith.addi %mul3A_52, %add3A_53 : i32
      %mul3A_55 = arith.constant 32 : i32
      %mul3A_56 = arith.muli %add3A_54, %mul3A_55 : i32
      %add3A_57 = arith.addi %add3A, %mul3A_56 : i32
      %lt3A_58 = arith.constant 7812 : i32
      %lt3A_59 = arith.cmpi slt, %add3A_57, %lt3A_58 : i32
      %convert_element_type3A_60 = arith.extui %lt3A_59 : i1 to i32
      %cond3A_61 = arith.constant 0 : i32
      %cond3A_62 = arith.cmpi ne, %convert_element_type3A_60, %cond3A_61 : i32
      scf.if %cond3A_62 {
        %mul3A_63 = arith.constant 32 : i32
        %mul3A_64 = arith.muli %add3A_54, %mul3A_63 : i32
        %add3A_65 = arith.addi %add3A, %mul3A_64 : i32
        %mul3A_66 = arith.constant 128 : i32
        %mul3A_67 = arith.muli %add3A_65, %mul3A_66 : i32
        %dma_wait3A = arith.constant 0 : i32
        %dma_wait3A_68 = tpu.memref_slice %arg2[%dma_wait3A, %mul3A_67] : memref<32x1000000xf32, #tpu.memory_space<hbm>> -> memref<32x128xf32, #tpu.memory_space<hbm>>
        %dma_wait3A_69 = arith.constant 0 : i32
        %dma_wait3A_70 = tpu.memref_slice %arg2[%dma_wait3A_69, %mul3A_67] : memref<32x1000000xf32, #tpu.memory_space<hbm>> -> memref<32x128xf32, #tpu.memory_space<hbm>>
        tpu.wait_dma2 semaphore(%arg10 : memref<!tpu.dma_semaphore, #tpu.memory_space<semaphore_mem>>) src(%dma_wait3A_70 : memref<32x128xf32, #tpu.memory_space<hbm>>) dst(%arg5 : memref<32x128xf32, #tpu.memory_space<vmem>>)
        %ge3A = arith.constant 2 : i32
        %ge3A_71 = arith.cmpi sge, %add3A_54, %ge3A : i32
        %convert_element_type3A_72 = arith.extui %ge3A_71 : i1 to i32
        %cond3A_73 = arith.constant 0 : i32
        %cond3A_74 = arith.cmpi ne, %convert_element_type3A_72, %cond3A_73 : i32
        scf.if %cond3A_74 {
          %sub3A = arith.constant 2 : i32
          %sub3A_95 = arith.subi %add3A_54, %sub3A : i32
          %mul3A_96 = arith.constant 32 : i32
          %mul3A_97 = arith.muli %sub3A_95, %mul3A_96 : i32
          %add3A_98 = arith.addi %add3A, %mul3A_97 : i32
          %mul3A_99 = arith.constant 128 : i32
          %mul3A_100 = arith.muli %add3A_98, %mul3A_99 : i32
          %mul3A_101 = arith.constant 32 : i32
          %mul3A_102 = arith.muli %mul3A_100, %mul3A_101 : i32
          %dma_wait3A_103 = tpu.memref_slice %arg3[%mul3A_102] : memref<32000000xf32, #tpu.memory_space<hbm>> -> memref<4096xf32, #tpu.memory_space<hbm>>
          %dma_wait3A_104 = tpu.memref_slice %arg3[%mul3A_102] : memref<32000000xf32, #tpu.memory_space<hbm>> -> memref<4096xf32, #tpu.memory_space<hbm>>
          tpu.wait_dma2 semaphore(%arg12 : memref<!tpu.dma_semaphore, #tpu.memory_space<semaphore_mem>>) src(%arg7 : memref<4096xf32, #tpu.memory_space<vmem>>) dst(%dma_wait3A_104 : memref<4096xf32, #tpu.memory_space<hbm>>)
        } else {
        }
        %parallel_loop3A = arith.constant 0 : i32
        %parallel_loop3A_75 = arith.constant 32 : i32
        %parallel_loop3A_76 = arith.constant 1 : i32
        scf.for %parallel_loop3A_95 = %parallel_loop3A to %parallel_loop3A_75 step %parallel_loop3A_76  : i32 {
          %parallel_loop3A_96 = vector.broadcast %parallel_loop3A_95 : i32 to vector<16xi32>
          %parallel_loop3A_97 = arith.addi %iota3A, %parallel_loop3A_96 : vector<16xi32>
          %parallel_loop3A_98 = arith.constant 31 : i32
          %parallel_loop3A_99 = vector.broadcast %parallel_loop3A_98 : i32 to vector<16xi32>
          %parallel_loop3A_100 = arith.andi %parallel_loop3A_97, %parallel_loop3A_99 : vector<16xi32>
          %parallel_loop3A_101 = arith.addi %parallel_loop3A_100, %mul3A_3 : vector<16xi32>
          %parallel_loop3A_102 = arith.constant 0 : i32
          %parallel_loop3A_103 = vector.broadcast %parallel_loop3A_102 : i32 to vector<16xi32>
          %parallel_loop3A_104 = arith.addi %iota3A, %parallel_loop3A_103 : vector<16xi32>
          %parallel_loop3A_105 = tpu.vector_load_idx %arg5[%parallel_loop3A_100, %parallel_loop3A_104] : memref<32x128xf32, #tpu.memory_space<vmem>>[vector<16xi32>, vector<16xi32>], vector<16xf32>,
          %parallel_loop3A_106 = arith.constant 0 : i32
          %parallel_loop3A_107 = vector.broadcast %parallel_loop3A_106 : i32 to vector<16xi32>
          %parallel_loop3A_108 = arith.addi %parallel_loop3A_101, %parallel_loop3A_107 : vector<16xi32>
          tpu.vector_store_idx %arg7[%parallel_loop3A_108], %parallel_loop3A_105 : memref<4096xf32, #tpu.memory_space<vmem>>[vector<16xi32>], vector<16xf32>,
          %parallel_loop3A_109 = arith.constant 16 : i32
          %parallel_loop3A_110 = vector.broadcast %parallel_loop3A_109 : i32 to vector<16xi32>
          %parallel_loop3A_111 = arith.addi %iota3A, %parallel_loop3A_110 : vector<16xi32>
          %parallel_loop3A_112 = tpu.vector_load_idx %arg5[%parallel_loop3A_100, %parallel_loop3A_111] : memref<32x128xf32, #tpu.memory_space<vmem>>[vector<16xi32>, vector<16xi32>], vector<16xf32>,
          %parallel_loop3A_113 = arith.constant 512 : i32
          %parallel_loop3A_114 = vector.broadcast %parallel_loop3A_113 : i32 to vector<16xi32>
          %parallel_loop3A_115 = arith.addi %parallel_loop3A_101, %parallel_loop3A_114 : vector<16xi32>
          tpu.vector_store_idx %arg7[%parallel_loop3A_115], %parallel_loop3A_112 : memref<4096xf32, #tpu.memory_space<vmem>>[vector<16xi32>], vector<16xf32>,
          %parallel_loop3A_116 = arith.constant 32 : i32
          %parallel_loop3A_117 = vector.broadcast %parallel_loop3A_116 : i32 to vector<16xi32>
          %parallel_loop3A_118 = arith.addi %iota3A, %parallel_loop3A_117 : vector<16xi32>
          %parallel_loop3A_119 = tpu.vector_load_idx %arg5[%parallel_loop3A_100, %parallel_loop3A_118] : memref<32x128xf32, #tpu.memory_space<vmem>>[vector<16xi32>, vector<16xi32>], vector<16xf32>,
          %parallel_loop3A_120 = arith.constant 1024 : i32
          %parallel_loop3A_121 = vector.broadcast %parallel_loop3A_120 : i32 to vector<16xi32>
          %parallel_loop3A_122 = arith.addi %parallel_loop3A_101, %parallel_loop3A_121 : vector<16xi32>
          tpu.vector_store_idx %arg7[%parallel_loop3A_122], %parallel_loop3A_119 : memref<4096xf32, #tpu.memory_space<vmem>>[vector<16xi32>], vector<16xf32>,
          %parallel_loop3A_123 = arith.constant 48 : i32
          %parallel_loop3A_124 = vector.broadcast %parallel_loop3A_123 : i32 to vector<16xi32>
          %parallel_loop3A_125 = arith.addi %iota3A, %parallel_loop3A_124 : vector<16xi32>
          %parallel_loop3A_126 = tpu.vector_load_idx %arg5[%parallel_loop3A_100, %parallel_loop3A_125] : memref<32x128xf32, #tpu.memory_space<vmem>>[vector<16xi32>, vector<16xi32>], vector<16xf32>,
          %parallel_loop3A_127 = arith.constant 1536 : i32
          %parallel_loop3A_128 = vector.broadcast %parallel_loop3A_127 : i32 to vector<16xi32>
          %parallel_loop3A_129 = arith.addi %parallel_loop3A_101, %parallel_loop3A_128 : vector<16xi32>
          tpu.vector_store_idx %arg7[%parallel_loop3A_129], %parallel_loop3A_126 : memref<4096xf32, #tpu.memory_space<vmem>>[vector<16xi32>], vector<16xf32>,
          %parallel_loop3A_130 = arith.constant 64 : i32
          %parallel_loop3A_131 = vector.broadcast %parallel_loop3A_130 : i32 to vector<16xi32>
          %parallel_loop3A_132 = arith.addi %iota3A, %parallel_loop3A_131 : vector<16xi32>
          %parallel_loop3A_133 = tpu.vector_load_idx %arg5[%parallel_loop3A_100, %parallel_loop3A_132] : memref<32x128xf32, #tpu.memory_space<vmem>>[vector<16xi32>, vector<16xi32>], vector<16xf32>,
          %parallel_loop3A_134 = arith.constant 2048 : i32
          %parallel_loop3A_135 = vector.broadcast %parallel_loop3A_134 : i32 to vector<16xi32>
          %parallel_loop3A_136 = arith.addi %parallel_loop3A_101, %parallel_loop3A_135 : vector<16xi32>
          tpu.vector_store_idx %arg7[%parallel_loop3A_136], %parallel_loop3A_133 : memref<4096xf32, #tpu.memory_space<vmem>>[vector<16xi32>], vector<16xf32>,
          %parallel_loop3A_137 = arith.constant 80 : i32
          %parallel_loop3A_138 = vector.broadcast %parallel_loop3A_137 : i32 to vector<16xi32>
          %parallel_loop3A_139 = arith.addi %iota3A, %parallel_loop3A_138 : vector<16xi32>
          %parallel_loop3A_140 = tpu.vector_load_idx %arg5[%parallel_loop3A_100, %parallel_loop3A_139] : memref<32x128xf32, #tpu.memory_space<vmem>>[vector<16xi32>, vector<16xi32>], vector<16xf32>,
          %parallel_loop3A_141 = arith.constant 2560 : i32
          %parallel_loop3A_142 = vector.broadcast %parallel_loop3A_141 : i32 to vector<16xi32>
          %parallel_loop3A_143 = arith.addi %parallel_loop3A_101, %parallel_loop3A_142 : vector<16xi32>
          tpu.vector_store_idx %arg7[%parallel_loop3A_143], %parallel_loop3A_140 : memref<4096xf32, #tpu.memory_space<vmem>>[vector<16xi32>], vector<16xf32>,
          %parallel_loop3A_144 = arith.constant 96 : i32
          %parallel_loop3A_145 = vector.broadcast %parallel_loop3A_144 : i32 to vector<16xi32>
          %parallel_loop3A_146 = arith.addi %iota3A, %parallel_loop3A_145 : vector<16xi32>
          %parallel_loop3A_147 = tpu.vector_load_idx %arg5[%parallel_loop3A_100, %parallel_loop3A_146] : memref<32x128xf32, #tpu.memory_space<vmem>>[vector<16xi32>, vector<16xi32>], vector<16xf32>,
          %parallel_loop3A_148 = arith.constant 3072 : i32
          %parallel_loop3A_149 = vector.broadcast %parallel_loop3A_148 : i32 to vector<16xi32>
          %parallel_loop3A_150 = arith.addi %parallel_loop3A_101, %parallel_loop3A_149 : vector<16xi32>
          tpu.vector_store_idx %arg7[%parallel_loop3A_150], %parallel_loop3A_147 : memref<4096xf32, #tpu.memory_space<vmem>>[vector<16xi32>], vector<16xf32>,
          %parallel_loop3A_151 = arith.constant 112 : i32
          %parallel_loop3A_152 = vector.broadcast %parallel_loop3A_151 : i32 to vector<16xi32>
          %parallel_loop3A_153 = arith.addi %iota3A, %parallel_loop3A_152 : vector<16xi32>
          %parallel_loop3A_154 = tpu.vector_load_idx %arg5[%parallel_loop3A_100, %parallel_loop3A_153] : memref<32x128xf32, #tpu.memory_space<vmem>>[vector<16xi32>, vector<16xi32>], vector<16xf32>,
          %parallel_loop3A_155 = arith.constant 3584 : i32
          %parallel_loop3A_156 = vector.broadcast %parallel_loop3A_155 : i32 to vector<16xi32>
          %parallel_loop3A_157 = arith.addi %parallel_loop3A_101, %parallel_loop3A_156 : vector<16xi32>
          tpu.vector_store_idx %arg7[%parallel_loop3A_157], %parallel_loop3A_154 : memref<4096xf32, #tpu.memory_space<vmem>>[vector<16xi32>], vector<16xf32>,
        } {sc.loop_unroll_factor = 8 : i64, sc.parallel_access}
        %mul3A_77 = arith.constant 32 : i32
        %mul3A_78 = arith.muli %add3A_54, %mul3A_77 : i32
        %add3A_79 = arith.addi %add3A, %mul3A_78 : i32
        %mul3A_80 = arith.constant 128 : i32
        %mul3A_81 = arith.muli %add3A_79, %mul3A_80 : i32
        %mul3A_82 = arith.constant 32 : i32
        %mul3A_83 = arith.muli %mul3A_81, %mul3A_82 : i32
        %dma_start3A = tpu.memref_slice %arg3[%mul3A_83] : memref<32000000xf32, #tpu.memory_space<hbm>> -> memref<4096xf32, #tpu.memory_space<hbm>>
        %dma_start3A_84 = tpu.memref_slice %arg3[%mul3A_83] : memref<32000000xf32, #tpu.memory_space<hbm>> -> memref<4096xf32, #tpu.memory_space<hbm>>
        tpu.enqueue_dma source(%arg7 : memref<4096xf32, #tpu.memory_space<vmem>>) target(%dma_start3A_84 : memref<4096xf32, #tpu.memory_space<hbm>>) target_semaphore(%arg12 : memref<!tpu.dma_semaphore, #tpu.memory_space<semaphore_mem>>)
        %add3A_85 = arith.constant 2 : i32
        %add3A_86 = arith.addi %add3A_54, %add3A_85 : i32
        %mul3A_87 = arith.constant 32 : i32
        %mul3A_88 = arith.muli %add3A_86, %mul3A_87 : i32
        %add3A_89 = arith.addi %add3A, %mul3A_88 : i32
        %lt3A_90 = arith.constant 7812 : i32
        %lt3A_91 = arith.cmpi slt, %add3A_89, %lt3A_90 : i32
        %convert_element_type3A_92 = arith.extui %lt3A_91 : i1 to i32
        %cond3A_93 = arith.constant 0 : i32
        %cond3A_94 = arith.cmpi ne, %convert_element_type3A_92, %cond3A_93 : i32
        scf.if %cond3A_94 {
          %add3A_95 = arith.constant 2 : i32
          %add3A_96 = arith.addi %add3A_54, %add3A_95 : i32
          %mul3A_97 = arith.constant 32 : i32
          %mul3A_98 = arith.muli %add3A_96, %mul3A_97 : i32
          %add3A_99 = arith.addi %add3A, %mul3A_98 : i32
          %mul3A_100 = arith.constant 128 : i32
          %mul3A_101 = arith.muli %add3A_99, %mul3A_100 : i32
          %dma_start3A_102 = arith.constant 0 : i32
          %dma_start3A_103 = tpu.memref_slice %arg2[%dma_start3A_102, %mul3A_101] : memref<32x1000000xf32, #tpu.memory_space<hbm>> -> memref<32x128xf32, #tpu.memory_space<hbm>>
          %dma_start3A_104 = arith.constant 0 : i32
          %dma_start3A_105 = tpu.memref_slice %arg2[%dma_start3A_104, %mul3A_101] : memref<32x1000000xf32, #tpu.memory_space<hbm>> -> memref<32x128xf32, #tpu.memory_space<hbm>>
          tpu.enqueue_dma source(%dma_start3A_105 : memref<32x128xf32, #tpu.memory_space<hbm>>) target(%arg5 : memref<32x128xf32, #tpu.memory_space<vmem>>) target_semaphore(%arg10 : memref<!tpu.dma_semaphore, #tpu.memory_space<semaphore_mem>>)
        } else {
        }
      } else {
      }
    }
    %scan3A_19 = arith.constant 123 : i32
    %add3A_20 = arith.constant 0 : i32
    %add3A_21 = arith.addi %add3A, %add3A_20 : i32
    %lt3A_22 = arith.constant 7812 : i32
    %lt3A_23 = arith.cmpi slt, %add3A_21, %lt3A_22 : i32
    %convert_element_type3A_24 = arith.extui %lt3A_23 : i1 to i32
    %cond3A_25 = arith.constant 0 : i32
    %cond3A_26 = arith.cmpi ne, %convert_element_type3A_24, %cond3A_25 : i32
    scf.if %cond3A_26 {
      %add3A_38 = arith.constant 0 : i32
      %add3A_39 = arith.addi %add3A, %add3A_38 : i32
      %mul3A_40 = arith.constant 128 : i32
      %mul3A_41 = arith.muli %add3A_39, %mul3A_40 : i32
      %mul3A_42 = arith.constant 32 : i32
      %mul3A_43 = arith.muli %mul3A_41, %mul3A_42 : i32
      %dma_wait3A = tpu.memref_slice %arg3[%mul3A_43] : memref<32000000xf32, #tpu.memory_space<hbm>> -> memref<4096xf32, #tpu.memory_space<hbm>>
      %dma_wait3A_44 = tpu.memref_slice %arg3[%mul3A_43] : memref<32000000xf32, #tpu.memory_space<hbm>> -> memref<4096xf32, #tpu.memory_space<hbm>>
      tpu.wait_dma2 semaphore(%arg11 : memref<!tpu.dma_semaphore, #tpu.memory_space<semaphore_mem>>) src(%arg6 : memref<4096xf32, #tpu.memory_space<vmem>>) dst(%dma_wait3A_44 : memref<4096xf32, #tpu.memory_space<hbm>>)
    } else {
    }
    %add3A_27 = arith.constant 32 : i32
    %add3A_28 = arith.addi %add3A, %add3A_27 : i32
    %lt3A_29 = arith.constant 7812 : i32
    %lt3A_30 = arith.cmpi slt, %add3A_28, %lt3A_29 : i32
    %convert_element_type3A_31 = arith.extui %lt3A_30 : i1 to i32
    %cond3A_32 = arith.constant 0 : i32
    %cond3A_33 = arith.cmpi ne, %convert_element_type3A_31, %cond3A_32 : i32
    scf.if %cond3A_33 {
      %add3A_38 = arith.constant 32 : i32
      %add3A_39 = arith.addi %add3A, %add3A_38 : i32
      %mul3A_40 = arith.constant 128 : i32
      %mul3A_41 = arith.muli %add3A_39, %mul3A_40 : i32
      %mul3A_42 = arith.constant 32 : i32
      %mul3A_43 = arith.muli %mul3A_41, %mul3A_42 : i32
      %dma_wait3A = tpu.memref_slice %arg3[%mul3A_43] : memref<32000000xf32, #tpu.memory_space<hbm>> -> memref<4096xf32, #tpu.memory_space<hbm>>
      %dma_wait3A_44 = tpu.memref_slice %arg3[%mul3A_43] : memref<32000000xf32, #tpu.memory_space<hbm>> -> memref<4096xf32, #tpu.memory_space<hbm>>
      tpu.wait_dma2 semaphore(%arg12 : memref<!tpu.dma_semaphore, #tpu.memory_space<semaphore_mem>>) src(%arg7 : memref<4096xf32, #tpu.memory_space<vmem>>) dst(%dma_wait3A_44 : memref<4096xf32, #tpu.memory_space<hbm>>)
    } else {
    }
    %eq3A = arith.constant 31 : i32
    %eq3A_34 = arith.cmpi eq, %add3A, %eq3A : i32
    %convert_element_type3A_35 = arith.extui %eq3A_34 : i1 to i32
    %cond3A_36 = arith.constant 0 : i32
    %cond3A_37 = arith.cmpi ne, %convert_element_type3A_35, %cond3A_36 : i32
    scf.if %cond3A_37 {
      "tpu.region"() ({
        %run_scoped3A = tpu.sem_alloc : memref<!tpu.dma_semaphore, #tpu.memory_space<semaphore_mem>>
        %dma_start3A = arith.constant 0 : i32
        %dma_start3A_40 = arith.constant 999936 : i32
        %dma_start3A_41 = tpu.memref_slice %arg2[%dma_start3A, %dma_start3A_40] : memref<32x1000000xf32, #tpu.memory_space<hbm>> -> memref<32x64xf32, #tpu.memory_space<hbm>>
        %dma_start3A_42 = arith.constant 0 : i32
        %dma_start3A_43 = arith.constant 999936 : i32
        %dma_start3A_44 = tpu.memref_slice %arg2[%dma_start3A_42, %dma_start3A_43] : memref<32x1000000xf32, #tpu.memory_space<hbm>> -> memref<32x64xf32, #tpu.memory_space<hbm>>
        tpu.enqueue_dma source(%dma_start3A_44 : memref<32x64xf32, #tpu.memory_space<hbm>>) target(%arg8 : memref<32x64xf32, #tpu.memory_space<vmem>>) target_semaphore(%run_scoped3A : memref<!tpu.dma_semaphore, #tpu.memory_space<semaphore_mem>>)
        %dma_wait3A = arith.constant 0 : i32
        %dma_wait3A_45 = arith.constant 999936 : i32
        %dma_wait3A_46 = tpu.memref_slice %arg2[%dma_wait3A, %dma_wait3A_45] : memref<32x1000000xf32, #tpu.memory_space<hbm>> -> memref<32x64xf32, #tpu.memory_space<hbm>>
        %dma_wait3A_47 = arith.constant 0 : i32
        %dma_wait3A_48 = arith.constant 999936 : i32
        %dma_wait3A_49 = tpu.memref_slice %arg2[%dma_wait3A_47, %dma_wait3A_48] : memref<32x1000000xf32, #tpu.memory_space<hbm>> -> memref<32x64xf32, #tpu.memory_space<hbm>>
        tpu.wait_dma2 semaphore(%run_scoped3A : memref<!tpu.dma_semaphore, #tpu.memory_space<semaphore_mem>>) src(%dma_wait3A_49 : memref<32x64xf32, #tpu.memory_space<hbm>>) dst(%arg8 : memref<32x64xf32, #tpu.memory_space<vmem>>)
        tpu.yield
      }) : () -> ()
      %parallel_loop3A = arith.constant 0 : i32
      %parallel_loop3A_38 = arith.constant 32 : i32
      %parallel_loop3A_39 = arith.constant 1 : i32
      scf.for %parallel_loop3A_40 = %parallel_loop3A to %parallel_loop3A_38 step %parallel_loop3A_39  : i32 {
        %parallel_loop3A_41 = vector.broadcast %parallel_loop3A_40 : i32 to vector<16xi32>
        %parallel_loop3A_42 = arith.addi %iota3A, %parallel_loop3A_41 : vector<16xi32>
        %parallel_loop3A_43 = arith.constant 31 : i32
        %parallel_loop3A_44 = vector.broadcast %parallel_loop3A_43 : i32 to vector<16xi32>
        %parallel_loop3A_45 = arith.andi %parallel_loop3A_42, %parallel_loop3A_44 : vector<16xi32>
        %parallel_loop3A_46 = arith.addi %parallel_loop3A_45, %mul3A_3 : vector<16xi32>
        %parallel_loop3A_47 = arith.constant 0 : i32
        %parallel_loop3A_48 = vector.broadcast %parallel_loop3A_47 : i32 to vector<16xi32>
        %parallel_loop3A_49 = arith.addi %iota3A, %parallel_loop3A_48 : vector<16xi32>
        %parallel_loop3A_50 = tpu.vector_load_idx %arg8[%parallel_loop3A_45, %parallel_loop3A_49] : memref<32x64xf32, #tpu.memory_space<vmem>>[vector<16xi32>, vector<16xi32>], vector<16xf32>,
        %parallel_loop3A_51 = arith.constant 0 : i32
        %parallel_loop3A_52 = vector.broadcast %parallel_loop3A_51 : i32 to vector<16xi32>
        %parallel_loop3A_53 = arith.addi %parallel_loop3A_46, %parallel_loop3A_52 : vector<16xi32>
        tpu.vector_store_idx %arg6[%parallel_loop3A_53], %parallel_loop3A_50 : memref<4096xf32, #tpu.memory_space<vmem>>[vector<16xi32>], vector<16xf32>,
        %parallel_loop3A_54 = arith.constant 16 : i32
        %parallel_loop3A_55 = vector.broadcast %parallel_loop3A_54 : i32 to vector<16xi32>
        %parallel_loop3A_56 = arith.addi %iota3A, %parallel_loop3A_55 : vector<16xi32>
        %parallel_loop3A_57 = tpu.vector_load_idx %arg8[%parallel_loop3A_45, %parallel_loop3A_56] : memref<32x64xf32, #tpu.memory_space<vmem>>[vector<16xi32>, vector<16xi32>], vector<16xf32>,
        %parallel_loop3A_58 = arith.constant 512 : i32
        %parallel_loop3A_59 = vector.broadcast %parallel_loop3A_58 : i32 to vector<16xi32>
        %parallel_loop3A_60 = arith.addi %parallel_loop3A_46, %parallel_loop3A_59 : vector<16xi32>
        tpu.vector_store_idx %arg6[%parallel_loop3A_60], %parallel_loop3A_57 : memref<4096xf32, #tpu.memory_space<vmem>>[vector<16xi32>], vector<16xf32>,
        %parallel_loop3A_61 = arith.constant 32 : i32
        %parallel_loop3A_62 = vector.broadcast %parallel_loop3A_61 : i32 to vector<16xi32>
        %parallel_loop3A_63 = arith.addi %iota3A, %parallel_loop3A_62 : vector<16xi32>
        %parallel_loop3A_64 = tpu.vector_load_idx %arg8[%parallel_loop3A_45, %parallel_loop3A_63] : memref<32x64xf32, #tpu.memory_space<vmem>>[vector<16xi32>, vector<16xi32>], vector<16xf32>,
        %parallel_loop3A_65 = arith.constant 1024 : i32
        %parallel_loop3A_66 = vector.broadcast %parallel_loop3A_65 : i32 to vector<16xi32>
        %parallel_loop3A_67 = arith.addi %parallel_loop3A_46, %parallel_loop3A_66 : vector<16xi32>
        tpu.vector_store_idx %arg6[%parallel_loop3A_67], %parallel_loop3A_64 : memref<4096xf32, #tpu.memory_space<vmem>>[vector<16xi32>], vector<16xf32>,
        %parallel_loop3A_68 = arith.constant 48 : i32
        %parallel_loop3A_69 = vector.broadcast %parallel_loop3A_68 : i32 to vector<16xi32>
        %parallel_loop3A_70 = arith.addi %iota3A, %parallel_loop3A_69 : vector<16xi32>
        %parallel_loop3A_71 = tpu.vector_load_idx %arg8[%parallel_loop3A_45, %parallel_loop3A_70] : memref<32x64xf32, #tpu.memory_space<vmem>>[vector<16xi32>, vector<16xi32>], vector<16xf32>,
        %parallel_loop3A_72 = arith.constant 1536 : i32
        %parallel_loop3A_73 = vector.broadcast %parallel_loop3A_72 : i32 to vector<16xi32>
        %parallel_loop3A_74 = arith.addi %parallel_loop3A_46, %parallel_loop3A_73 : vector<16xi32>
        tpu.vector_store_idx %arg6[%parallel_loop3A_74], %parallel_loop3A_71 : memref<4096xf32, #tpu.memory_space<vmem>>[vector<16xi32>], vector<16xf32>,
      } {sc.loop_unroll_factor = 8 : i64, sc.parallel_access}
      "tpu.region"() ({
        %run_scoped3A = tpu.sem_alloc : memref<!tpu.dma_semaphore, #tpu.memory_space<semaphore_mem>>
        %dma_start3A = arith.constant 0 : i32
        %dma_start3A_40 = tpu.memref_slice %arg6[%dma_start3A] : memref<4096xf32, #tpu.memory_space<vmem>> -> memref<2048xf32, #tpu.memory_space<vmem>>
        %dma_start3A_41 = arith.constant 31997952 : i32
        %dma_start3A_42 = tpu.memref_slice %arg3[%dma_start3A_41] : memref<32000000xf32, #tpu.memory_space<hbm>> -> memref<2048xf32, #tpu.memory_space<hbm>>
        %dma_start3A_43 = arith.constant 31997952 : i32
        %dma_start3A_44 = tpu.memref_slice %arg3[%dma_start3A_43] : memref<32000000xf32, #tpu.memory_space<hbm>> -> memref<2048xf32, #tpu.memory_space<hbm>>
        %dma_start3A_45 = arith.constant 0 : i32
        %dma_start3A_46 = tpu.memref_slice %arg6[%dma_start3A_45] : memref<4096xf32, #tpu.memory_space<vmem>> -> memref<2048xf32, #tpu.memory_space<vmem>>
        tpu.enqueue_dma source(%dma_start3A_46 : memref<2048xf32, #tpu.memory_space<vmem>>) target(%dma_start3A_44 : memref<2048xf32, #tpu.memory_space<hbm>>) target_semaphore(%run_scoped3A : memref<!tpu.dma_semaphore, #tpu.memory_space<semaphore_mem>>)
        %dma_wait3A = arith.constant 0 : i32
        %dma_wait3A_47 = tpu.memref_slice %arg6[%dma_wait3A] : memref<4096xf32, #tpu.memory_space<vmem>> -> memref<2048xf32, #tpu.memory_space<vmem>>
        %dma_wait3A_48 = arith.constant 31997952 : i32
        %dma_wait3A_49 = tpu.memref_slice %arg3[%dma_wait3A_48] : memref<32000000xf32, #tpu.memory_space<hbm>> -> memref<2048xf32, #tpu.memory_space<hbm>>
        %dma_wait3A_50 = arith.constant 31997952 : i32
        %dma_wait3A_51 = tpu.memref_slice %arg3[%dma_wait3A_50] : memref<32000000xf32, #tpu.memory_space<hbm>> -> memref<2048xf32, #tpu.memory_space<hbm>>
        %dma_wait3A_52 = arith.constant 0 : i32
        %dma_wait3A_53 = tpu.memref_slice %arg6[%dma_wait3A_52] : memref<4096xf32, #tpu.memory_space<vmem>> -> memref<2048xf32, #tpu.memory_space<vmem>>
        tpu.wait_dma2 semaphore(%run_scoped3A : memref<!tpu.dma_semaphore, #tpu.memory_space<semaphore_mem>>) src(%dma_wait3A_53 : memref<2048xf32, #tpu.memory_space<vmem>>) dst(%dma_wait3A_51 : memref<2048xf32, #tpu.memory_space<hbm>>)
        tpu.yield
      }) : () -> ()
    } else {
    }
    return
  }
}

#map = affine_map<(d0, d1) -> (0, 0)>
#map1 = affine_map<(d0, d1) -> (0, 0, 0, 0, 0)>
module attributes {stable_mosaic.version = 14 : i64} {
  func.func @gather_kernel(%arg0: i32, %arg1: i32, %arg2: memref<1000000x32xf32, #tpu.memory_space<hbm>>, %arg3: memref<50x16384xi32, #tpu.memory_space<hbm>>, %arg4: memref<50x4x128x8x128xf32, #tpu.memory_space<hbm>>, %arg5: memref<50x512xi32, #tpu.memory_space<vmem>>, %arg6: memref<128x32xf32, #tpu.memory_space<vmem>>, %arg7: memref<128x32xf32, #tpu.memory_space<vmem>>, %arg8: memref<128x32xf32, #tpu.memory_space<vmem>>, %arg9: memref<128x32xf32, #tpu.memory_space<vmem>>, %arg10: memref<4x8x128xf32, #tpu.memory_space<vmem>>, %arg11: memref<4x8x128xf32, #tpu.memory_space<vmem>>, %arg12: memref<4x8x128xf32, #tpu.memory_space<vmem>>, %arg13: memref<4x8x128xf32, #tpu.memory_space<vmem>>, %arg14: memref<!tpu.dma_semaphore, #tpu.memory_space<semaphore_mem>>, %arg15: memref<!tpu.dma_semaphore, #tpu.memory_space<semaphore_mem>>, %arg16: memref<!tpu.dma_semaphore, #tpu.memory_space<semaphore_mem>>, %arg17: memref<!tpu.dma_semaphore, #tpu.memory_space<semaphore_mem>>, %arg18: memref<!tpu.dma_semaphore, #tpu.memory_space<semaphore_mem>>, %arg19: memref<!tpu.dma_semaphore, #tpu.memory_space<semaphore_mem>>, %arg20: memref<!tpu.dma_semaphore, #tpu.memory_space<semaphore_mem>>, %arg21: memref<!tpu.dma_semaphore, #tpu.memory_space<semaphore_mem>>) attributes {dimension_semantics = [#tpu.dimension_semantics<core_parallel>, #tpu.dimension_semantics<subcore_parallel>], iteration_bounds = array<i64: 2, 16>, scalar_prefetch = 0 : i64, scratch_operands = 17 : i64, tpu.core_type = #tpu.core_type<sc_vector_subcore>, window_params = [{transform_indices = #map}, {transform_indices = #map}, {transform_indices = #map1}]} {
    %mul3A = arith.constant 2 : i32
    %mul3A_0 = arith.muli %arg1, %mul3A : i32
    %add3A = arith.addi %mul3A_0, %arg0 : i32
    %mul3A_1 = arith.constant 512 : i32
    %mul3A_2 = arith.muli %add3A, %mul3A_1 : i32
    "tpu.region"() ({
      %run_scoped3A = tpu.sem_alloc : memref<!tpu.dma_semaphore, #tpu.memory_space<semaphore_mem>>
      %dma_start3A_180 = arith.constant 0 : i32
      %dma_start3A_181 = tpu.memref_slice %arg3[%dma_start3A_180, %mul3A_2] : memref<50x16384xi32, #tpu.memory_space<hbm>> -> memref<50x512xi32, #tpu.memory_space<hbm>>
      %dma_start3A_182 = arith.constant 0 : i32
      %dma_start3A_183 = tpu.memref_slice %arg3[%dma_start3A_182, %mul3A_2] : memref<50x16384xi32, #tpu.memory_space<hbm>> -> memref<50x512xi32, #tpu.memory_space<hbm>>
      tpu.enqueue_dma source(%dma_start3A_183 : memref<50x512xi32, #tpu.memory_space<hbm>>) target(%arg5 : memref<50x512xi32, #tpu.memory_space<vmem>>) target_semaphore(%run_scoped3A : memref<!tpu.dma_semaphore, #tpu.memory_space<semaphore_mem>>)
      %dma_wait3A_184 = arith.constant 0 : i32
      %dma_wait3A_185 = tpu.memref_slice %arg3[%dma_wait3A_184, %mul3A_2] : memref<50x16384xi32, #tpu.memory_space<hbm>> -> memref<50x512xi32, #tpu.memory_space<hbm>>
      %dma_wait3A_186 = arith.constant 0 : i32
      %dma_wait3A_187 = tpu.memref_slice %arg3[%dma_wait3A_186, %mul3A_2] : memref<50x16384xi32, #tpu.memory_space<hbm>> -> memref<50x512xi32, #tpu.memory_space<hbm>>
      tpu.wait_dma2 semaphore(%run_scoped3A : memref<!tpu.dma_semaphore, #tpu.memory_space<semaphore_mem>>) src(%dma_wait3A_187 : memref<50x512xi32, #tpu.memory_space<hbm>>) dst(%arg5 : memref<50x512xi32, #tpu.memory_space<vmem>>)
      tpu.yield
    }) : () -> ()
    %iota3A = tpu.iota {dimensions = array<i32: 0>} : vector<16xi32>
    %add3A_3 = arith.constant 0 : i32
    %add3A_4 = vector.broadcast %add3A_3 : i32 to vector<16xi32>
    %add3A_5 = arith.addi %iota3A, %add3A_4 : vector<16xi32>
    %add3A_6 = arith.constant 16 : i32
    %add3A_7 = vector.broadcast %add3A_6 : i32 to vector<16xi32>
    %add3A_8 = arith.addi %iota3A, %add3A_7 : vector<16xi32>
    %jit3A = arith.constant 8 : i32
    %div3A = vector.broadcast %jit3A : i32 to vector<16xi32>
    %div3A_9 = arith.divsi %iota3A, %div3A : vector<16xi32>
    %sign3A = arith.constant 0 : i32
    %sign3A_10 = vector.broadcast %sign3A : i32 to vector<16xi32>
    %sign3A_11 = arith.cmpi sgt, %iota3A, %sign3A_10 : vector<16xi32>
    %sign3A_12 = arith.extui %sign3A_11 : vector<16xi1> to vector<16xi32>
    %sign3A_13 = arith.constant 0 : i32
    %sign3A_14 = vector.broadcast %sign3A_13 : i32 to vector<16xi32>
    %sign3A_15 = arith.cmpi slt, %iota3A, %sign3A_14 : vector<16xi32>
    %sign3A_16 = arith.extui %sign3A_15 : vector<16xi1> to vector<16xi32>
    %sign3A_17 = arith.subi %sign3A_12, %sign3A_16 : vector<16xi32>
    %sign3A_18 = arith.constant 0 : i32
    %sign3A_19 = arith.cmpi sgt, %jit3A, %sign3A_18 : i32
    %sign3A_20 = arith.extui %sign3A_19 : i1 to i32
    %sign3A_21 = arith.constant 0 : i32
    %sign3A_22 = arith.cmpi slt, %jit3A, %sign3A_21 : i32
    %sign3A_23 = arith.extui %sign3A_22 : i1 to i32
    %sign3A_24 = arith.subi %sign3A_20, %sign3A_23 : i32
    %ne3A = vector.broadcast %sign3A_24 : i32 to vector<16xi32>
    %ne3A_25 = arith.cmpi ne, %sign3A_17, %ne3A : vector<16xi32>
    %rem3A = vector.broadcast %jit3A : i32 to vector<16xi32>
    %rem3A_26 = arith.remsi %iota3A, %rem3A : vector<16xi32>
    %ne3A_27 = arith.constant 0 : i32
    %ne3A_28 = vector.broadcast %ne3A_27 : i32 to vector<16xi32>
    %ne3A_29 = arith.cmpi ne, %rem3A_26, %ne3A_28 : vector<16xi32>
    %and3A = arith.andi %ne3A_25, %ne3A_29 : vector<16xi1>
    %sub3A = arith.constant 1 : i32
    %sub3A_30 = vector.broadcast %sub3A : i32 to vector<16xi32>
    %sub3A_31 = arith.subi %div3A_9, %sub3A_30 : vector<16xi32>
    %select_n3A = arith.select %and3A, %sub3A_31, %div3A_9 : vector<16xi1>, vector<16xi32>
    %add3A_32 = arith.constant 0 : i32
    %add3A_33 = vector.broadcast %add3A_32 : i32 to vector<16xi32>
    %add3A_34 = arith.addi %select_n3A, %add3A_33 : vector<16xi32>
    %jit3A_35 = arith.constant 8 : i32
    %div3A_36 = vector.broadcast %jit3A_35 : i32 to vector<16xi32>
    %div3A_37 = arith.divsi %iota3A, %div3A_36 : vector<16xi32>
    %sign3A_38 = arith.constant 0 : i32
    %sign3A_39 = vector.broadcast %sign3A_38 : i32 to vector<16xi32>
    %sign3A_40 = arith.cmpi sgt, %iota3A, %sign3A_39 : vector<16xi32>
    %sign3A_41 = arith.extui %sign3A_40 : vector<16xi1> to vector<16xi32>
    %sign3A_42 = arith.constant 0 : i32
    %sign3A_43 = vector.broadcast %sign3A_42 : i32 to vector<16xi32>
    %sign3A_44 = arith.cmpi slt, %iota3A, %sign3A_43 : vector<16xi32>
    %sign3A_45 = arith.extui %sign3A_44 : vector<16xi1> to vector<16xi32>
    %sign3A_46 = arith.subi %sign3A_41, %sign3A_45 : vector<16xi32>
    %sign3A_47 = arith.constant 0 : i32
    %sign3A_48 = arith.cmpi sgt, %jit3A_35, %sign3A_47 : i32
    %sign3A_49 = arith.extui %sign3A_48 : i1 to i32
    %sign3A_50 = arith.constant 0 : i32
    %sign3A_51 = arith.cmpi slt, %jit3A_35, %sign3A_50 : i32
    %sign3A_52 = arith.extui %sign3A_51 : i1 to i32
    %sign3A_53 = arith.subi %sign3A_49, %sign3A_52 : i32
    %ne3A_54 = vector.broadcast %sign3A_53 : i32 to vector<16xi32>
    %ne3A_55 = arith.cmpi ne, %sign3A_46, %ne3A_54 : vector<16xi32>
    %rem3A_56 = vector.broadcast %jit3A_35 : i32 to vector<16xi32>
    %rem3A_57 = arith.remsi %iota3A, %rem3A_56 : vector<16xi32>
    %ne3A_58 = arith.constant 0 : i32
    %ne3A_59 = vector.broadcast %ne3A_58 : i32 to vector<16xi32>
    %ne3A_60 = arith.cmpi ne, %rem3A_57, %ne3A_59 : vector<16xi32>
    %and3A_61 = arith.andi %ne3A_55, %ne3A_60 : vector<16xi1>
    %sub3A_62 = arith.constant 1 : i32
    %sub3A_63 = vector.broadcast %sub3A_62 : i32 to vector<16xi32>
    %sub3A_64 = arith.subi %div3A_37, %sub3A_63 : vector<16xi32>
    %select_n3A_65 = arith.select %and3A_61, %sub3A_64, %div3A_37 : vector<16xi1>, vector<16xi32>
    %add3A_66 = arith.constant 2 : i32
    %add3A_67 = vector.broadcast %add3A_66 : i32 to vector<16xi32>
    %add3A_68 = arith.addi %select_n3A_65, %add3A_67 : vector<16xi32>
    %jit3A_69 = arith.constant 8 : i32
    %eq3A = arith.constant 0 : i32
    %eq3A_70 = arith.cmpi eq, %jit3A_69, %eq3A : i32
    %jit3A_71 = arith.constant 1 : i32
    %select_n3A_72 = arith.select %eq3A_70, %jit3A_71, %jit3A_69 : i32
    %rem3A_73 = vector.broadcast %select_n3A_72 : i32 to vector<16xi32>
    %rem3A_74 = arith.remsi %iota3A, %rem3A_73 : vector<16xi32>
    %ne3A_75 = arith.constant 0 : i32
    %ne3A_76 = vector.broadcast %ne3A_75 : i32 to vector<16xi32>
    %ne3A_77 = arith.cmpi ne, %rem3A_74, %ne3A_76 : vector<16xi32>
    %lt3A = arith.constant 0 : i32
    %lt3A_78 = vector.broadcast %lt3A : i32 to vector<16xi32>
    %lt3A_79 = arith.cmpi slt, %rem3A_74, %lt3A_78 : vector<16xi32>
    %lt3A_80 = arith.constant 0 : i32
    %lt3A_81 = arith.cmpi slt, %select_n3A_72, %lt3A_80 : i32
    %ne3A_82 = vector.broadcast %lt3A_81 : i1 to vector<16xi1>
    %ne3A_83 = vector.broadcast %ne3A_82 : vector<16xi1> to vector<16xi1>
    %ne3A_84 = arith.xori %lt3A_79, %ne3A_83 : vector<16xi1>
    %and3A_85 = arith.andi %ne3A_84, %ne3A_77 : vector<16xi1>
    %add3A_86 = vector.broadcast %select_n3A_72 : i32 to vector<16xi32>
    %add3A_87 = arith.addi %rem3A_74, %add3A_86 : vector<16xi32>
    %select_n3A_88 = arith.select %and3A_85, %add3A_87, %rem3A_74 : vector<16xi1>, vector<16xi32>
    %dma_start3A = arith.constant 0 : i32
    %dma_start3A_89 = arith.constant 0 : i32
    %dma_start3A_90 = tpu.memref_slice %arg5[%dma_start3A, %dma_start3A_89] : memref<50x512xi32, #tpu.memory_space<vmem>> -> memref<1x128xi32, #tpu.memory_space<vmem>>
    %dma_start3A_91 = tpu.memref_squeeze %dma_start3A_90 : memref<1x128xi32, #tpu.memory_space<vmem>> -> memref<128xi32, #tpu.memory_space<vmem>>
    %dma_start3A_92 = arith.constant 0 : i32
    %dma_start3A_93 = arith.constant 0 : i32
    %dma_start3A_94 = tpu.memref_slice %arg2[%dma_start3A_92, %dma_start3A_93] : memref<1000000x32xf32, #tpu.memory_space<hbm>> -> memref<1000000x32xf32, #tpu.memory_space<hbm>>
    tpu.enqueue_indirect_dma source(%dma_start3A_94 : memref<1000000x32xf32, #tpu.memory_space<hbm>>) target(%arg6 : memref<128x32xf32, #tpu.memory_space<vmem>>) offsets(%dma_start3A_91 : memref<128xi32, #tpu.memory_space<vmem>>) semaphore(%arg14 : memref<!tpu.dma_semaphore, #tpu.memory_space<semaphore_mem>>)
    %dma_start3A_95 = arith.constant 0 : i32
    %dma_start3A_96 = arith.constant 128 : i32
    %dma_start3A_97 = tpu.memref_slice %arg5[%dma_start3A_95, %dma_start3A_96] : memref<50x512xi32, #tpu.memory_space<vmem>> -> memref<1x128xi32, #tpu.memory_space<vmem>>
    %dma_start3A_98 = tpu.memref_squeeze %dma_start3A_97 : memref<1x128xi32, #tpu.memory_space<vmem>> -> memref<128xi32, #tpu.memory_space<vmem>>
    %dma_start3A_99 = arith.constant 0 : i32
    %dma_start3A_100 = arith.constant 0 : i32
    %dma_start3A_101 = tpu.memref_slice %arg2[%dma_start3A_99, %dma_start3A_100] : memref<1000000x32xf32, #tpu.memory_space<hbm>> -> memref<1000000x32xf32, #tpu.memory_space<hbm>>
    tpu.enqueue_indirect_dma source(%dma_start3A_101 : memref<1000000x32xf32, #tpu.memory_space<hbm>>) target(%arg7 : memref<128x32xf32, #tpu.memory_space<vmem>>) offsets(%dma_start3A_98 : memref<128xi32, #tpu.memory_space<vmem>>) semaphore(%arg15 : memref<!tpu.dma_semaphore, #tpu.memory_space<semaphore_mem>>)
    %dma_start3A_102 = arith.constant 0 : i32
    %dma_start3A_103 = arith.constant 256 : i32
    %dma_start3A_104 = tpu.memref_slice %arg5[%dma_start3A_102, %dma_start3A_103] : memref<50x512xi32, #tpu.memory_space<vmem>> -> memref<1x128xi32, #tpu.memory_space<vmem>>
    %dma_start3A_105 = tpu.memref_squeeze %dma_start3A_104 : memref<1x128xi32, #tpu.memory_space<vmem>> -> memref<128xi32, #tpu.memory_space<vmem>>
    %dma_start3A_106 = arith.constant 0 : i32
    %dma_start3A_107 = arith.constant 0 : i32
    %dma_start3A_108 = tpu.memref_slice %arg2[%dma_start3A_106, %dma_start3A_107] : memref<1000000x32xf32, #tpu.memory_space<hbm>> -> memref<1000000x32xf32, #tpu.memory_space<hbm>>
    tpu.enqueue_indirect_dma source(%dma_start3A_108 : memref<1000000x32xf32, #tpu.memory_space<hbm>>) target(%arg8 : memref<128x32xf32, #tpu.memory_space<vmem>>) offsets(%dma_start3A_105 : memref<128xi32, #tpu.memory_space<vmem>>) semaphore(%arg16 : memref<!tpu.dma_semaphore, #tpu.memory_space<semaphore_mem>>)
    %dma_start3A_109 = arith.constant 0 : i32
    %dma_start3A_110 = arith.constant 384 : i32
    %dma_start3A_111 = tpu.memref_slice %arg5[%dma_start3A_109, %dma_start3A_110] : memref<50x512xi32, #tpu.memory_space<vmem>> -> memref<1x128xi32, #tpu.memory_space<vmem>>
    %dma_start3A_112 = tpu.memref_squeeze %dma_start3A_111 : memref<1x128xi32, #tpu.memory_space<vmem>> -> memref<128xi32, #tpu.memory_space<vmem>>
    %dma_start3A_113 = arith.constant 0 : i32
    %dma_start3A_114 = arith.constant 0 : i32
    %dma_start3A_115 = tpu.memref_slice %arg2[%dma_start3A_113, %dma_start3A_114] : memref<1000000x32xf32, #tpu.memory_space<hbm>> -> memref<1000000x32xf32, #tpu.memory_space<hbm>>
    tpu.enqueue_indirect_dma source(%dma_start3A_115 : memref<1000000x32xf32, #tpu.memory_space<hbm>>) target(%arg9 : memref<128x32xf32, #tpu.memory_space<vmem>>) offsets(%dma_start3A_112 : memref<128xi32, #tpu.memory_space<vmem>>) semaphore(%arg17 : memref<!tpu.dma_semaphore, #tpu.memory_space<semaphore_mem>>)
    %scan3A = arith.constant 0 : i32
    %scan3A_116 = arith.constant 0 : i32
    %scan3A_117 = arith.constant 50 : i32
    %scan3A_118 = arith.addi %scan3A_116, %scan3A_117 : i32
    %scan3A_119 = arith.constant 1 : i32
    scf.for %scan3A_180 = %scan3A_116 to %scan3A_118 step %scan3A_119  : i32 {
      %dma_wait3A_181 = arith.constant 0 : i32
      %dma_wait3A_182 = tpu.memref_slice %arg5[%scan3A_180, %dma_wait3A_181] : memref<50x512xi32, #tpu.memory_space<vmem>> -> memref<1x128xi32, #tpu.memory_space<vmem>>
      %dma_wait3A_183 = tpu.memref_squeeze %dma_wait3A_182 : memref<1x128xi32, #tpu.memory_space<vmem>> -> memref<128xi32, #tpu.memory_space<vmem>>
      %dma_wait3A_184 = arith.constant 0 : i32
      %dma_wait3A_185 = arith.constant 0 : i32
      %dma_wait3A_186 = tpu.memref_slice %arg2[%dma_wait3A_184, %dma_wait3A_185] : memref<1000000x32xf32, #tpu.memory_space<hbm>> -> memref<1000000x32xf32, #tpu.memory_space<hbm>>
      tpu.wait_indirect_dma semaphore(%arg14 : memref<!tpu.dma_semaphore, #tpu.memory_space<semaphore_mem>>) src(%dma_wait3A_186 : memref<1000000x32xf32, #tpu.memory_space<hbm>>) dst(%arg6 : memref<128x32xf32, #tpu.memory_space<vmem>>)
      %gt3A = arith.constant 0 : i32
      %gt3A_187 = arith.cmpi sgt, %scan3A_180, %gt3A : i32
      %convert_element_type3A = arith.extui %gt3A_187 : i1 to i32
      %cond3A = arith.constant 0 : i32
      %cond3A_188 = arith.cmpi ne, %convert_element_type3A, %cond3A : i32
      scf.if %cond3A_188 {
        %sub3A_309 = arith.constant 1 : i32
        %sub3A_310 = arith.subi %scan3A_180, %sub3A_309 : i32
        %mul3A_311 = arith.constant 4 : i32
        %mul3A_312 = arith.muli %add3A, %mul3A_311 : i32
        %add3A_313 = arith.constant 0 : i32
        %add3A_314 = arith.addi %mul3A_312, %add3A_313 : i32
        %dma_wait3A_315 = arith.constant 0 : i32
        %dma_wait3A_316 = arith.constant 0 : i32
        %dma_wait3A_317 = arith.constant 0 : i32
        %dma_wait3A_318 = tpu.memref_slice %arg4[%sub3A_310, %dma_wait3A_315, %add3A_314, %dma_wait3A_316, %dma_wait3A_317] : memref<50x4x128x8x128xf32, #tpu.memory_space<hbm>> -> memref<1x4x1x8x128xf32, #tpu.memory_space<hbm>>
        %dma_wait3A_319 = tpu.memref_squeeze %dma_wait3A_318 : memref<1x4x1x8x128xf32, #tpu.memory_space<hbm>> -> memref<4x8x128xf32, #tpu.memory_space<hbm>>
        %dma_wait3A_320 = arith.constant 0 : i32
        %dma_wait3A_321 = arith.constant 0 : i32
        %dma_wait3A_322 = arith.constant 0 : i32
        %dma_wait3A_323 = tpu.memref_slice %arg4[%sub3A_310, %dma_wait3A_320, %add3A_314, %dma_wait3A_321, %dma_wait3A_322] : memref<50x4x128x8x128xf32, #tpu.memory_space<hbm>> -> memref<1x4x1x8x128xf32, #tpu.memory_space<hbm>>
        %dma_wait3A_324 = tpu.memref_squeeze %dma_wait3A_323 : memref<1x4x1x8x128xf32, #tpu.memory_space<hbm>> -> memref<4x8x128xf32, #tpu.memory_space<hbm>>
        tpu.wait_dma2 semaphore(%arg18 : memref<!tpu.dma_semaphore, #tpu.memory_space<semaphore_mem>>) src(%arg10 : memref<4x8x128xf32, #tpu.memory_space<vmem>>) dst(%dma_wait3A_324 : memref<4x8x128xf32, #tpu.memory_space<hbm>>)
      } else {
      }
      %parallel_loop3A = arith.constant 0 : i32
      %parallel_loop3A_189 = arith.constant 128 : i32
      %parallel_loop3A_190 = arith.constant 1 : i32
      scf.for %parallel_loop3A_309 = %parallel_loop3A to %parallel_loop3A_189 step %parallel_loop3A_190  : i32 {
        %parallel_loop3A_310 = vector.broadcast %parallel_loop3A_309 : i32 to vector<16xi32>
        %parallel_loop3A_311 = arith.addi %parallel_loop3A_310, %iota3A : vector<16xi32>
        %parallel_loop3A_312 = arith.constant 127 : i32
        %parallel_loop3A_313 = vector.broadcast %parallel_loop3A_312 : i32 to vector<16xi32>
        %parallel_loop3A_314 = arith.andi %parallel_loop3A_311, %parallel_loop3A_313 : vector<16xi32>
        %parallel_loop3A_315 = tpu.vector_load_idx %arg6[%parallel_loop3A_314, %add3A_5] : memref<128x32xf32, #tpu.memory_space<vmem>>[vector<16xi32>, vector<16xi32>], vector<16xf32>,
        tpu.vector_store_idx %arg10[%add3A_34, %select_n3A_88, %parallel_loop3A_314], %parallel_loop3A_315 : memref<4x8x128xf32, #tpu.memory_space<vmem>>[vector<16xi32>, vector<16xi32>, vector<16xi32>], vector<16xf32>,
        %parallel_loop3A_316 = tpu.vector_load_idx %arg6[%parallel_loop3A_314, %add3A_8] : memref<128x32xf32, #tpu.memory_space<vmem>>[vector<16xi32>, vector<16xi32>], vector<16xf32>,
        tpu.vector_store_idx %arg10[%add3A_68, %select_n3A_88, %parallel_loop3A_314], %parallel_loop3A_316 : memref<4x8x128xf32, #tpu.memory_space<vmem>>[vector<16xi32>, vector<16xi32>, vector<16xi32>], vector<16xf32>,
      } {sc.loop_unroll_factor = 8 : i64, sc.parallel_access}
      %mul3A_191 = arith.constant 4 : i32
      %mul3A_192 = arith.muli %add3A, %mul3A_191 : i32
      %add3A_193 = arith.constant 0 : i32
      %add3A_194 = arith.addi %mul3A_192, %add3A_193 : i32
      %dma_start3A_195 = arith.constant 0 : i32
      %dma_start3A_196 = arith.constant 0 : i32
      %dma_start3A_197 = arith.constant 0 : i32
      %dma_start3A_198 = tpu.memref_slice %arg4[%scan3A_180, %dma_start3A_195, %add3A_194, %dma_start3A_196, %dma_start3A_197] : memref<50x4x128x8x128xf32, #tpu.memory_space<hbm>> -> memref<1x4x1x8x128xf32, #tpu.memory_space<hbm>>
      %dma_start3A_199 = tpu.memref_squeeze %dma_start3A_198 : memref<1x4x1x8x128xf32, #tpu.memory_space<hbm>> -> memref<4x8x128xf32, #tpu.memory_space<hbm>>
      %dma_start3A_200 = arith.constant 0 : i32
      %dma_start3A_201 = arith.constant 0 : i32
      %dma_start3A_202 = arith.constant 0 : i32
      %dma_start3A_203 = tpu.memref_slice %arg4[%scan3A_180, %dma_start3A_200, %add3A_194, %dma_start3A_201, %dma_start3A_202] : memref<50x4x128x8x128xf32, #tpu.memory_space<hbm>> -> memref<1x4x1x8x128xf32, #tpu.memory_space<hbm>>
      %dma_start3A_204 = tpu.memref_squeeze %dma_start3A_203 : memref<1x4x1x8x128xf32, #tpu.memory_space<hbm>> -> memref<4x8x128xf32, #tpu.memory_space<hbm>>
      tpu.enqueue_dma source(%arg10 : memref<4x8x128xf32, #tpu.memory_space<vmem>>) target(%dma_start3A_204 : memref<4x8x128xf32, #tpu.memory_space<hbm>>) target_semaphore(%arg18 : memref<!tpu.dma_semaphore, #tpu.memory_space<semaphore_mem>>)
      %lt3A_205 = arith.constant 49 : i32
      %lt3A_206 = arith.cmpi slt, %scan3A_180, %lt3A_205 : i32
      %convert_element_type3A_207 = arith.extui %lt3A_206 : i1 to i32
      %cond3A_208 = arith.constant 0 : i32
      %cond3A_209 = arith.cmpi ne, %convert_element_type3A_207, %cond3A_208 : i32
      scf.if %cond3A_209 {
        %add3A_309 = arith.constant 1 : i32
        %add3A_310 = arith.addi %scan3A_180, %add3A_309 : i32
        %dma_start3A_311 = arith.constant 0 : i32
        %dma_start3A_312 = tpu.memref_slice %arg5[%add3A_310, %dma_start3A_311] : memref<50x512xi32, #tpu.memory_space<vmem>> -> memref<1x128xi32, #tpu.memory_space<vmem>>
        %dma_start3A_313 = tpu.memref_squeeze %dma_start3A_312 : memref<1x128xi32, #tpu.memory_space<vmem>> -> memref<128xi32, #tpu.memory_space<vmem>>
        %dma_start3A_314 = arith.constant 0 : i32
        %dma_start3A_315 = arith.constant 0 : i32
        %dma_start3A_316 = tpu.memref_slice %arg2[%dma_start3A_314, %dma_start3A_315] : memref<1000000x32xf32, #tpu.memory_space<hbm>> -> memref<1000000x32xf32, #tpu.memory_space<hbm>>
        tpu.enqueue_indirect_dma source(%dma_start3A_316 : memref<1000000x32xf32, #tpu.memory_space<hbm>>) target(%arg6 : memref<128x32xf32, #tpu.memory_space<vmem>>) offsets(%dma_start3A_313 : memref<128xi32, #tpu.memory_space<vmem>>) semaphore(%arg14 : memref<!tpu.dma_semaphore, #tpu.memory_space<semaphore_mem>>)
      } else {
      }
      %dma_wait3A_210 = arith.constant 128 : i32
      %dma_wait3A_211 = tpu.memref_slice %arg5[%scan3A_180, %dma_wait3A_210] : memref<50x512xi32, #tpu.memory_space<vmem>> -> memref<1x128xi32, #tpu.memory_space<vmem>>
      %dma_wait3A_212 = tpu.memref_squeeze %dma_wait3A_211 : memref<1x128xi32, #tpu.memory_space<vmem>> -> memref<128xi32, #tpu.memory_space<vmem>>
      %dma_wait3A_213 = arith.constant 0 : i32
      %dma_wait3A_214 = arith.constant 0 : i32
      %dma_wait3A_215 = tpu.memref_slice %arg2[%dma_wait3A_213, %dma_wait3A_214] : memref<1000000x32xf32, #tpu.memory_space<hbm>> -> memref<1000000x32xf32, #tpu.memory_space<hbm>>
      tpu.wait_indirect_dma semaphore(%arg15 : memref<!tpu.dma_semaphore, #tpu.memory_space<semaphore_mem>>) src(%dma_wait3A_215 : memref<1000000x32xf32, #tpu.memory_space<hbm>>) dst(%arg7 : memref<128x32xf32, #tpu.memory_space<vmem>>)
      %gt3A_216 = arith.constant 0 : i32
      %gt3A_217 = arith.cmpi sgt, %scan3A_180, %gt3A_216 : i32
      %convert_element_type3A_218 = arith.extui %gt3A_217 : i1 to i32
      %cond3A_219 = arith.constant 0 : i32
      %cond3A_220 = arith.cmpi ne, %convert_element_type3A_218, %cond3A_219 : i32
      scf.if %cond3A_220 {
        %sub3A_309 = arith.constant 1 : i32
        %sub3A_310 = arith.subi %scan3A_180, %sub3A_309 : i32
        %mul3A_311 = arith.constant 4 : i32
        %mul3A_312 = arith.muli %add3A, %mul3A_311 : i32
        %add3A_313 = arith.constant 1 : i32
        %add3A_314 = arith.addi %mul3A_312, %add3A_313 : i32
        %dma_wait3A_315 = arith.constant 0 : i32
        %dma_wait3A_316 = arith.constant 0 : i32
        %dma_wait3A_317 = arith.constant 0 : i32
        %dma_wait3A_318 = tpu.memref_slice %arg4[%sub3A_310, %dma_wait3A_315, %add3A_314, %dma_wait3A_316, %dma_wait3A_317] : memref<50x4x128x8x128xf32, #tpu.memory_space<hbm>> -> memref<1x4x1x8x128xf32, #tpu.memory_space<hbm>>
        %dma_wait3A_319 = tpu.memref_squeeze %dma_wait3A_318 : memref<1x4x1x8x128xf32, #tpu.memory_space<hbm>> -> memref<4x8x128xf32, #tpu.memory_space<hbm>>
        %dma_wait3A_320 = arith.constant 0 : i32
        %dma_wait3A_321 = arith.constant 0 : i32
        %dma_wait3A_322 = arith.constant 0 : i32
        %dma_wait3A_323 = tpu.memref_slice %arg4[%sub3A_310, %dma_wait3A_320, %add3A_314, %dma_wait3A_321, %dma_wait3A_322] : memref<50x4x128x8x128xf32, #tpu.memory_space<hbm>> -> memref<1x4x1x8x128xf32, #tpu.memory_space<hbm>>
        %dma_wait3A_324 = tpu.memref_squeeze %dma_wait3A_323 : memref<1x4x1x8x128xf32, #tpu.memory_space<hbm>> -> memref<4x8x128xf32, #tpu.memory_space<hbm>>
        tpu.wait_dma2 semaphore(%arg19 : memref<!tpu.dma_semaphore, #tpu.memory_space<semaphore_mem>>) src(%arg11 : memref<4x8x128xf32, #tpu.memory_space<vmem>>) dst(%dma_wait3A_324 : memref<4x8x128xf32, #tpu.memory_space<hbm>>)
      } else {
      }
      %parallel_loop3A_221 = arith.constant 0 : i32
      %parallel_loop3A_222 = arith.constant 128 : i32
      %parallel_loop3A_223 = arith.constant 1 : i32
      scf.for %parallel_loop3A_309 = %parallel_loop3A_221 to %parallel_loop3A_222 step %parallel_loop3A_223  : i32 {
        %parallel_loop3A_310 = vector.broadcast %parallel_loop3A_309 : i32 to vector<16xi32>
        %parallel_loop3A_311 = arith.addi %parallel_loop3A_310, %iota3A : vector<16xi32>
        %parallel_loop3A_312 = arith.constant 127 : i32
        %parallel_loop3A_313 = vector.broadcast %parallel_loop3A_312 : i32 to vector<16xi32>
        %parallel_loop3A_314 = arith.andi %parallel_loop3A_311, %parallel_loop3A_313 : vector<16xi32>
        %parallel_loop3A_315 = tpu.vector_load_idx %arg7[%parallel_loop3A_314, %add3A_5] : memref<128x32xf32, #tpu.memory_space<vmem>>[vector<16xi32>, vector<16xi32>], vector<16xf32>,
        tpu.vector_store_idx %arg11[%add3A_34, %select_n3A_88, %parallel_loop3A_314], %parallel_loop3A_315 : memref<4x8x128xf32, #tpu.memory_space<vmem>>[vector<16xi32>, vector<16xi32>, vector<16xi32>], vector<16xf32>,
        %parallel_loop3A_316 = tpu.vector_load_idx %arg7[%parallel_loop3A_314, %add3A_8] : memref<128x32xf32, #tpu.memory_space<vmem>>[vector<16xi32>, vector<16xi32>], vector<16xf32>,
        tpu.vector_store_idx %arg11[%add3A_68, %select_n3A_88, %parallel_loop3A_314], %parallel_loop3A_316 : memref<4x8x128xf32, #tpu.memory_space<vmem>>[vector<16xi32>, vector<16xi32>, vector<16xi32>], vector<16xf32>,
      } {sc.loop_unroll_factor = 8 : i64, sc.parallel_access}
      %mul3A_224 = arith.constant 4 : i32
      %mul3A_225 = arith.muli %add3A, %mul3A_224 : i32
      %add3A_226 = arith.constant 1 : i32
      %add3A_227 = arith.addi %mul3A_225, %add3A_226 : i32
      %dma_start3A_228 = arith.constant 0 : i32
      %dma_start3A_229 = arith.constant 0 : i32
      %dma_start3A_230 = arith.constant 0 : i32
      %dma_start3A_231 = tpu.memref_slice %arg4[%scan3A_180, %dma_start3A_228, %add3A_227, %dma_start3A_229, %dma_start3A_230] : memref<50x4x128x8x128xf32, #tpu.memory_space<hbm>> -> memref<1x4x1x8x128xf32, #tpu.memory_space<hbm>>
      %dma_start3A_232 = tpu.memref_squeeze %dma_start3A_231 : memref<1x4x1x8x128xf32, #tpu.memory_space<hbm>> -> memref<4x8x128xf32, #tpu.memory_space<hbm>>
      %dma_start3A_233 = arith.constant 0 : i32
      %dma_start3A_234 = arith.constant 0 : i32
      %dma_start3A_235 = arith.constant 0 : i32
      %dma_start3A_236 = tpu.memref_slice %arg4[%scan3A_180, %dma_start3A_233, %add3A_227, %dma_start3A_234, %dma_start3A_235] : memref<50x4x128x8x128xf32, #tpu.memory_space<hbm>> -> memref<1x4x1x8x128xf32, #tpu.memory_space<hbm>>
      %dma_start3A_237 = tpu.memref_squeeze %dma_start3A_236 : memref<1x4x1x8x128xf32, #tpu.memory_space<hbm>> -> memref<4x8x128xf32, #tpu.memory_space<hbm>>
      tpu.enqueue_dma source(%arg11 : memref<4x8x128xf32, #tpu.memory_space<vmem>>) target(%dma_start3A_237 : memref<4x8x128xf32, #tpu.memory_space<hbm>>) target_semaphore(%arg19 : memref<!tpu.dma_semaphore, #tpu.memory_space<semaphore_mem>>)
      %lt3A_238 = arith.constant 49 : i32
      %lt3A_239 = arith.cmpi slt, %scan3A_180, %lt3A_238 : i32
      %convert_element_type3A_240 = arith.extui %lt3A_239 : i1 to i32
      %cond3A_241 = arith.constant 0 : i32
      %cond3A_242 = arith.cmpi ne, %convert_element_type3A_240, %cond3A_241 : i32
      scf.if %cond3A_242 {
        %add3A_309 = arith.constant 1 : i32
        %add3A_310 = arith.addi %scan3A_180, %add3A_309 : i32
        %dma_start3A_311 = arith.constant 128 : i32
        %dma_start3A_312 = tpu.memref_slice %arg5[%add3A_310, %dma_start3A_311] : memref<50x512xi32, #tpu.memory_space<vmem>> -> memref<1x128xi32, #tpu.memory_space<vmem>>
        %dma_start3A_313 = tpu.memref_squeeze %dma_start3A_312 : memref<1x128xi32, #tpu.memory_space<vmem>> -> memref<128xi32, #tpu.memory_space<vmem>>
        %dma_start3A_314 = arith.constant 0 : i32
        %dma_start3A_315 = arith.constant 0 : i32
        %dma_start3A_316 = tpu.memref_slice %arg2[%dma_start3A_314, %dma_start3A_315] : memref<1000000x32xf32, #tpu.memory_space<hbm>> -> memref<1000000x32xf32, #tpu.memory_space<hbm>>
        tpu.enqueue_indirect_dma source(%dma_start3A_316 : memref<1000000x32xf32, #tpu.memory_space<hbm>>) target(%arg7 : memref<128x32xf32, #tpu.memory_space<vmem>>) offsets(%dma_start3A_313 : memref<128xi32, #tpu.memory_space<vmem>>) semaphore(%arg15 : memref<!tpu.dma_semaphore, #tpu.memory_space<semaphore_mem>>)
      } else {
      }
      %dma_wait3A_243 = arith.constant 256 : i32
      %dma_wait3A_244 = tpu.memref_slice %arg5[%scan3A_180, %dma_wait3A_243] : memref<50x512xi32, #tpu.memory_space<vmem>> -> memref<1x128xi32, #tpu.memory_space<vmem>>
      %dma_wait3A_245 = tpu.memref_squeeze %dma_wait3A_244 : memref<1x128xi32, #tpu.memory_space<vmem>> -> memref<128xi32, #tpu.memory_space<vmem>>
      %dma_wait3A_246 = arith.constant 0 : i32
      %dma_wait3A_247 = arith.constant 0 : i32
      %dma_wait3A_248 = tpu.memref_slice %arg2[%dma_wait3A_246, %dma_wait3A_247] : memref<1000000x32xf32, #tpu.memory_space<hbm>> -> memref<1000000x32xf32, #tpu.memory_space<hbm>>
      tpu.wait_indirect_dma semaphore(%arg16 : memref<!tpu.dma_semaphore, #tpu.memory_space<semaphore_mem>>) src(%dma_wait3A_248 : memref<1000000x32xf32, #tpu.memory_space<hbm>>) dst(%arg8 : memref<128x32xf32, #tpu.memory_space<vmem>>)
      %gt3A_249 = arith.constant 0 : i32
      %gt3A_250 = arith.cmpi sgt, %scan3A_180, %gt3A_249 : i32
      %convert_element_type3A_251 = arith.extui %gt3A_250 : i1 to i32
      %cond3A_252 = arith.constant 0 : i32
      %cond3A_253 = arith.cmpi ne, %convert_element_type3A_251, %cond3A_252 : i32
      scf.if %cond3A_253 {
        %sub3A_309 = arith.constant 1 : i32
        %sub3A_310 = arith.subi %scan3A_180, %sub3A_309 : i32
        %mul3A_311 = arith.constant 4 : i32
        %mul3A_312 = arith.muli %add3A, %mul3A_311 : i32
        %add3A_313 = arith.constant 2 : i32
        %add3A_314 = arith.addi %mul3A_312, %add3A_313 : i32
        %dma_wait3A_315 = arith.constant 0 : i32
        %dma_wait3A_316 = arith.constant 0 : i32
        %dma_wait3A_317 = arith.constant 0 : i32
        %dma_wait3A_318 = tpu.memref_slice %arg4[%sub3A_310, %dma_wait3A_315, %add3A_314, %dma_wait3A_316, %dma_wait3A_317] : memref<50x4x128x8x128xf32, #tpu.memory_space<hbm>> -> memref<1x4x1x8x128xf32, #tpu.memory_space<hbm>>
        %dma_wait3A_319 = tpu.memref_squeeze %dma_wait3A_318 : memref<1x4x1x8x128xf32, #tpu.memory_space<hbm>> -> memref<4x8x128xf32, #tpu.memory_space<hbm>>
        %dma_wait3A_320 = arith.constant 0 : i32
        %dma_wait3A_321 = arith.constant 0 : i32
        %dma_wait3A_322 = arith.constant 0 : i32
        %dma_wait3A_323 = tpu.memref_slice %arg4[%sub3A_310, %dma_wait3A_320, %add3A_314, %dma_wait3A_321, %dma_wait3A_322] : memref<50x4x128x8x128xf32, #tpu.memory_space<hbm>> -> memref<1x4x1x8x128xf32, #tpu.memory_space<hbm>>
        %dma_wait3A_324 = tpu.memref_squeeze %dma_wait3A_323 : memref<1x4x1x8x128xf32, #tpu.memory_space<hbm>> -> memref<4x8x128xf32, #tpu.memory_space<hbm>>
        tpu.wait_dma2 semaphore(%arg20 : memref<!tpu.dma_semaphore, #tpu.memory_space<semaphore_mem>>) src(%arg12 : memref<4x8x128xf32, #tpu.memory_space<vmem>>) dst(%dma_wait3A_324 : memref<4x8x128xf32, #tpu.memory_space<hbm>>)
      } else {
      }
      %parallel_loop3A_254 = arith.constant 0 : i32
      %parallel_loop3A_255 = arith.constant 128 : i32
      %parallel_loop3A_256 = arith.constant 1 : i32
      scf.for %parallel_loop3A_309 = %parallel_loop3A_254 to %parallel_loop3A_255 step %parallel_loop3A_256  : i32 {
        %parallel_loop3A_310 = vector.broadcast %parallel_loop3A_309 : i32 to vector<16xi32>
        %parallel_loop3A_311 = arith.addi %parallel_loop3A_310, %iota3A : vector<16xi32>
        %parallel_loop3A_312 = arith.constant 127 : i32
        %parallel_loop3A_313 = vector.broadcast %parallel_loop3A_312 : i32 to vector<16xi32>
        %parallel_loop3A_314 = arith.andi %parallel_loop3A_311, %parallel_loop3A_313 : vector<16xi32>
        %parallel_loop3A_315 = tpu.vector_load_idx %arg8[%parallel_loop3A_314, %add3A_5] : memref<128x32xf32, #tpu.memory_space<vmem>>[vector<16xi32>, vector<16xi32>], vector<16xf32>,
        tpu.vector_store_idx %arg12[%add3A_34, %select_n3A_88, %parallel_loop3A_314], %parallel_loop3A_315 : memref<4x8x128xf32, #tpu.memory_space<vmem>>[vector<16xi32>, vector<16xi32>, vector<16xi32>], vector<16xf32>,
        %parallel_loop3A_316 = tpu.vector_load_idx %arg8[%parallel_loop3A_314, %add3A_8] : memref<128x32xf32, #tpu.memory_space<vmem>>[vector<16xi32>, vector<16xi32>], vector<16xf32>,
        tpu.vector_store_idx %arg12[%add3A_68, %select_n3A_88, %parallel_loop3A_314], %parallel_loop3A_316 : memref<4x8x128xf32, #tpu.memory_space<vmem>>[vector<16xi32>, vector<16xi32>, vector<16xi32>], vector<16xf32>,
      } {sc.loop_unroll_factor = 8 : i64, sc.parallel_access}
      %mul3A_257 = arith.constant 4 : i32
      %mul3A_258 = arith.muli %add3A, %mul3A_257 : i32
      %add3A_259 = arith.constant 2 : i32
      %add3A_260 = arith.addi %mul3A_258, %add3A_259 : i32
      %dma_start3A_261 = arith.constant 0 : i32
      %dma_start3A_262 = arith.constant 0 : i32
      %dma_start3A_263 = arith.constant 0 : i32
      %dma_start3A_264 = tpu.memref_slice %arg4[%scan3A_180, %dma_start3A_261, %add3A_260, %dma_start3A_262, %dma_start3A_263] : memref<50x4x128x8x128xf32, #tpu.memory_space<hbm>> -> memref<1x4x1x8x128xf32, #tpu.memory_space<hbm>>
      %dma_start3A_265 = tpu.memref_squeeze %dma_start3A_264 : memref<1x4x1x8x128xf32, #tpu.memory_space<hbm>> -> memref<4x8x128xf32, #tpu.memory_space<hbm>>
      %dma_start3A_266 = arith.constant 0 : i32
      %dma_start3A_267 = arith.constant 0 : i32
      %dma_start3A_268 = arith.constant 0 : i32
      %dma_start3A_269 = tpu.memref_slice %arg4[%scan3A_180, %dma_start3A_266, %add3A_260, %dma_start3A_267, %dma_start3A_268] : memref<50x4x128x8x128xf32, #tpu.memory_space<hbm>> -> memref<1x4x1x8x128xf32, #tpu.memory_space<hbm>>
      %dma_start3A_270 = tpu.memref_squeeze %dma_start3A_269 : memref<1x4x1x8x128xf32, #tpu.memory_space<hbm>> -> memref<4x8x128xf32, #tpu.memory_space<hbm>>
      tpu.enqueue_dma source(%arg12 : memref<4x8x128xf32, #tpu.memory_space<vmem>>) target(%dma_start3A_270 : memref<4x8x128xf32, #tpu.memory_space<hbm>>) target_semaphore(%arg20 : memref<!tpu.dma_semaphore, #tpu.memory_space<semaphore_mem>>)
      %lt3A_271 = arith.constant 49 : i32
      %lt3A_272 = arith.cmpi slt, %scan3A_180, %lt3A_271 : i32
      %convert_element_type3A_273 = arith.extui %lt3A_272 : i1 to i32
      %cond3A_274 = arith.constant 0 : i32
      %cond3A_275 = arith.cmpi ne, %convert_element_type3A_273, %cond3A_274 : i32
      scf.if %cond3A_275 {
        %add3A_309 = arith.constant 1 : i32
        %add3A_310 = arith.addi %scan3A_180, %add3A_309 : i32
        %dma_start3A_311 = arith.constant 256 : i32
        %dma_start3A_312 = tpu.memref_slice %arg5[%add3A_310, %dma_start3A_311] : memref<50x512xi32, #tpu.memory_space<vmem>> -> memref<1x128xi32, #tpu.memory_space<vmem>>
        %dma_start3A_313 = tpu.memref_squeeze %dma_start3A_312 : memref<1x128xi32, #tpu.memory_space<vmem>> -> memref<128xi32, #tpu.memory_space<vmem>>
        %dma_start3A_314 = arith.constant 0 : i32
        %dma_start3A_315 = arith.constant 0 : i32
        %dma_start3A_316 = tpu.memref_slice %arg2[%dma_start3A_314, %dma_start3A_315] : memref<1000000x32xf32, #tpu.memory_space<hbm>> -> memref<1000000x32xf32, #tpu.memory_space<hbm>>
        tpu.enqueue_indirect_dma source(%dma_start3A_316 : memref<1000000x32xf32, #tpu.memory_space<hbm>>) target(%arg8 : memref<128x32xf32, #tpu.memory_space<vmem>>) offsets(%dma_start3A_313 : memref<128xi32, #tpu.memory_space<vmem>>) semaphore(%arg16 : memref<!tpu.dma_semaphore, #tpu.memory_space<semaphore_mem>>)
      } else {
      }
      %dma_wait3A_276 = arith.constant 384 : i32
      %dma_wait3A_277 = tpu.memref_slice %arg5[%scan3A_180, %dma_wait3A_276] : memref<50x512xi32, #tpu.memory_space<vmem>> -> memref<1x128xi32, #tpu.memory_space<vmem>>
      %dma_wait3A_278 = tpu.memref_squeeze %dma_wait3A_277 : memref<1x128xi32, #tpu.memory_space<vmem>> -> memref<128xi32, #tpu.memory_space<vmem>>
      %dma_wait3A_279 = arith.constant 0 : i32
      %dma_wait3A_280 = arith.constant 0 : i32
      %dma_wait3A_281 = tpu.memref_slice %arg2[%dma_wait3A_279, %dma_wait3A_280] : memref<1000000x32xf32, #tpu.memory_space<hbm>> -> memref<1000000x32xf32, #tpu.memory_space<hbm>>
      tpu.wait_indirect_dma semaphore(%arg17 : memref<!tpu.dma_semaphore, #tpu.memory_space<semaphore_mem>>) src(%dma_wait3A_281 : memref<1000000x32xf32, #tpu.memory_space<hbm>>) dst(%arg9 : memref<128x32xf32, #tpu.memory_space<vmem>>)
      %gt3A_282 = arith.constant 0 : i32
      %gt3A_283 = arith.cmpi sgt, %scan3A_180, %gt3A_282 : i32
      %convert_element_type3A_284 = arith.extui %gt3A_283 : i1 to i32
      %cond3A_285 = arith.constant 0 : i32
      %cond3A_286 = arith.cmpi ne, %convert_element_type3A_284, %cond3A_285 : i32
      scf.if %cond3A_286 {
        %sub3A_309 = arith.constant 1 : i32
        %sub3A_310 = arith.subi %scan3A_180, %sub3A_309 : i32
        %mul3A_311 = arith.constant 4 : i32
        %mul3A_312 = arith.muli %add3A, %mul3A_311 : i32
        %add3A_313 = arith.constant 3 : i32
        %add3A_314 = arith.addi %mul3A_312, %add3A_313 : i32
        %dma_wait3A_315 = arith.constant 0 : i32
        %dma_wait3A_316 = arith.constant 0 : i32
        %dma_wait3A_317 = arith.constant 0 : i32
        %dma_wait3A_318 = tpu.memref_slice %arg4[%sub3A_310, %dma_wait3A_315, %add3A_314, %dma_wait3A_316, %dma_wait3A_317] : memref<50x4x128x8x128xf32, #tpu.memory_space<hbm>> -> memref<1x4x1x8x128xf32, #tpu.memory_space<hbm>>
        %dma_wait3A_319 = tpu.memref_squeeze %dma_wait3A_318 : memref<1x4x1x8x128xf32, #tpu.memory_space<hbm>> -> memref<4x8x128xf32, #tpu.memory_space<hbm>>
        %dma_wait3A_320 = arith.constant 0 : i32
        %dma_wait3A_321 = arith.constant 0 : i32
        %dma_wait3A_322 = arith.constant 0 : i32
        %dma_wait3A_323 = tpu.memref_slice %arg4[%sub3A_310, %dma_wait3A_320, %add3A_314, %dma_wait3A_321, %dma_wait3A_322] : memref<50x4x128x8x128xf32, #tpu.memory_space<hbm>> -> memref<1x4x1x8x128xf32, #tpu.memory_space<hbm>>
        %dma_wait3A_324 = tpu.memref_squeeze %dma_wait3A_323 : memref<1x4x1x8x128xf32, #tpu.memory_space<hbm>> -> memref<4x8x128xf32, #tpu.memory_space<hbm>>
        tpu.wait_dma2 semaphore(%arg21 : memref<!tpu.dma_semaphore, #tpu.memory_space<semaphore_mem>>) src(%arg13 : memref<4x8x128xf32, #tpu.memory_space<vmem>>) dst(%dma_wait3A_324 : memref<4x8x128xf32, #tpu.memory_space<hbm>>)
      } else {
      }
      %parallel_loop3A_287 = arith.constant 0 : i32
      %parallel_loop3A_288 = arith.constant 128 : i32
      %parallel_loop3A_289 = arith.constant 1 : i32
      scf.for %parallel_loop3A_309 = %parallel_loop3A_287 to %parallel_loop3A_288 step %parallel_loop3A_289  : i32 {
        %parallel_loop3A_310 = vector.broadcast %parallel_loop3A_309 : i32 to vector<16xi32>
        %parallel_loop3A_311 = arith.addi %parallel_loop3A_310, %iota3A : vector<16xi32>
        %parallel_loop3A_312 = arith.constant 127 : i32
        %parallel_loop3A_313 = vector.broadcast %parallel_loop3A_312 : i32 to vector<16xi32>
        %parallel_loop3A_314 = arith.andi %parallel_loop3A_311, %parallel_loop3A_313 : vector<16xi32>
        %parallel_loop3A_315 = tpu.vector_load_idx %arg9[%parallel_loop3A_314, %add3A_5] : memref<128x32xf32, #tpu.memory_space<vmem>>[vector<16xi32>, vector<16xi32>], vector<16xf32>,
        tpu.vector_store_idx %arg13[%add3A_34, %select_n3A_88, %parallel_loop3A_314], %parallel_loop3A_315 : memref<4x8x128xf32, #tpu.memory_space<vmem>>[vector<16xi32>, vector<16xi32>, vector<16xi32>], vector<16xf32>,
        %parallel_loop3A_316 = tpu.vector_load_idx %arg9[%parallel_loop3A_314, %add3A_8] : memref<128x32xf32, #tpu.memory_space<vmem>>[vector<16xi32>, vector<16xi32>], vector<16xf32>,
        tpu.vector_store_idx %arg13[%add3A_68, %select_n3A_88, %parallel_loop3A_314], %parallel_loop3A_316 : memref<4x8x128xf32, #tpu.memory_space<vmem>>[vector<16xi32>, vector<16xi32>, vector<16xi32>], vector<16xf32>,
      } {sc.loop_unroll_factor = 8 : i64, sc.parallel_access}
      %mul3A_290 = arith.constant 4 : i32
      %mul3A_291 = arith.muli %add3A, %mul3A_290 : i32
      %add3A_292 = arith.constant 3 : i32
      %add3A_293 = arith.addi %mul3A_291, %add3A_292 : i32
      %dma_start3A_294 = arith.constant 0 : i32
      %dma_start3A_295 = arith.constant 0 : i32
      %dma_start3A_296 = arith.constant 0 : i32
      %dma_start3A_297 = tpu.memref_slice %arg4[%scan3A_180, %dma_start3A_294, %add3A_293, %dma_start3A_295, %dma_start3A_296] : memref<50x4x128x8x128xf32, #tpu.memory_space<hbm>> -> memref<1x4x1x8x128xf32, #tpu.memory_space<hbm>>
      %dma_start3A_298 = tpu.memref_squeeze %dma_start3A_297 : memref<1x4x1x8x128xf32, #tpu.memory_space<hbm>> -> memref<4x8x128xf32, #tpu.memory_space<hbm>>
      %dma_start3A_299 = arith.constant 0 : i32
      %dma_start3A_300 = arith.constant 0 : i32
      %dma_start3A_301 = arith.constant 0 : i32
      %dma_start3A_302 = tpu.memref_slice %arg4[%scan3A_180, %dma_start3A_299, %add3A_293, %dma_start3A_300, %dma_start3A_301] : memref<50x4x128x8x128xf32, #tpu.memory_space<hbm>> -> memref<1x4x1x8x128xf32, #tpu.memory_space<hbm>>
      %dma_start3A_303 = tpu.memref_squeeze %dma_start3A_302 : memref<1x4x1x8x128xf32, #tpu.memory_space<hbm>> -> memref<4x8x128xf32, #tpu.memory_space<hbm>>
      tpu.enqueue_dma source(%arg13 : memref<4x8x128xf32, #tpu.memory_space<vmem>>) target(%dma_start3A_303 : memref<4x8x128xf32, #tpu.memory_space<hbm>>) target_semaphore(%arg21 : memref<!tpu.dma_semaphore, #tpu.memory_space<semaphore_mem>>)
      %lt3A_304 = arith.constant 49 : i32
      %lt3A_305 = arith.cmpi slt, %scan3A_180, %lt3A_304 : i32
      %convert_element_type3A_306 = arith.extui %lt3A_305 : i1 to i32
      %cond3A_307 = arith.constant 0 : i32
      %cond3A_308 = arith.cmpi ne, %convert_element_type3A_306, %cond3A_307 : i32
      scf.if %cond3A_308 {
        %add3A_309 = arith.constant 1 : i32
        %add3A_310 = arith.addi %scan3A_180, %add3A_309 : i32
        %dma_start3A_311 = arith.constant 384 : i32
        %dma_start3A_312 = tpu.memref_slice %arg5[%add3A_310, %dma_start3A_311] : memref<50x512xi32, #tpu.memory_space<vmem>> -> memref<1x128xi32, #tpu.memory_space<vmem>>
        %dma_start3A_313 = tpu.memref_squeeze %dma_start3A_312 : memref<1x128xi32, #tpu.memory_space<vmem>> -> memref<128xi32, #tpu.memory_space<vmem>>
        %dma_start3A_314 = arith.constant 0 : i32
        %dma_start3A_315 = arith.constant 0 : i32
        %dma_start3A_316 = tpu.memref_slice %arg2[%dma_start3A_314, %dma_start3A_315] : memref<1000000x32xf32, #tpu.memory_space<hbm>> -> memref<1000000x32xf32, #tpu.memory_space<hbm>>
        tpu.enqueue_indirect_dma source(%dma_start3A_316 : memref<1000000x32xf32, #tpu.memory_space<hbm>>) target(%arg9 : memref<128x32xf32, #tpu.memory_space<vmem>>) offsets(%dma_start3A_313 : memref<128xi32, #tpu.memory_space<vmem>>) semaphore(%arg17 : memref<!tpu.dma_semaphore, #tpu.memory_space<semaphore_mem>>)
      } else {
      }
    }
    %scan3A_120 = arith.constant 50 : i32
    %mul3A_121 = arith.constant 4 : i32
    %mul3A_122 = arith.muli %add3A, %mul3A_121 : i32
    %add3A_123 = arith.constant 0 : i32
    %add3A_124 = arith.addi %mul3A_122, %add3A_123 : i32
    %dma_wait3A = arith.constant 49 : i32
    %dma_wait3A_125 = arith.constant 0 : i32
    %dma_wait3A_126 = arith.constant 0 : i32
    %dma_wait3A_127 = arith.constant 0 : i32
    %dma_wait3A_128 = tpu.memref_slice %arg4[%dma_wait3A, %dma_wait3A_125, %add3A_124, %dma_wait3A_126, %dma_wait3A_127] : memref<50x4x128x8x128xf32, #tpu.memory_space<hbm>> -> memref<1x4x1x8x128xf32, #tpu.memory_space<hbm>>
    %dma_wait3A_129 = tpu.memref_squeeze %dma_wait3A_128 : memref<1x4x1x8x128xf32, #tpu.memory_space<hbm>> -> memref<4x8x128xf32, #tpu.memory_space<hbm>>
    %dma_wait3A_130 = arith.constant 0 : i32
    %dma_wait3A_131 = arith.constant 0 : i32
    %dma_wait3A_132 = arith.constant 0 : i32
    %dma_wait3A_133 = tpu.memref_slice %arg4[%dma_wait3A, %dma_wait3A_130, %add3A_124, %dma_wait3A_131, %dma_wait3A_132] : memref<50x4x128x8x128xf32, #tpu.memory_space<hbm>> -> memref<1x4x1x8x128xf32, #tpu.memory_space<hbm>>
    %dma_wait3A_134 = tpu.memref_squeeze %dma_wait3A_133 : memref<1x4x1x8x128xf32, #tpu.memory_space<hbm>> -> memref<4x8x128xf32, #tpu.memory_space<hbm>>
    tpu.wait_dma2 semaphore(%arg18 : memref<!tpu.dma_semaphore, #tpu.memory_space<semaphore_mem>>) src(%arg10 : memref<4x8x128xf32, #tpu.memory_space<vmem>>) dst(%dma_wait3A_134 : memref<4x8x128xf32, #tpu.memory_space<hbm>>)
    %mul3A_135 = arith.constant 4 : i32
    %mul3A_136 = arith.muli %add3A, %mul3A_135 : i32
    %add3A_137 = arith.constant 1 : i32
    %add3A_138 = arith.addi %mul3A_136, %add3A_137 : i32
    %dma_wait3A_139 = arith.constant 49 : i32
    %dma_wait3A_140 = arith.constant 0 : i32
    %dma_wait3A_141 = arith.constant 0 : i32
    %dma_wait3A_142 = arith.constant 0 : i32
    %dma_wait3A_143 = tpu.memref_slice %arg4[%dma_wait3A_139, %dma_wait3A_140, %add3A_138, %dma_wait3A_141, %dma_wait3A_142] : memref<50x4x128x8x128xf32, #tpu.memory_space<hbm>> -> memref<1x4x1x8x128xf32, #tpu.memory_space<hbm>>
    %dma_wait3A_144 = tpu.memref_squeeze %dma_wait3A_143 : memref<1x4x1x8x128xf32, #tpu.memory_space<hbm>> -> memref<4x8x128xf32, #tpu.memory_space<hbm>>
    %dma_wait3A_145 = arith.constant 0 : i32
    %dma_wait3A_146 = arith.constant 0 : i32
    %dma_wait3A_147 = arith.constant 0 : i32
    %dma_wait3A_148 = tpu.memref_slice %arg4[%dma_wait3A_139, %dma_wait3A_145, %add3A_138, %dma_wait3A_146, %dma_wait3A_147] : memref<50x4x128x8x128xf32, #tpu.memory_space<hbm>> -> memref<1x4x1x8x128xf32, #tpu.memory_space<hbm>>
    %dma_wait3A_149 = tpu.memref_squeeze %dma_wait3A_148 : memref<1x4x1x8x128xf32, #tpu.memory_space<hbm>> -> memref<4x8x128xf32, #tpu.memory_space<hbm>>
    tpu.wait_dma2 semaphore(%arg19 : memref<!tpu.dma_semaphore, #tpu.memory_space<semaphore_mem>>) src(%arg11 : memref<4x8x128xf32, #tpu.memory_space<vmem>>) dst(%dma_wait3A_149 : memref<4x8x128xf32, #tpu.memory_space<hbm>>)
    %mul3A_150 = arith.constant 4 : i32
    %mul3A_151 = arith.muli %add3A, %mul3A_150 : i32
    %add3A_152 = arith.constant 2 : i32
    %add3A_153 = arith.addi %mul3A_151, %add3A_152 : i32
    %dma_wait3A_154 = arith.constant 49 : i32
    %dma_wait3A_155 = arith.constant 0 : i32
    %dma_wait3A_156 = arith.constant 0 : i32
    %dma_wait3A_157 = arith.constant 0 : i32
    %dma_wait3A_158 = tpu.memref_slice %arg4[%dma_wait3A_154, %dma_wait3A_155, %add3A_153, %dma_wait3A_156, %dma_wait3A_157] : memref<50x4x128x8x128xf32, #tpu.memory_space<hbm>> -> memref<1x4x1x8x128xf32, #tpu.memory_space<hbm>>
    %dma_wait3A_159 = tpu.memref_squeeze %dma_wait3A_158 : memref<1x4x1x8x128xf32, #tpu.memory_space<hbm>> -> memref<4x8x128xf32, #tpu.memory_space<hbm>>
    %dma_wait3A_160 = arith.constant 0 : i32
    %dma_wait3A_161 = arith.constant 0 : i32
    %dma_wait3A_162 = arith.constant 0 : i32
    %dma_wait3A_163 = tpu.memref_slice %arg4[%dma_wait3A_154, %dma_wait3A_160, %add3A_153, %dma_wait3A_161, %dma_wait3A_162] : memref<50x4x128x8x128xf32, #tpu.memory_space<hbm>> -> memref<1x4x1x8x128xf32, #tpu.memory_space<hbm>>
    %dma_wait3A_164 = tpu.memref_squeeze %dma_wait3A_163 : memref<1x4x1x8x128xf32, #tpu.memory_space<hbm>> -> memref<4x8x128xf32, #tpu.memory_space<hbm>>
    tpu.wait_dma2 semaphore(%arg20 : memref<!tpu.dma_semaphore, #tpu.memory_space<semaphore_mem>>) src(%arg12 : memref<4x8x128xf32, #tpu.memory_space<vmem>>) dst(%dma_wait3A_164 : memref<4x8x128xf32, #tpu.memory_space<hbm>>)
    %mul3A_165 = arith.constant 4 : i32
    %mul3A_166 = arith.muli %add3A, %mul3A_165 : i32
    %add3A_167 = arith.constant 3 : i32
    %add3A_168 = arith.addi %mul3A_166, %add3A_167 : i32
    %dma_wait3A_169 = arith.constant 49 : i32
    %dma_wait3A_170 = arith.constant 0 : i32
    %dma_wait3A_171 = arith.constant 0 : i32
    %dma_wait3A_172 = arith.constant 0 : i32
    %dma_wait3A_173 = tpu.memref_slice %arg4[%dma_wait3A_169, %dma_wait3A_170, %add3A_168, %dma_wait3A_171, %dma_wait3A_172] : memref<50x4x128x8x128xf32, #tpu.memory_space<hbm>> -> memref<1x4x1x8x128xf32, #tpu.memory_space<hbm>>
    %dma_wait3A_174 = tpu.memref_squeeze %dma_wait3A_173 : memref<1x4x1x8x128xf32, #tpu.memory_space<hbm>> -> memref<4x8x128xf32, #tpu.memory_space<hbm>>
    %dma_wait3A_175 = arith.constant 0 : i32
    %dma_wait3A_176 = arith.constant 0 : i32
    %dma_wait3A_177 = arith.constant 0 : i32
    %dma_wait3A_178 = tpu.memref_slice %arg4[%dma_wait3A_169, %dma_wait3A_175, %add3A_168, %dma_wait3A_176, %dma_wait3A_177] : memref<50x4x128x8x128xf32, #tpu.memory_space<hbm>> -> memref<1x4x1x8x128xf32, #tpu.memory_space<hbm>>
    %dma_wait3A_179 = tpu.memref_squeeze %dma_wait3A_178 : memref<1x4x1x8x128xf32, #tpu.memory_space<hbm>> -> memref<4x8x128xf32, #tpu.memory_space<hbm>>
    tpu.wait_dma2 semaphore(%arg21 : memref<!tpu.dma_semaphore, #tpu.memory_space<semaphore_mem>>) src(%arg13 : memref<4x8x128xf32, #tpu.memory_space<vmem>>) dst(%dma_wait3A_179 : memref<4x8x128xf32, #tpu.memory_space<hbm>>)
    return
  }
}

</mosaic_0001>

<sc_bundles>
// kernel: kernel.4.cloned.1.call-start
scs
__scs_entry_jumppad:
0x0: {  	(pc) =	sbr.rel $0x88, $3  }
0x1: {  	(tag) =	ssettag $0x0;
	lr =	simm.s32 $0x1  }
0x2: {  	[smem:$0x3F9F] =	sst lr;
	_ =	strace $0xD0000000  }
0x3: {  	_ = 	snop  }
0x4: {  	_ = 	snop  }
0x5: {  	_ = 	snop  }
0x6: {  	_ = 	snop  }
0x7: {  	_ = 	snop  }
__scs_overlays_trampoline_lowered:
0x8: {  	[smem:$0x3FAE] =	sst s0  }
0x9: {  	[smem:$0x3FAF] =	sst s1  }
0xa: {  	[smem:$0x3FB0] =	sst s2  }
0xb: {  	[smem:$0x3FB1] =	sst s3  }
0xc: {  	[smem:$0x3FB2] =	sst s4  }
0xd: {  	[smem:$0x3FB3] =	sst s5  }
0xe: {  	[smem:$0x3FB4] =	sst s6  }
0xf: {  	[smem:$0x3FB5] =	sst s7  }
0x10: {  	[smem:$0x3FB6] =	sst s8  }
0x11: {  	[smem:$0x3FB7] =	sst s9;
	s0 =	simm.s32 @!p0 $0x0  }
0x12: {  	s1 =	sld [smem:$0x3F9D];
	s0 =	simm.s32 @p0 $0x1  }
0x13: {  	[smem:$0x3FB8] =	sst s0;
	s0 =	simm.s32 @!p1 $0x0  }
0x14: {  	s2 =	sld [smem:$0x3F9C];
	s0 =	simm.s32 @p1 $0x1  }
0x15: {  	[smem:$0x3FB9] =	sst s0;
	s0 =	simm.s32 @!p2 $0x0  }
0x16: {  	s3 =	sld [smem:$0x3FDB];
	s0 =	simm.s32 @p2 $0x1  }
0x17: {  	s4 =	simm.s32 $0x1BF5;
	[smem:$0x3FBB] =	sst s0  }
0x18: {  	s0 =	sld [smem:$0x3F9E];
	_ =	swait.ge [sflag:s4], $0x0  }
0x19: {  	s7 =	sld [smem:$0x3F9F]  }
0x1a: {  	s8 =	sadd.s32 $0xFFFFE003, lr  }
0x1b: {  	s9 =	sadd.s32 $0xFFFFFEF7, lr;
	s5 =	simm.s32 $0xFFFFFFFF;
	p2 =	slt.u32 s8, $0xFFFFF086  }
0x1c: {  	p1 =	slt.u32 s9, $0xF7A;
	s5 =	simm.s32 @!p2 $0x0  }
0x1d: {  	s5 =	simm.s32 @p1 $0x1;
	p0 =	seq.s32 s7, s2  }
0x1e: {  	s7 =	smul.u32 @!p0 $0xF7A, s2;
	p2 =	seq.s32 @!p0 s5, $0x0  }
0x1f: {  	s9 =	smul.u32 $0xF7A, s1;
	s8 =	simm.s32 @!p0 $0x1BF5;
	p2 =	por !p2, p0  }
0x20: {  	[sflag:s8] =	ssyncset.s32 @!p0 $0xFFFFF086;
	s6 =	sadd.s32 @!p0 s3, s7;
	s7 =	simm.s32 @!p0 $0x108  }
0x21: {  	s3 =	sadd.s32 s3, s9;
	s6 =	sadd.s32 @!p0 $0x88, s6;
	s7 =	simm.s32 @p2 $0x1082  }
0x22: {  	[simem:s7], [sflag:s8] =	dma.local @!p0 [hbm:s6], $0xF7A  }
0x23: {  	s9 =	sor.u32 $0xD0000000, s2;
	s6 =	simm.s32 $0x108;
	_ =	swait.ge @!p0 [sflag:s8], $0x0  }
0x24: {  	s3 =	sadd.s32 $0x88, s3;
	s6 =	simm.s32 @!p1 $0x1082;
	[sflag:s4] =	ssyncset.s32 $0xFFFFF086  }
0x25: {  	[simem:s6], [sflag:s4] =	dma.local [hbm:s3], $0xF7A  }
0x26: {  	[smem:$0x3F9F] =	sst s1;
	(tag) =	ssettag s2;
	_ =	strace s9  }
0x27: {  	s1 =	sld [smem:$0x3FAF]  }
0x28: {  	s2 =	sld [smem:$0x3FB0]  }
0x29: {  	s4 =	sld [smem:$0x3FB2]  }
0x2a: {  	p0 =	seq.s32 s5, $0x0;
	s5 =	sld [smem:$0x3FB3]  }
0x2b: {  	s6 =	sld [smem:$0x3FB4]  }
0x2c: {  	s7 =	sld [smem:$0x3FB5]  }
0x2d: {  	s3 =	simm.s32 $0x108;
	s8 =	sld [smem:$0x3FB6]  }
0x2e: {  	s3 =	simm.s32 @!p0 $0x1082;
	s9 =	sld [smem:$0x3FB7]  }
0x2f: {  	lr =	sadd.s32 s0, s3;
	s0 =	sld [smem:$0x3FAE]  }
0x30: {  	s3 =	sld [smem:$0x3FB1]  }
0x31: {  	[smem:$0x3FBA] =	sst s10  }
0x32: {  	s10 =	sld [smem:$0x3FB8];
	_ =	sdelay $0x3  }
0x33: {  	p0 =	seq.s32 s10, $0x1;
	s10 =	sld [smem:$0x3FBA];
	_ =	sdelay $0x3  }
0x34: {  	[smem:$0x3FBA] =	sst s10  }
0x35: {  	s10 =	sld [smem:$0x3FB9];
	_ =	sdelay $0x3  }
0x36: {  	p1 =	seq.s32 s10, $0x1;
	s10 =	sld [smem:$0x3FBA];
	_ =	sdelay $0x3  }
0x37: {  	[smem:$0x3FBA] =	sst s10  }
0x38: {  	s10 =	sld [smem:$0x3FBB]  }
0x39: {  	_ = 	snop;
	(pc) =	sbr.ind lr, $3  }
0x3a: {  	_ = 	snop  }
0x3b: {  	_ = 	snop  }
0x3c: {  	p2 =	seq.s32 s10, $0x1;
	s10 =	sld [smem:$0x3FBA]  }
0x3d: {  	_ =	shalt  }
0x3e: {  	_ =	shalt  }
0x3f: {  	_ =	shalt  }
0x40: {  	_ =	shalt  }
0x41: {  	_ =	shalt  }
0x42: {  	_ =	shalt  }
0x43: {  	_ =	shalt  }
0x44: {  	_ =	shalt  }
0x45: {  	_ =	shalt  }
0x46: {  	_ =	shalt  }
0x47: {  	_ =	shalt  }
0x48: {  	_ =	shalt  }
0x49: {  	_ =	shalt  }
0x4a: {  	_ =	shalt  }
0x4b: {  	_ =	shalt  }
0x4c: {  	_ =	shalt  }
0x4d: {  	_ =	shalt  }
0x4e: {  	_ =	shalt  }
0x4f: {  	_ =	shalt  }
0x50: {  	_ =	shalt  }
0x51: {  	_ =	shalt  }
0x52: {  	_ =	shalt  }
0x53: {  	_ =	shalt  }
0x54: {  	_ =	shalt  }
0x55: {  	_ =	shalt  }
0x56: {  	_ =	shalt  }
0x57: {  	_ =	shalt  }
0x58: {  	_ =	shalt  }
0x59: {  	_ =	shalt  }
0x5a: {  	_ =	shalt  }
0x5b: {  	_ =	shalt  }
0x5c: {  	_ =	shalt  }
0x5d: {  	_ =	shalt  }
0x5e: {  	_ =	shalt  }
0x5f: {  	_ =	shalt  }
0x60: {  	_ =	shalt  }
0x61: {  	_ =	shalt  }
0x62: {  	_ =	shalt  }
0x63: {  	_ =	shalt  }
0x64: {  	_ =	shalt  }
0x65: {  	_ =	shalt  }
0x66: {  	_ =	shalt  }
0x67: {  	_ =	shalt  }
0x68: {  	_ =	shalt  }
0x69: {  	_ =	shalt  }
0x6a: {  	_ =	shalt  }
0x6b: {  	_ =	shalt  }
0x6c: {  	_ =	shalt  }
0x6d: {  	_ =	shalt  }
0x6e: {  	_ =	shalt  }
0x6f: {  	_ =	shalt  }
0x70: {  	_ =	shalt  }
0x71: {  	_ =	shalt  }
0x72: {  	_ =	shalt  }
0x73: {  	_ =	shalt  }
0x74: {  	_ =	shalt  }
0x75: {  	_ =	shalt  }
0x76: {  	_ =	shalt  }
0x77: {  	_ =	shalt  }
0x78: {  	_ =	shalt  }
0x79: {  	_ =	shalt  }
0x7a: {  	_ =	shalt  }
0x7b: {  	_ =	shalt  }
0x7c: {  	_ =	shalt  }
0x7d: {  	_ =	shalt  }
0x7e: {  	_ =	shalt  }
0x7f: {  	_ =	shalt  }
0x80: {  	_ =	shalt  }
0x81: {  	_ =	shalt  }
0x82: {  	_ =	shalt  }
0x83: {  	_ =	shalt  }
0x84: {  	_ =	shalt  }
0x85: {  	_ =	shalt  }
0x86: {  	_ =	shalt  }
0x87: {  	_ =	shalt  }
.Lfunc_end0:
.L_simem_size_0:
called_computation_lowered:
.L_overlay_start_0:
0x88: {  	s2 =	sld [smem:$0x3FD9]  }
0x89: {  	s3 =	sld [smem:$0x3FFE];
	_ =	sdelay $0x1  }
0x8a: {  	s1 =	srdreg.scid  }
0x8b: {  	s0 =	sand.u32 $0x1, s1  }
0x8c: {  	s17 =	sshll.u32 s0, $0xA;
	s2 =	sadd.s32 s3, s2  }
0x8d: {  	s2 =	sadd.s32 s2, s17  }
0x8e: {  	[smem:$0x3FC6] =	sst s2  }
0x8f: {  	_ = 	snop  }
0x90: {  	s2 =	sld [smem:$0x3FC8];
	(tm) =	ssettm $0x1  }
0x91: {  	s18 =	sld [smem:$0x3FFB];
	_ =	sdelay $0x3  }
0x92: {  	_ =	strace s18  }
0x93: {  	s3 =	sld [smem:$0x3FFC];
	_ =	sdelay $0x3  }
0x94: {  	_ =	strace s3  }
0x95: {  	s3 =	sld [smem:$0x3FFD];
	_ =	sdelay $0x3  }
0x96: {  	_ =	strace s3  }
0x97: {  	_ =	strace $0x8FFFFFFF  }
0x98: {  	s19 =	sld [smem:$0x3FDB];
	_ =	sdelay $0x1  }
0x99: {  	s4 =	simm.s32 $_scs_section_size  }
0x9a: {  	s5 =	simm.s32 $_size__tile_overlayer_lowered;
	s6 =	simm.s32 $_tile_overlayer_lowered  }
0x9b: {  	s22 =	simm.s32 $0x1BFF;
	s21 =	sshll.u32 s6, $0x1;
	s3 =	sadd.s32 s4, s19  }
0x9c: {  	s7 =	simm.s32 $0x0;
	s20 =	sshll.u32 s5, $0x1;
	s5 =	sadd.s32 s21, s3  }
0x9d: {  	[timem:s7], [sflag:s22] =	dma.local [hbm:s5], s20  }
0x9e: {  	_ =	swait.ge [sflag:s22], s20  }
0x9f: {  	s4 =	ssub.s32 $0x0, s20;
	[sflag:s22] =	ssyncset.done $0x0  }
0xa0: {  	[sflag:s22] =	ssyncadd.s32 s4;
	_ =	sdelay $0x1  }
0xa1: {  	s23 =	simm.s32 $0x1B8B  }
0xa2: {  	_ =	swait.ge [sflag:s23], $0x1  }
0xa3: {  	[sflag:s23] =	ssyncset.done $0x0  }
0xa4: {  	s25 =	simm.s32 $0x1B8E;
	s24 =	sld [smem:$0x3FFE];
	[sflag:s23] =	ssyncadd.s32 $0xFFFFFFFF  }
0xa5: {  	s26 =	simm.s32 $execute0_lowered;
	[smem:$0x3FD2] =	sst s25  }
0xa6: {  	s5 =	sshll.u32 s26, $0x1;
	_ =	strace $0x80000046;
	[dreg:$0x1] =	wrdreg $0xFFFFFFFF  }
0xa7: {  	s28 =	simm.s32 $_size_execute0_lowered;
	s3 =	sadd.s32 s3, s5;
	[dreg:$0x0] =	wrdreg $0x0  }
0xa8: {  	s5 =	sshll.u32 s28, $0x1;
	[dreg:$0x2] =	wrdreg s3  }
0xa9: {  	[dreg:$0x3] =	wrdreg s5  }
0xaa: {  	[dreg:$0x4] =	wrdreg $0xC0  }
0xab: {  	_ =	task [dreg:s7], $0x5FFFF  }
0xac: {  	[dreg:$0x1] =	wrdreg $0xFFFFFFFF  }
0xad: {  	[dreg:$0x0] =	wrdreg $0x60  }
0xae: {  	[dreg:$0x2] =	wrdreg s2  }
0xaf: {  	[dreg:$0x3] =	wrdreg s24  }
0xb0: {  	[dreg:$0x4] =	wrdreg $0x9  }
0xb1: {  	_ =	task.clear_ibuf [dreg:s7], $0x5FFFF;
	_ =	strace $0x90000046  }
0xb2: {  	s29 =	simm.s32 $0x9;
	_ =	strace $0x80000048  }
0xb3: {  	_ =	swait.ge [sflag:s29], $0x1  }
0xb4: {  	[sflag:s29] =	ssyncadd.s32 $0xFFFFFFFF  }
0xb5: {  	_ =	strace $0x90000048  }
0xb6: {  	_ =	sfence  }
0xb7: {  	s30 =	sld [smem:$0x0];
	_ =	sdelay $0x2  }
0xb8: {  	s31 =	sshll.u32 s1, $0xD;
	s1 =	sshrl.u32 s1, $0x2  }
0xb9: {  	s3 =	sand.u32 $0x4000, s31;
	s1 =	sadd.s32 s1, s30  }
0xba: {  	s0 =	sor.u32 s3, s0;
	s1 =	sshll.u32 s1, $0x11  }
0xbb: {  	s0 =	sor.u32 s1, s0  }
0xbc: {  	s0 =	sadd.s32 $0x8F2B, s0  }
0xbd: {  	[sflag:s0] =	ssyncadd.remote.s32 $0x1  }
0xbe: {  	_ =	sfence.sel $0xFFFF  }
0xbf: {  	[dreg:$0x0] =	wrdreg $0xFFFFFFFF;
	(pc) =	sbr.abs _section_cstart, $3  }
0xc0: {  	[dreg:$0x1] =	wrdreg $0xFFFFFFFF  }
0xc1: {  	_ =	task.clear_ibuf [dreg:s7], $0x2FFFF;
	_ =	strace $0x9FFFFFFF  }
0xc2: {  	(tm) =	ssettm $0x7FFFFFFF  }
0xc3: {  	_ =	shalt  }
tec
execute0_lowered:
.L_overlay_start_1:
0x0: {  	(tag) =	ssettag $0x1  }
0x1: {  	s2 =	rddreg [dreg:$0x0];
	s3 =	simm.s32 $0x0;
	v13 =	vlaneseq.u32  }
0x2: {  	[smem:$0x7FF] =	sst s3;
	v53 =	vor.u32 $0x60, v13  }
0x3: {  	s11 =	rddreg [dreg:$0x1];
	v54 =	vor.u32 $0x70, v13;
	_ =	strace $0x80000047;
	[tilespmem:$0x1FF30] =	vst v53  }
0x4: {  	v56 =	vor.u32 $0x20, v13;
	[tilespmem:$0x1FF50] =	vst v54  }
0x5: {  	v59 =	vor.u32 $0x50, v13;
	[tilespmem:$0x1FF70] =	vst v56  }
0x6: {  	v61 =	vor.u32 $0x30, v13;
	[tilespmem:$0x1FF90] =	vst v59  }
0x7: {  	s1 =	srdreg.scid;
	v6 =	vor.u32 $0x40, v13;
	[tilespmem:$0x1FFB0] =	vst v61  }
0x8: {  	s0 =	stileid.u32;
	s13 =	simm.s32 $0x400;
	s14 =	simm.s32 $0x7A1400;
	v10 =	vmul.u32 $0x20, v13;
	v7 =	vor.u32 $0x10, v13;
	[tilespmem:$0x1FFD0] =	vst v6  }
0x9: {  	s15 =	simm.s32 $0x1000;
	s16 =	simm.s32 $0x1;
	s17 =	simm.s32 $0x2000;
	[tilespmem:$0x1FFE0] =	vst v7  }
0xa: {  	s18 =	simm.s32 $0x2;
	s19 =	simm.s32 $0x3000;
	s20 =	simm.s32 $0x3;
	v15 =	vor.u32 $0xE00, v10;
	[tilespmem:$0x1FFF0] =	vst v10  }
0xb: {  	s21 =	simm.s32 $0x4;
	s22 =	simm.s32 $0x4000;
	s23 =	simm.s32 $0x5;
	v50 =	vor.u32 $0xA00, v10;
	[tilespmem:$0x1FF10] =	vst v15  }
0xc: {  	s24 =	simm.s32 $0x0;
	s5 =	sand.u32 $0x1, s1;
	s4 =	sshll.u32 s0, $0x1;
	v52 =	vor.u32 $0xC00, v10;
	[tilespmem:$0x1FF20] =	vst v50  }
.Ltmp0:
0xd: {  	s6 =	sadd.s32 $0xA00, s11;
	s10 =	sadd.s32 $0xF4200, s2;
	v63 =	vor.u32 $0x200, v10;
	[tilespmem:$0x1FF40] =	vst v52;
	(pc) =	sbr.rel .LBB2_1-.Ltmp0, $4  }
0xe: {  	s11 =	sadd.s32 $0x3D1200, s11;
	s4 =	sor.u32 s5, s4;
	s7 =	ssub.s32 $0x2, s5;
	v2 =	vor.u32 $0x800, v10;
	[tilespmem:$0x1FF60] =	vst v63  }
0xf: {  	s31 =	sshll.u32 s4, $0x7;
	s8 =	sshrl.u32 s7, $0x1;
	s9 =	sor.u32 $0x60, s4;
	v60 =	vor.u32 $0x400, v10;
	[tilespmem:$0x1FF80] =	vst v2  }
0x10: {  	v62 =	vor.u32 $0x600, v10;
	p0 =	sne.s32 s4, $0x1F;
	s5 =	sadd.s32 s2, s31;
	s12 =	ssub.s32 s7, s8;
	[tilespmem:$0x1FFA0] =	vst v60  }
0x11: {  	s8 =	sor.u32 $0x40, s4;
	[tilespmem:$0x1FFC0] =	vst v62;
	s7 =	sadd.s32 $0x1000, s5;
	s12 =	smax.u32 s12, $0x1  }
.LBB2_15:
0x12: {  	s24 =	sadd.s32 $0x1, s24  }
0x13: {  	p1 =	sne.s32 s24, s12  }
.Ltmp1:
0x14: {  	_ = 	snop;
	(pc) =	sbr.rel @!p1 .LBB2_16-.Ltmp1, $1  }
0x15: {  	_ =	sdelay $0x3  }
.LBB2_1:
.Ltmp2:
0x16: {  	(pc) =	sbr.rel .LBB2_2-.Ltmp2, $4  }
0x17: {  	_ = 	snop  }
0x18: {  	[tilespmem:s3], [sflag:$0x1] =	stream.strided.gather [hbm4b:s5+s13], $0x1000, s14, s13, $0x38;
	[tilespmem:$0x5000] =	vst v63  }
0x19: {  	s25 =	simm.s32 $0x0  }
0x1a: {  	[tilespmem:s15], [sflag:$0x2] =	stream.strided.gather [hbm4b:s7+s13], $0x1000, s14, s13, $0x38;
	[tilespmem:$0x5000] =	vst v63  }
.LBB2_10:
0x1b: {  	s25 =	sadd.s32 $0x1, s25  }
0x1c: {  	p1 =	sne.s32 s25, $0x7B  }
.Ltmp3:
0x1d: {  	_ = 	snop;
	(pc) =	sbr.rel @!p1 .LBB2_11-.Ltmp3, $1  }
0x1e: {  	_ =	sdelay $0x3  }
.LBB2_2:
0x1f: {  	s26 =	sshll.u32 s25, $0x6  }
0x20: {  	s28 =	sor.u32 s4, s26  }
0x21: {  	p2 =	sgt.u32 s28, $0x1E83  }
.Ltmp4:
0x22: {  	_ = 	snop;
	(pc) =	sbr.rel @p2 .LBB2_6-.Ltmp4, $2  }
0x23: {  	_ =	sdelay $0x2  }
0x24: {  	p1 =	seq.s32 s25, $0x0  }
0x25: {  	s29 =	simm.s32 $0x0  }
0x26: {  	s30 =	simm.s32 $0x4;
	v8 =	vadd.s32 s29, v13;
	s29 =	simm.s32 $0x1  }
0x27: {  	s31 =	simm.s32 $0x7;
	v16 =	vadd.s32 s30, v13;
	v9 =	vadd.s32 s29, v13;
	s29 =	simm.s32 $0x2;
	v21 =	vand.u32 $0x1F, v8  }
0x28: {  	s1 =	simm.s32 $0x5;
	v17 =	vadd.s32 s31, v13;
	v8 =	vadd.s32 s29, v13;
	v0 =	vor.u32 v15, v21  }
0x29: {  	v18 =	vadd.s32 s1, v13;
	v32 =	vand.u32 $0x1F, v17;
	[tilespmem:$0x1FEA0] =	vst v0;
	v24 =	vand.u32 $0x1F, v8  }
0x2a: {  	v34 =	vand.u32 $0x1F, v18;
	v39 =	vand.u32 $0x1F, v16;
	s29 =	simm.s32 $0x6;
	_ =	swait.ge [sflag:s16], $0x1000;
	v5 =	vshll.u32 v24, $0x7  }
0x2b: {  	v33 =	vshll.u32 v32, $0x7;
	v8 =	vadd.s32 s29, v13;
	[sflag:s16] =	ssyncset.done $0x0;
	v22 =	vor.u32 v13, v5  }
0x2c: {  	s31 =	simm.s32 $0x3;
	v37 =	vshll.u32 v34, $0x7;
	s29 =	simm.s32 @!p1 $0x3;
	v35 =	vand.u32 $0x1F, v8;
	v8 =	vor.u32 v13, v33;
	[sflag:s16] =	ssyncadd.s32 $0xFFFFF000  }
0x2d: {  	v19 =	vadd.s32 s31, v13;
	v41 =	vshll.u32 v39, $0x7;
	v23 =	vor.u32 v13, v37;
	_ =	swait.ge @!p1 [sflag:s29], $0x1000  }
0x2e: {  	v17 =	vand.u32 $0x1F, v9;
	v9 =	vor.u32 v13, v41;
	v20 =	vshll.u32 v35, $0x7;
	[sflag:s29] =	ssyncset.done @!p1 $0x0  }
0x2f: {  	v58 =	vand.u32 $0x1F, v19;
	v16 =	vor.u32 v13, v20;
	[sflag:s29] =	ssyncadd.s32 @!p1 $0xFFFFF000  }
0x30: {  	v36 =	vshll.u32 v58, $0x7;
	v25 =	vor.u32 v10, v24;
	v22 =	vld.idx.msk [tilespmem:v22+s3+$0x0], $0xffff  }
0x31: {  	v27 =	vor.u32 v10, v32;
	v26 =	vor.u32 v13, v36;
	v8 =	vld.idx.msk [tilespmem:v8+s3+$0x0], $0xffff  }
0x32: {  	v51 =	vlaneseq.u32;
	v29 =	vshll.u32 v21, $0x7;
	v23 =	vld.idx.msk [tilespmem:v23+s3+$0x0], $0xffff  }
0x33: {  	v44 =	vor.u32 v10, v34;
	v42 =	vshll.u32 v17, $0x7;
	v55 =	vor.u32 v7, v29;
	v9 =	vld.idx.msk [tilespmem:v9+s3+$0x0], $0xffff  }
0x34: {  	v47 =	vor.u32 v10, v39;
	v28 =	vor.u32 v51, v42;
	v16 =	vld.idx.msk [tilespmem:v16+s3+$0x0], $0xffff;
	[tilespmem:$0x1FF00] =	vst v55  }
0x35: {  	v46 =	vor.u32 v7, v37;
	v30 =	vor.u32 v10, v35;
	[tilespmem:v25+s17+$0x0] =	vst.idx.msk $0xffff, v22  }
0x36: {  	v22 =	vor.u32 v7, v41;
	[tilespmem:v27+s17+$0x0] =	vst.idx.msk $0xffff, v8;
	v8 =	vor.u32 v10, v58;
	v25 =	vld.idx.msk [tilespmem:v26+s3+$0x0], $0xffff  }
0x37: {  	v26 =	vor.u32 v7, v20  }
0x38: {  	v49 =	vor.u32 v63, v39;
	[tilespmem:v44+s17+$0x0] =	vst.idx.msk $0xffff, v23  }
0x39: {  	v45 =	vor.u32 v7, v33;
	v28 =	vld.idx.msk [tilespmem:v28+s3+$0x0], $0xffff;
	v23 =	vor.u32 v10, v17;
	[tilespmem:v47+s17+$0x0] =	vst.idx.msk $0xffff, v9  }
0x3a: {  	v44 =	vor.u32 v63, v34;
	[tilespmem:v30+s17+$0x0] =	vst.idx.msk $0xffff, v16;
	v30 =	vor.u32 v7, v36;
	v46 =	vld.idx.msk [tilespmem:v46+s3+$0x0], $0xffff  }
0x3b: {  	v57 =	vor.u32 v59, v29;
	v31 =	vor.u32 v7, v5;
	v22 =	vld.idx.msk [tilespmem:v22+s3+$0x0], $0xffff;
	[tilespmem:v8+s17+$0x0] =	vst.idx.msk $0xffff, v25  }
0x3c: {  	v8 =	vld.idx.msk [tilespmem:v26+s3+$0x0], $0xffff;
	v25 =	vor.u32 v63, v35;
	[tilespmem:$0x1FEB0] =	vst v57;
	v57 =	vor.u32 v2, v21  }
0x3d: {  	v40 =	vor.u32 v56, v20;
	[tilespmem:$0x1FEC0] =	vst v57  }
0x3e: {  	v47 =	vor.u32 v7, v42;
	[tilespmem:v23+s17+$0x0] =	vst.idx.msk $0xffff, v28  }
0x3f: {  	v38 =	vor.u32 v13, v29;
	v23 =	vor.u32 v63, v58;
	[tilespmem:v44+s17+$0x0] =	vst.idx.msk $0xffff, v46;
	v46 =	vld.idx.msk [tilespmem:v30+s3+$0x0], $0xffff  }
0x40: {  	v27 =	vor.u32 v63, v24;
	v9 =	vor.u32 v56, v37;
	v18 =	vld.idx.msk [tilespmem:v31+s3+$0x0], $0xffff;
	[tilespmem:v49+s17+$0x0] =	vst.idx.msk $0xffff, v22  }
0x41: {  	v51 =	vor.u32 v56, v41;
	v16 =	vor.u32 v63, v32;
	v22 =	vld.idx.msk [tilespmem:v45+s3+$0x0], $0xffff;
	[tilespmem:v25+s17+$0x0] =	vst.idx.msk $0xffff, v8  }
0x42: {  	v13 =	vmov v52;
	v52 =	vor.u32 v60, v35;
	v25 =	vld.idx.msk [tilespmem:v40+s3+$0x0], $0xffff;
	v40 =	vor.u32 v56, v33  }
0x43: {  	v3 =	vmov v53;
	v53 =	vor.u32 v56, v36;
	v44 =	vor.u32 v63, v17;
	v47 =	vld.idx.msk [tilespmem:v47+s3+$0x0], $0xffff  }
0x44: {  	v4 =	vmovc v54;
	v11 =	vmov v63;
	v12 =	vmov v56;
	v48 =	vor.u32 v56, v5;
	[tilespmem:v23+s17+$0x0] =	vst.idx.msk $0xffff, v46  }
0x45: {  	v57 =	vor.u32 v61, v20;
	v9 =	vld.idx.msk [tilespmem:v9+s3+$0x0], $0xffff;
	v49 =	vor.u32 v60, v34;
	[tilespmem:v27+s17+$0x0] =	vst.idx.msk $0xffff, v18  }
0x46: {  	v45 =	vor.u32 v56, v42;
	v8 =	vor.u32 v60, v39;
	v63 =	vld.idx.msk [tilespmem:v51+s3+$0x0], $0xffff;
	[tilespmem:v16+s17+$0x0] =	vst.idx.msk $0xffff, v22  }
0x47: {  	v54 =	vor.u32 v60, v32;
	v0 =	vor.u32 v61, v41;
	[tilespmem:v52+s17+$0x0] =	vst.idx.msk $0xffff, v25;
	v52 =	vld.idx.msk [tilespmem:v40+s3+$0x0], $0xffff  }
0x48: {  	v56 =	vor.u32 v61, v33;
	v23 =	vor.u32 v60, v58;
	[tilespmem:v44+s17+$0x0] =	vst.idx.msk $0xffff, v47;
	v47 =	vld.idx.msk [tilespmem:v53+s3+$0x0], $0xffff  }
0x49: {  	v1 =	vmov v50;
	v50 =	vor.u32 v60, v24;
	v48 =	vld.idx.msk [tilespmem:v48+s3+$0x0], $0xffff  }
0x4a: {  	v27 =	vor.u32 v62, v35;
	[tilespmem:v49+s17+$0x0] =	vst.idx.msk $0xffff, v9;
	v57 =	vld.idx.msk [tilespmem:v57+s3+$0x0], $0xffff  }
0x4b: {  	v51 =	vor.u32 v60, v17;
	v45 =	vld.idx.msk [tilespmem:v45+s3+$0x0], $0xffff;
	v40 =	vor.u32 v6, v20;
	[tilespmem:v8+s17+$0x0] =	vst.idx.msk $0xffff, v63  }
0x4c: {  	v55 =	vor.u32 v61, v37;
	v44 =	vor.u32 v62, v39;
	[tilespmem:v54+s17+$0x0] =	vst.idx.msk $0xffff, v52;
	v54 =	vld.idx.msk [tilespmem:v0+s3+$0x0], $0xffff  }
0x4d: {  	v22 =	vor.u32 v61, v42;
	[tilespmem:v23+s17+$0x0] =	vst.idx.msk $0xffff, v47;
	v0 =	vld.idx.msk [tilespmem:v56+s3+$0x0], $0xffff;
	v56 =	vor.u32 v62, v32  }
0x4e: {  	v14 =	vmov v2;
	v2 =	vmov v59;
	v59 =	vor.u32 v61, v5;
	[tilespmem:v50+s17+$0x0] =	vst.idx.msk $0xffff, v48  }
0x4f: {  	v16 =	vor.u32 v61, v36;
	[tilespmem:v27+s17+$0x0] =	vst.idx.msk $0xffff, v57  }
0x50: {  	v8 =	vor.u32 v14, v35;
	[tilespmem:v51+s17+$0x0] =	vst.idx.msk $0xffff, v45;
	v53 =	vld.idx.msk [tilespmem:v40+s3+$0x0], $0xffff  }
0x51: {  	v25 =	vor.u32 v62, v34;
	v45 =	vld.idx.msk [tilespmem:v55+s3+$0x0], $0xffff;
	[tilespmem:v44+s17+$0x0] =	vst.idx.msk $0xffff, v54  }
0x52: {  	v63 =	vor.u32 v15, v35;
	v52 =	vor.u32 v62, v17;
	v22 =	vld.idx.msk [tilespmem:v22+s3+$0x0], $0xffff;
	[tilespmem:v56+s17+$0x0] =	vst.idx.msk $0xffff, v0  }
0x53: {  	v9 =	vor.u32 v62, v24;
	v51 =	vor.u32 v2, v20;
	v44 =	vld.idx.msk [tilespmem:v59+s3+$0x0], $0xffff;
	[tilespmem:$0x1FED0] =	vst v63  }
0x54: {  	v43 =	vor.u32 v10, v21;
	v49 =	vor.u32 v62, v58;
	v40 =	vor.u32 v6, v33;
	v16 =	vld.idx.msk [tilespmem:v16+s3+$0x0], $0xffff  }
0x55: {  	v26 =	vor.u32 v6, v29;
	v46 =	vor.u32 v6, v41;
	[tilespmem:v8+s17+$0x0] =	vst.idx.msk $0xffff, v53  }
0x56: {  	v31 =	vor.u32 v60, v21;
	v23 =	vor.u32 v6, v42;
	[tilespmem:v25+s17+$0x0] =	vst.idx.msk $0xffff, v45  }
0x57: {  	v18 =	vor.u32 v6, v37;
	v60 =	vor.u32 v6, v5;
	v38 =	vld.idx.msk [tilespmem:v38+s3+$0x0], $0xffff;
	[tilespmem:v52+s17+$0x0] =	vst.idx.msk $0xffff, v22  }
0x58: {  	v57 =	vor.u32 v6, v36;
	v59 =	vor.u32 v1, v35;
	v45 =	vld.idx.msk [tilespmem:v51+s3+$0x0], $0xffff;
	[tilespmem:v9+s17+$0x0] =	vst.idx.msk $0xffff, v44  }
0x59: {  	v6 =	vor.u32 v3, v37;
	v22 =	vld.idx.msk [tilespmem:v40+s3+$0x0], $0xffff;
	v40 =	vor.u32 v14, v32;
	[tilespmem:v49+s17+$0x0] =	vst.idx.msk $0xffff, v16  }
0x5a: {  	v30 =	vor.u32 v61, v29;
	v61 =	vor.u32 v14, v39;
	v46 =	vld.idx.msk [tilespmem:v46+s3+$0x0], $0xffff;
	[tilespmem:$0x1FEE0] =	vst v6  }
0x5b: {  	v25 =	vor.u32 v14, v17;
	v16 =	vld.idx.msk [tilespmem:v23+s3+$0x0], $0xffff  }
0x5c: {  	v56 =	vor.u32 v14, v24;
	[tilespmem:v43+s17+$0x0] =	vst.idx.msk $0xffff, v38;
	v23 =	vld.idx.msk [tilespmem:v60+s3+$0x0], $0xffff  }
0x5d: {  	[tilespmem:v59+s17+$0x0] =	vst.idx.msk $0xffff, v45  }
0x5e: {  	[tilespmem:v40+s17+$0x0] =	vst.idx.msk $0xffff, v22  }
0x5f: {  	[tilespmem:v61+s17+$0x0] =	vst.idx.msk $0xffff, v46  }
0x60: {  	v22 =	vld.idx.msk [tilespmem:v57+s3+$0x0], $0xffff;
	[tilespmem:v25+s17+$0x0] =	vst.idx.msk $0xffff, v16  }
0x61: {  	v6 =	vor.u32 v13, v34;
	v57 =	vld.idx.msk [tilespmem:v18+s3+$0x0], $0xffff;
	[tilespmem:v56+s17+$0x0] =	vst.idx.msk $0xffff, v23  }
0x62: {  	v19 =	vor.u32 v15, v39;
	v28 =	vor.u32 v62, v21;
	[tilespmem:$0x1FEF0] =	vst v6;
	v6 =	vld [tilespmem:$0x1FF00]  }
0x63: {  	v47 =	vor.u32 v14, v34;
	v48 =	vor.u32 v1, v34;
	v50 =	vor.u32 v1, v39  }
0x64: {  	v55 =	vor.u32 v12, v29;
	v27 =	vor.u32 v2, v37;
	v49 =	vor.u32 v3, v20  }
0x65: {  	v62 =	vor.u32 v2, v41;
	v54 =	vor.u32 v3, v41;
	v0 =	vor.u32 v2, v42  }
0x66: {  	v63 =	vor.u32 v2, v36;
	v8 =	vor.u32 v2, v5;
	v53 =	vor.u32 v14, v58  }
0x67: {  	v2 =	vor.u32 v2, v33;
	v52 =	vor.u32 v13, v39;
	v51 =	vor.u32 v4, v33  }
0x68: {  	v9 =	vor.u32 v11, v21;
	v44 =	vor.u32 v4, v42;
	v42 =	vor.u32 v3, v42  }
0x69: {  	v38 =	vmov v21;
	v40 =	vor.u32 v15, v32;
	v60 =	vor.u32 v1, v58;
	v45 =	vld.idx.msk [tilespmem:v49+s3+$0x0], $0xffff  }
0x6a: {  	v59 =	vor.u32 v3, v36;
	v18 =	vor.u32 v4, v37;
	v43 =	vor.u32 v1, v24;
	v25 =	vld.idx.msk [tilespmem:v6+s3+$0x0], $0xffff  }
0x6b: {  	v46 =	vor.u32 v4, v41;
	v21 =	vor.u32 v13, v58;
	v41 =	vor.u32 v15, v34;
	v61 =	vld.idx.msk [tilespmem:v62+s3+$0x0], $0xffff  }
0x6c: {  	v34 =	vor.u32 v3, v33;
	v23 =	vor.u32 v13, v35;
	[tilespmem:v53+s17+$0x0] =	vst.idx.msk $0xffff, v22;
	v35 =	vld.idx.msk [tilespmem:v2+s3+$0x0], $0xffff  }
0x6d: {  	v16 =	vor.u32 v1, v17;
	v62 =	vor.u32 v13, v24;
	[tilespmem:v47+s17+$0x0] =	vst.idx.msk $0xffff, v57;
	v37 =	vld.idx.msk [tilespmem:v8+s3+$0x0], $0xffff  }
0x6e: {  	v53 =	vor.u32 v13, v32;
	v57 =	vor.u32 v4, v36;
	v8 =	vor.u32 v1, v32;
	v36 =	vld.idx.msk [tilespmem:v0+s3+$0x0], $0xffff  }
0x6f: {  	s29 =	simm.s32 $0x8;
	v22 =	vor.u32 v13, v17;
	[tilespmem:v9+s17+$0x0] =	vst.idx.msk $0xffff, v25;
	v9 =	vor.u32 v3, v5;
	v25 =	vld.idx.msk [tilespmem:v63+s3+$0x0], $0xffff  }
.LBB2_4:
0x70: {  	v10 =	vld.idx.msk [tilespmem:v55+s3+$0x0], $0xffff  }
0x71: {  	v39 =	vld [tilespmem:$0x1FFF0]  }
0x72: {  	v6 =	vld [tilespmem:$0x1FF20]  }
0x73: {  	v2 =	vlaneseq.u32;
	s30 =	sadd.s32 $0x1, s29;
	[tilespmem:v50+s17+$0x0] =	vst.idx.msk $0xffff, v61;
	v7 =	vld [tilespmem:$0x1FF50]  }
0x74: {  	s1 =	sadd.s32 $0x7, s29;
	v3 =	vor.u32 v15, v17;
	v56 =	vmovc v18;
	v61 =	vmov v20;
	v18 =	vadd.s32 s30, v2;
	v20 =	vld.idx.msk [tilespmem:v54+s3+$0x0], $0xffff  }
0x75: {  	v32 =	vadd.s32 s29, v2;
	[tilespmem:$0x1FE50] =	vst v3;
	v17 =	vadd.s32 s1, v2;
	v3 =	vand.u32 $0x1F, v18;
	v18 =	vld [tilespmem:$0x1FFE0]  }
0x76: {  	v55 =	vand.u32 $0x1F, v32;
	v32 =	vand.u32 $0x1F, v17;
	v17 =	vld [tilespmem:$0x1FF60];
	[tilespmem:v8+s17+$0x0] =	vst.idx.msk $0xffff, v35  }
0x77: {  	[tilespmem:v23+s17+$0x0] =	vst.idx.msk $0xffff, v45;
	v23 =	vld.idx.msk [tilespmem:v27+s3+$0x0], $0xffff  }
0x78: {  	s30 =	sadd.s32 $0x2, s29;
	[tilespmem:v43+s17+$0x0] =	vst.idx.msk $0xffff, v37;
	v8 =	vld.idx.msk [tilespmem:v34+s3+$0x0], $0xffff  }
0x79: {  	s31 =	sadd.s32 $0x4, s29;
	v0 =	vmov v19;
	v19 =	vadd.s32 s30, v2;
	[tilespmem:v16+s17+$0x0] =	vst.idx.msk $0xffff, v36;
	v9 =	vld.idx.msk [tilespmem:v9+s3+$0x0], $0xffff  }
0x7a: {  	v11 =	vmovc v5;
	v12 =	vadd.s32 s31, v2;
	s31 =	sadd.s32 $0x5, s29;
	v50 =	vand.u32 $0x1F, v19;
	v33 =	vshll.u32 v32, $0x7;
	[tilespmem:v60+s17+$0x0] =	vst.idx.msk $0xffff, v25;
	v14 =	vld.idx.msk [tilespmem:v42+s3+$0x0], $0xffff  }
0x7b: {  	v63 =	vadd.s32 s31, v2;
	v5 =	vshll.u32 v50, $0x7;
	v13 =	vor.u32 v2, v33;
	[tilespmem:v31+s17+$0x0] =	vst.idx.msk $0xffff, v10;
	v10 =	vld.idx.msk [tilespmem:v59+s3+$0x0], $0xffff  }
0x7c: {  	v1 =	vor.u32 v15, v58;
	s0 =	sadd.s32 $0x6, s29;
	s30 =	sadd.s32 $0x3, s29;
	v16 =	vor.u32 v2, v5;
	v34 =	vand.u32 $0x1F, v63;
	v63 =	vld [tilespmem:$0x1FF30]  }
0x7d: {  	v19 =	vadd.s32 s0, v2;
	v25 =	vadd.s32 s30, v2;
	v43 =	vand.u32 $0x1F, v12;
	v12 =	vld.idx.msk [tilespmem:v30+s3+$0x0], $0xffff  }
0x7e: {  	v35 =	vshll.u32 v55, $0x7;
	v37 =	vand.u32 $0x1F, v19;
	v58 =	vand.u32 $0x1F, v25;
	[tilespmem:v52+s17+$0x0] =	vst.idx.msk $0xffff, v20;
	v20 =	vld [tilespmem:$0x1FF70]  }
0x7f: {  	v42 =	vshll.u32 v3, $0x7;
	v25 =	vor.u32 v2, v35;
	v19 =	vshll.u32 v37, $0x7;
	v47 =	vld.idx.msk [tilespmem:v46+s3+$0x0], $0xffff  }
0x80: {  	v36 =	vshll.u32 v58, $0x7;
	v45 =	vshll.u32 v34, $0x7;
	v59 =	vor.u32 v2, v42;
	v13 =	vld.idx.msk [tilespmem:v13+s3+$0x0], $0xffff  }
0x81: {  	v60 =	vor.u32 v2, v19;
	v30 =	vor.u32 v2, v36;
	v46 =	vshll.u32 v43, $0x7;
	v16 =	vld.idx.msk [tilespmem:v16+s3+$0x0], $0xffff  }
0x82: {  	v31 =	vor.u32 v2, v45;
	[tilespmem:v22+s17+$0x0] =	vst.idx.msk $0xffff, v14;
	v14 =	vor.u32 v2, v46;
	v2 =	vld [tilespmem:$0x1FF80]  }
0x83: {  	[tilespmem:v53+s17+$0x0] =	vst.idx.msk $0xffff, v8;
	v22 =	vld.idx.msk [tilespmem:v44+s3+$0x0], $0xffff  }
0x84: {  	[tilespmem:v28+s17+$0x0] =	vst.idx.msk $0xffff, v12;
	v12 =	vld.idx.msk [tilespmem:v51+s3+$0x0], $0xffff  }
0x85: {  	v49 =	vor.u32 v39, v32;
	[tilespmem:v62+s17+$0x0] =	vst.idx.msk $0xffff, v9;
	v26 =	vld.idx.msk [tilespmem:v26+s3+$0x0], $0xffff  }
0x86: {  	v9 =	vor.u32 v39, v50;
	[tilespmem:v21+s17+$0x0] =	vst.idx.msk $0xffff, v10;
	v51 =	vld.idx.msk [tilespmem:v25+s3+$0x0], $0xffff  }
0x87: {  	[tilespmem:v48+s17+$0x0] =	vst.idx.msk $0xffff, v23;
	v30 =	vld.idx.msk [tilespmem:v30+s3+$0x0], $0xffff  }
0x88: {  	v44 =	vor.u32 v18, v35;
	[tilespmem:v0+s17+$0x0] =	vst.idx.msk $0xffff, v47;
	v47 =	vld [tilespmem:$0x1FEC0]  }
0x89: {  	v11 =	vor.u32 v7, v11;
	[tilespmem:$0x1FE60] =	vst v44;
	v44 =	vld [tilespmem:$0x1FEE0]  }
0x8a: {  	v62 =	vor.u32 v7, v29;
	[tilespmem:v49+s17+$0x0] =	vst.idx.msk $0xffff, v13;
	v13 =	vor.u32 v63, v29;
	v29 =	vld.idx.msk [tilespmem:v57+s3+$0x0], $0xffff  }
0x8b: {  	[tilespmem:v9+s17+$0x0] =	vst.idx.msk $0xffff, v16;
	v9 =	vld.idx.msk [tilespmem:v60+s3+$0x0], $0xffff  }
0x8c: {  	v23 =	vor.u32 v18, v33;
	v16 =	vld.idx.msk [tilespmem:v31+s3+$0x0], $0xffff  }
0x8d: {  	v0 =	vor.u32 v39, v34;
	v60 =	vld [tilespmem:$0x1FEB0]  }
0x8e: {  	v14 =	vld.idx.msk [tilespmem:v14+s3+$0x0], $0xffff  }
0x8f: {  	v11 =	vld.idx.msk [tilespmem:v11+s3+$0x0], $0xffff  }
0x90: {  	v54 =	vor.u32 v15, v55;
	[tilespmem:v40+s17+$0x0] =	vst.idx.msk $0xffff, v12;
	v40 =	vld [tilespmem:$0x1FFD0]  }
0x91: {  	v52 =	vor.u32 v15, v43;
	v31 =	vor.u32 v39, v37;
	v23 =	vld.idx.msk [tilespmem:v23+s3+$0x0], $0xffff;
	[tilespmem:v1+s17+$0x0] =	vst.idx.msk $0xffff, v29  }
0x92: {  	v21 =	vld.idx.msk [tilespmem:v44+s3+$0x0], $0xffff;
	[tilespmem:v0+s17+$0x0] =	vst.idx.msk $0xffff, v16;
	v16 =	vor.u32 v15, v24;
	v15 =	vor.u32 v2, v55  }
0x93: {  	v10 =	vor.u32 v39, v43;
	[tilespmem:$0x1FEC0] =	vst v15;
	v15 =	vld [tilespmem:$0x1FEF0]  }
0x94: {  	v48 =	vor.u32 v39, v58;
	v25 =	vor.u32 v18, v45;
	v1 =	vld [tilespmem:$0x1FFA0];
	[tilespmem:v47+s17+$0x0] =	vst.idx.msk $0xffff, v26  }
0x95: {  	v28 =	vor.u32 v6, v38;
	v26 =	vor.u32 v18, v19;
	v60 =	vld.idx.msk [tilespmem:v60+s3+$0x0], $0xffff  }
0x96: {  	v49 =	vor.u32 v18, v46;
	v47 =	vld [tilespmem:$0x1FF40]  }
0x97: {  	v12 =	vor.u32 v18, v36;
	[tilespmem:v31+s17+$0x0] =	vst.idx.msk $0xffff, v9;
	v31 =	vld.idx.msk [tilespmem:v59+s3+$0x0], $0xffff;
	v24 =	vor.u32 v39, v3  }
0x98: {  	v8 =	vor.u32 v18, v5;
	v29 =	vor.u32 v18, v42;
	[tilespmem:v10+s17+$0x0] =	vst.idx.msk $0xffff, v14;
	v18 =	vld [tilespmem:$0x1FF90]  }
0x99: {  	[tilespmem:v48+s17+$0x0] =	vst.idx.msk $0xffff, v30;
	v25 =	vld.idx.msk [tilespmem:v25+s3+$0x0], $0xffff  }
0x9a: {  	v48 =	vld.idx.msk [tilespmem:v26+s3+$0x0], $0xffff;
	[tilespmem:v28+s17+$0x0] =	vst.idx.msk $0xffff, v60;
	v60 =	vor.u32 v7, v61;
	v61 =	vor.u32 v17, v37  }
0x9b: {  	v30 =	vld.idx.msk [tilespmem:v49+s3+$0x0], $0xffff;
	[tilespmem:v15+s17+$0x0] =	vst.idx.msk $0xffff, v21;
	v21 =	vor.u32 v20, v19  }
0x9c: {  	v10 =	vor.u32 v17, v43;
	v12 =	vld.idx.msk [tilespmem:v12+s3+$0x0], $0xffff;
	[tilespmem:v24+s17+$0x0] =	vst.idx.msk $0xffff, v31  }
0x9d: {  	v0 =	vor.u32 v17, v34;
	[tilespmem:v16+s17+$0x0] =	vst.idx.msk $0xffff, v11;
	v11 =	vld.idx.msk [tilespmem:v29+s3+$0x0], $0xffff  }
0x9e: {  	v44 =	vor.u32 v20, v46;
	v28 =	vld [tilespmem:$0x1FFC0]  }
0x9f: {  	v59 =	vor.u32 v18, v35;
	v24 =	vor.u32 v17, v58;
	v13 =	vld.idx.msk [tilespmem:v13+s3+$0x0], $0xffff;
	[tilespmem:v61+s17+$0x0] =	vst.idx.msk $0xffff, v48  }
0xa0: {  	[tilespmem:$0x1FEB0] =	vst v59;
	v59 =	vld.idx.msk [tilespmem:v21+s3+$0x0], $0xffff  }
0xa1: {  	v9 =	vor.u32 v47, v38;
	[tilespmem:v10+s17+$0x0] =	vst.idx.msk $0xffff, v30;
	v21 =	vld [tilespmem:$0x1FE50]  }
0xa2: {  	v4 =	vor.u32 v17, v50;
	v8 =	vld.idx.msk [tilespmem:v8+s3+$0x0], $0xffff;
	v15 =	vor.u32 v40, v35;
	[tilespmem:v0+s17+$0x0] =	vst.idx.msk $0xffff, v25  }
0xa3: {  	v57 =	vor.u32 v20, v5;
	[tilespmem:$0x1FE80] =	vst v15;
	v0 =	vld.idx.msk [tilespmem:v56+s3+$0x0], $0xffff  }
0xa4: {  	[tilespmem:v24+s17+$0x0] =	vst.idx.msk $0xffff, v12;
	v24 =	vld.idx.msk [tilespmem:v44+s3+$0x0], $0xffff;
	v15 =	vor.u32 v28, v55  }
0xa5: {  	v38 =	vor.u32 v20, v45;
	v25 =	vor.u32 v17, v3;
	[tilespmem:$0x1FE90] =	vst v15;
	v15 =	vld [tilespmem:$0x1FFB0]  }
0xa6: {  	v16 =	vor.u32 v20, v42;
	v48 =	vld.idx.msk [tilespmem:v60+s3+$0x0], $0xffff;
	[tilespmem:v9+s17+$0x0] =	vst.idx.msk $0xffff, v13  }
0xa7: {  	v27 =	vor.u32 v17, v32;
	[tilespmem:v4+s17+$0x0] =	vst.idx.msk $0xffff, v8;
	v60 =	vld.idx.msk [tilespmem:v62+s3+$0x0], $0xffff  }
0xa8: {  	v53 =	vor.u32 v39, v55;
	v29 =	vor.u32 v1, v43;
	v62 =	vld.idx.msk [tilespmem:v57+s3+$0x0], $0xffff;
	[tilespmem:v41+s17+$0x0] =	vst.idx.msk $0xffff, v0  }
0xa9: {  	v39 =	vor.u32 v20, v36;
	v14 =	vor.u32 v1, v50;
	[tilespmem:v21+s17+$0x0] =	vst.idx.msk $0xffff, v22;
	v21 =	vld [tilespmem:$0x1FED0]  }
0xaa: {  	v10 =	vor.u32 v1, v34;
	v38 =	vld.idx.msk [tilespmem:v38+s3+$0x0], $0xffff;
	[tilespmem:v25+s17+$0x0] =	vst.idx.msk $0xffff, v11  }
0xab: {  	v41 =	vor.u32 v1, v3;
	v0 =	vor.u32 v15, v5;
	v16 =	vld.idx.msk [tilespmem:v16+s3+$0x0], $0xffff  }
0xac: {  	[tilespmem:v27+s17+$0x0] =	vst.idx.msk $0xffff, v23;
	v27 =	vor.u32 v1, v32;
	v30 =	vor.u32 v15, v45  }
0xad: {  	v9 =	vor.u32 v1, v37;
	v13 =	vor.u32 v20, v33;
	[tilespmem:v29+s17+$0x0] =	vst.idx.msk $0xffff, v24  }
0xae: {  	v12 =	vor.u32 v1, v58;
	v8 =	vld.idx.msk [tilespmem:v39+s3+$0x0], $0xffff;
	v56 =	vor.u32 v28, v34;
	[tilespmem:v14+s17+$0x0] =	vst.idx.msk $0xffff, v62  }
0xaf: {  	v39 =	vor.u32 v28, v37;
	v61 =	vmov v54;
	v22 =	vor.u32 v15, v19;
	[tilespmem:v10+s17+$0x0] =	vst.idx.msk $0xffff, v38  }
0xb0: {  	v49 =	vor.u32 v15, v46;
	v11 =	vor.u32 v28, v50;
	v0 =	vld.idx.msk [tilespmem:v0+s3+$0x0], $0xffff;
	[tilespmem:v41+s17+$0x0] =	vst.idx.msk $0xffff, v16  }
0xb1: {  	v54 =	vor.u32 v63, v46;
	v44 =	vor.u32 v15, v36;
	v16 =	vld.idx.msk [tilespmem:v30+s3+$0x0], $0xffff;
	[tilespmem:v21+s17+$0x0] =	vst.idx.msk $0xffff, v48  }
0xb2: {  	v29 =	vor.u32 v28, v3;
	v23 =	vor.u32 v15, v42;
	[tilespmem:v9+s17+$0x0] =	vst.idx.msk $0xffff, v59;
	v9 =	vld.idx.msk [tilespmem:v13+s3+$0x0], $0xffff  }
0xb3: {  	v57 =	vor.u32 v40, v36;
	[tilespmem:v12+s17+$0x0] =	vst.idx.msk $0xffff, v8;
	v26 =	vor.u32 v15, v35;
	v59 =	vld [tilespmem:$0x1FEA0]  }
0xb4: {  	v31 =	vmov v55;
	[tilespmem:$0x1FE70] =	vst v26;
	v26 =	vor.u32 v1, v55;
	v55 =	vor.u32 v15, v33;
	v22 =	vld.idx.msk [tilespmem:v22+s3+$0x0], $0xffff  }
0xb5: {  	v25 =	vor.u32 v40, v19;
	v38 =	vld.idx.msk [tilespmem:v49+s3+$0x0], $0xffff;
	[tilespmem:v11+s17+$0x0] =	vst.idx.msk $0xffff, v0;
	v48 =	vor.u32 v28, v43  }
0xb6: {  	v8 =	vor.u32 v2, v37;
	v4 =	vld.idx.msk [tilespmem:v44+s3+$0x0], $0xffff;
	v21 =	vor.u32 v40, v45;
	[tilespmem:$0x1FEA0] =	vst v61  }
0xb7: {  	v12 =	vor.u32 v40, v33;
	v23 =	vld.idx.msk [tilespmem:v23+s3+$0x0], $0xffff;
	v13 =	vor.u32 v40, v46;
	[tilespmem:v56+s17+$0x0] =	vst.idx.msk $0xffff, v16  }
0xb8: {  	v24 =	vmov v50;
	v14 =	vor.u32 v18, v5;
	v61 =	vor.u32 v28, v58;
	v16 =	vld [tilespmem:$0x1FF10];
	[tilespmem:v27+s17+$0x0] =	vst.idx.msk $0xffff, v9  }
0xb9: {  	v62 =	vor.u32 v2, v3;
	[tilespmem:v39+s17+$0x0] =	vst.idx.msk $0xffff, v22;
	v22 =	vld.idx.msk [tilespmem:v55+s3+$0x0], $0xffff;
	v55 =	vor.u32 v28, v32  }
0xba: {  	v10 =	vor.u32 v40, v42;
	v15 =	vor.u32 v18, v46;
	[tilespmem:v48+s17+$0x0] =	vst.idx.msk $0xffff, v38;
	v25 =	vld.idx.msk [tilespmem:v25+s3+$0x0], $0xffff  }
0xbb: {  	v56 =	vld.idx.msk [tilespmem:v21+s3+$0x0], $0xffff;
	[tilespmem:v59+s17+$0x0] =	vst.idx.msk $0xffff, v60;
	v59 =	vor.u32 v40, v5;
	v40 =	vor.u32 v18, v19  }
0xbc: {  	v50 =	vor.u32 v6, v43;
	v49 =	vor.u32 v2, v34;
	[tilespmem:v29+s17+$0x0] =	vst.idx.msk $0xffff, v23;
	v13 =	vld.idx.msk [tilespmem:v13+s3+$0x0], $0xffff  }
0xbd: {  	v44 =	vor.u32 v7, v42;
	v41 =	vor.u32 v2, v24;
	[tilespmem:v61+s17+$0x0] =	vst.idx.msk $0xffff, v4;
	v61 =	vld [tilespmem:$0x1FE60]  }
0xbe: {  	v30 =	vor.u32 v18, v42;
	v9 =	vor.u32 v2, v43;
	v39 =	vld [tilespmem:$0x1FF10];
	[tilespmem:v55+s17+$0x0] =	vst.idx.msk $0xffff, v22  }
0xbf: {  	v42 =	vor.u32 v63, v42;
	v10 =	vld.idx.msk [tilespmem:v10+s3+$0x0], $0xffff;
	v22 =	vor.u32 v63, v45;
	[tilespmem:v8+s17+$0x0] =	vst.idx.msk $0xffff, v25  }
0xc0: {  	v46 =	vor.u32 v7, v46;
	[tilespmem:$0x1FEE0] =	vst v22;
	v25 =	vor.u32 v6, v37;
	v22 =	vld.idx.msk [tilespmem:v40+s3+$0x0], $0xffff  }
0xc1: {  	v48 =	vor.u32 v6, v34;
	v38 =	vmov v31;
	v4 =	vld.idx.msk [tilespmem:v57+s3+$0x0], $0xffff;
	[tilespmem:v53+s17+$0x0] =	vst.idx.msk $0xffff, v51  }
0xc2: {  	v23 =	vor.u32 v2, v32;
	v57 =	vor.u32 v18, v33;
	[tilespmem:v49+s17+$0x0] =	vst.idx.msk $0xffff, v56;
	v8 =	vld.idx.msk [tilespmem:v12+s3+$0x0], $0xffff  }
0xc3: {  	[tilespmem:v9+s17+$0x0] =	vst.idx.msk $0xffff, v13;
	v1 =	vor.u32 v39, v37;
	v12 =	vor.u32 v17, v31;
	v31 =	vmov v26;
	v26 =	vld [tilespmem:$0x1FE80]  }
0xc4: {  	v21 =	vor.u32 v47, v58;
	v27 =	vor.u32 v18, v45;
	[tilespmem:$0x1FED0] =	vst v1;
	v11 =	vld.idx.msk [tilespmem:v59+s3+$0x0], $0xffff  }
0xc5: {  	v53 =	vor.u32 v47, v34;
	v1 =	vor.u32 v2, v58;
	[tilespmem:v25+s17+$0x0] =	vst.idx.msk $0xffff, v22;
	v22 =	vld.idx.msk [tilespmem:v61+s3+$0x0], $0xffff  }
0xc6: {  	v29 =	vmov v35;
	v28 =	vor.u32 v18, v36;
	v60 =	vor.u32 v6, v58;
	[tilespmem:$0x1FEF0] =	vst v53;
	v61 =	vld.idx.msk [tilespmem:v15+s3+$0x0], $0xffff  }
0xc7: {  	v18 =	vor.u32 v7, v45;
	v55 =	vor.u32 v20, v35;
	v20 =	vmov v19;
	[tilespmem:v23+s17+$0x0] =	vst.idx.msk $0xffff, v8;
	v15 =	vld [tilespmem:$0x1FF10]  }
0xc8: {  	v51 =	vor.u32 v7, v33;
	[tilespmem:v62+s17+$0x0] =	vst.idx.msk $0xffff, v10;
	v39 =	vor.u32 v63, v20;
	v35 =	vld.idx.msk [tilespmem:v57+s3+$0x0], $0xffff  }
0xc9: {  	p2 =	slt.u32 s29, $0x18;
	v62 =	vor.u32 v47, v24;
	v59 =	vor.u32 v63, v36;
	v57 =	vor.u32 v7, v36;
	v36 =	vld.idx.msk [tilespmem:v30+s3+$0x0], $0xffff  }
.Ltmp5:
0xca: {  	v53 =	vor.u32 v47, v32;
	v9 =	vor.u32 v63, v5;
	[tilespmem:v1+s17+$0x0] =	vst.idx.msk $0xffff, v4;
	v30 =	vld [tilespmem:$0x1FE70];
	(pc) =	sbr.rel @p2 .LBB2_4-.Ltmp5, $4  }
0xcb: {  	v19 =	vmov v52;
	v52 =	vor.u32 v47, v43;
	v43 =	vor.u32 v6, v24;
	v25 =	vld.idx.msk [tilespmem:v28+s3+$0x0], $0xffff  }
0xcc: {  	v17 =	vmovc v3;
	v40 =	vor.u32 v16, v32;
	v16 =	vor.u32 v6, v3;
	v23 =	vor.u32 v47, v37;
	v28 =	vld [tilespmem:$0x1FE90]  }
0xcd: {  	v8 =	vor.u32 v6, v32;
	[tilespmem:v41+s17+$0x0] =	vst.idx.msk $0xffff, v11;
	v45 =	vld.idx.msk [tilespmem:v39+s3+$0x0], $0xffff;
	v41 =	vor.u32 v15, v34  }
0xce: {  	s29 =	sadd.s32 $0x8, s29;
	v37 =	vld.idx.msk [tilespmem:v14+s3+$0x0], $0xffff;
	v34 =	vor.u32 v63, v33;
	[tilespmem:v12+s17+$0x0] =	vst.idx.msk $0xffff, v22;
	v22 =	vor.u32 v47, v3  }
0xcf: {  	_ =	sdelay $0x3  }
0xd0: {  	v0 =	vld.idx.msk [tilespmem:v55+s3+$0x0], $0xffff;
	_ =	sdelay $0x4  }
0xd1: {  	[tilespmem:v31+s17+$0x0] =	vst.idx.msk $0xffff, v0  }
0xd2: {  	[tilespmem:v50+s17+$0x0] =	vst.idx.msk $0xffff, v61;
	v0 =	vld.idx.msk [tilespmem:v30+s3+$0x0], $0xffff  }
0xd3: {  	[tilespmem:v8+s17+$0x0] =	vst.idx.msk $0xffff, v35  }
0xd4: {  	[tilespmem:v16+s17+$0x0] =	vst.idx.msk $0xffff, v36  }
0xd5: {  	[tilespmem:v60+s17+$0x0] =	vst.idx.msk $0xffff, v25  }
0xd6: {  	[tilespmem:v43+s17+$0x0] =	vst.idx.msk $0xffff, v37  }
0xd7: {  	[tilespmem:v28+s17+$0x0] =	vst.idx.msk $0xffff, v0  }
0xd8: {  	v2 =	vld [tilespmem:$0x1FEC0];
	_ =	sdelay $0x2  }
0xd9: {  	v0 =	vld.idx.msk [tilespmem:v26+s3+$0x0], $0xffff;
	_ =	sdelay $0x3  }
0xda: {  	[tilespmem:v23+s17+$0x0] =	vst.idx.msk $0xffff, v45  }
0xdb: {  	v3 =	vld.idx.msk [tilespmem:v27+s3+$0x0], $0xffff;
	[tilespmem:v2+s17+$0x0] =	vst.idx.msk $0xffff, v0  }
0xdc: {  	v2 =	vld [tilespmem:$0x1FEB0]  }
0xdd: {  	v1 =	vld.idx.msk [tilespmem:v54+s3+$0x0], $0xffff  }
0xde: {  	v6 =	vld.idx.msk [tilespmem:v9+s3+$0x0], $0xffff  }
0xdf: {  	v50 =	vld [tilespmem:$0x1FF20]  }
0xe0: {  	v4 =	vld.idx.msk [tilespmem:v34+s3+$0x0], $0xffff  }
0xe1: {  	v10 =	vld.idx.msk [tilespmem:v42+s3+$0x0], $0xffff  }
0xe2: {  	v9 =	vld.idx.msk [tilespmem:v59+s3+$0x0], $0xffff;
	[tilespmem:v52+s17+$0x0] =	vst.idx.msk $0xffff, v1  }
0xe3: {  	v16 =	vld [tilespmem:$0x1FF30]  }
0xe4: {  	[tilespmem:v62+s17+$0x0] =	vst.idx.msk $0xffff, v6;
	v0 =	vor.u32 v50, v38;
	v8 =	vld.idx.msk [tilespmem:v2+s3+$0x0], $0xffff  }
0xe5: {  	v6 =	vld.idx.msk [tilespmem:v46+s3+$0x0], $0xffff;
	[tilespmem:v48+s17+$0x0] =	vst.idx.msk $0xffff, v3  }
0xe6: {  	v54 =	vld [tilespmem:$0x1FF50];
	[tilespmem:v53+s17+$0x0] =	vst.idx.msk $0xffff, v4  }
0xe7: {  	v2 =	vld [tilespmem:$0x1FEE0]  }
0xe8: {  	[tilespmem:v21+s17+$0x0] =	vst.idx.msk $0xffff, v9  }
0xe9: {  	[tilespmem:v0+s17+$0x0] =	vst.idx.msk $0xffff, v8  }
0xea: {  	v52 =	vld [tilespmem:$0x1FF40];
	[tilespmem:v22+s17+$0x0] =	vst.idx.msk $0xffff, v10  }
0xeb: {  	[tilespmem:v19+s17+$0x0] =	vst.idx.msk $0xffff, v6  }
0xec: {  	v3 =	vor.u32 v54, v5;
	v5 =	vld [tilespmem:$0x1FEF0];
	_ =	sdelay $0x2  }
0xed: {  	v1 =	vor.u32 v16, v29;
	v4 =	vld.idx.msk [tilespmem:v2+s3+$0x0], $0xffff  }
0xee: {  	v11 =	vld.idx.msk [tilespmem:v51+s3+$0x0], $0xffff  }
0xef: {  	v9 =	vor.u32 v15, v58;
	v12 =	vld.idx.msk [tilespmem:v57+s3+$0x0], $0xffff  }
0xf0: {  	v13 =	vor.u32 v15, v17;
	v14 =	vld.idx.msk [tilespmem:v44+s3+$0x0], $0xffff  }
0xf1: {  	v3 =	vld.idx.msk [tilespmem:v3+s3+$0x0], $0xffff;
	v2 =	vor.u32 v15, v24  }
0xf2: {  	v1 =	vld.idx.msk [tilespmem:v1+s3+$0x0], $0xffff;
	v0 =	vor.u32 v52, v38;
	[tilespmem:v5+s17+$0x0] =	vst.idx.msk $0xffff, v4  }
0xf3: {  	[tilespmem:v40+s17+$0x0] =	vst.idx.msk $0xffff, v11;
	v4 =	vld.idx.msk [tilespmem:v18+s3+$0x0], $0xffff  }
0xf4: {  	[tilespmem:v9+s17+$0x0] =	vst.idx.msk $0xffff, v12  }
0xf5: {  	[tilespmem:v13+s17+$0x0] =	vst.idx.msk $0xffff, v14  }
0xf6: {  	[tilespmem:v2+s17+$0x0] =	vst.idx.msk $0xffff, v3  }
0xf7: {  	v8 =	vor.u32 v54, v20;
	[tilespmem:v0+s17+$0x0] =	vst.idx.msk $0xffff, v1  }
0xf8: {  	[tilespmem:v41+s17+$0x0] =	vst.idx.msk $0xffff, v4  }
0xf9: {  	v1 =	vld [tilespmem:$0x1FED0];
	_ =	sdelay $0x2  }
0xfa: {  	v8 =	vld.idx.msk [tilespmem:v8+s3+$0x0], $0xffff;
	_ =	sdelay $0x3  }
0xfb: {  	v10 =	vor.u32 v54, v29  }
0xfc: {  	[tilespmem:v1+s17+$0x0] =	vst.idx.msk $0xffff, v8  }
0xfd: {  	v1 =	vld [tilespmem:$0x1FEA0];
	_ =	sdelay $0x2  }
0xfe: {  	v0 =	vld.idx.msk [tilespmem:v10+s3+$0x0], $0xffff;
	_ =	sdelay $0x4  }
0xff: {  	[tilespmem:v1+s17+$0x0] =	vst.idx.msk $0xffff, v0  }
0x100: {  	v63 =	vld [tilespmem:$0x1FF60]  }
0x101: {  	v56 =	vld [tilespmem:$0x1FF70]  }
0x102: {  	s0 =	sshll.u32 s28, $0x9;
	v60 =	vld [tilespmem:$0x1FFA0]  }
0x103: {  	s0 =	sadd.s32 s6, s0;
	v61 =	vld [tilespmem:$0x1FFB0]  }
0x104: {  	[hbm4b:s0+s3] =	stream.linear.scatter [tilespmem:s17], [sflag:$0x3], $0x1000, $0x38;
	v62 =	vld [tilespmem:$0x1FFC0]  }
0x105: {  	s0 =	sadd.s32 s8, s26;
	v6 =	vld [tilespmem:$0x1FFD0]  }
0x106: {  	v2 =	vld [tilespmem:$0x1FF80];
	p2 =	sgt.u32 s0, $0x1E83  }
0x107: {  	v59 =	vld [tilespmem:$0x1FF90];
	s0 =	sshll.u32 @!p2 s0, $0x7;
	s1 =	simm.s32 @!p2 $0x400  }
0x108: {  	v10 =	vld [tilespmem:$0x1FFF0];
	s29 =	simm.s32 @!p2 $0x7A1400;
	s30 =	simm.s32 @!p2 $0x0;
	s0 =	sadd.s32 @!p2 s2, s0  }
0x109: {  	v53 =	vmov v16;
	v13 =	vlaneseq.u32;
	v7 =	vld [tilespmem:$0x1FFE0];
	[tilespmem:s30], [sflag:$0x1] =	stream.strided.gather @!p2 [hbm4b:s0+s1], $0x1000, s29, s1, $0x38  }
.LBB2_6:
0x10a: {  	s28 =	sor.u32 $0x20, s28  }
0x10b: {  	p2 =	sgt.u32 s28, $0x1E83  }
.Ltmp6:
0x10c: {  	_ = 	snop;
	(pc) =	sbr.rel @p2 .LBB2_10-.Ltmp6, $1  }
0x10d: {  	_ =	sdelay $0x3  }
0x10e: {  	s0 =	simm.s32 $0x0  }
0x10f: {  	s30 =	simm.s32 $0x1;
	s1 =	simm.s32 $0x4;
	v0 =	vadd.s32 s0, v13  }
0x110: {  	s29 =	simm.s32 $0x7;
	s31 =	simm.s32 $0x2;
	v1 =	vadd.s32 s30, v13;
	v46 =	vadd.s32 s1, v13;
	v55 =	vand.u32 $0x1F, v0  }
0x111: {  	v3 =	vadd.s32 s29, v13;
	v47 =	vadd.s32 s31, v13;
	s1 =	simm.s32 $0x6;
	v48 =	vor.u32 v15, v55  }
0x112: {  	s30 =	simm.s32 $0x5;
	v32 =	vand.u32 $0x1F, v3;
	v24 =	vand.u32 $0x1F, v47;
	v49 =	vadd.s32 s1, v13;
	[tilespmem:$0x1FDE0] =	vst v48  }
0x113: {  	v4 =	vadd.s32 s30, v13;
	v39 =	vand.u32 $0x1F, v46;
	v17 =	vshll.u32 v24, $0x7;
	_ =	swait.ge [sflag:s18], $0x1000  }
0x114: {  	v33 =	vshll.u32 v32, $0x7;
	v35 =	vand.u32 $0x1F, v49;
	v51 =	vor.u32 v13, v17;
	[sflag:s18] =	ssyncset.done $0x0  }
0x115: {  	s0 =	simm.s32 @!p1 $0x4;
	s31 =	simm.s32 $0x3;
	v34 =	vand.u32 $0x1F, v4;
	v45 =	vor.u32 v13, v33;
	v18 =	vshll.u32 v35, $0x7;
	[sflag:s18] =	ssyncadd.s32 $0xFFFFF000  }
0x116: {  	v4 =	vadd.s32 s31, v13;
	v37 =	vshll.u32 v34, $0x7;
	v46 =	vor.u32 v13, v18;
	_ =	swait.ge @!p1 [sflag:s0], $0x1000  }
0x117: {  	v41 =	vshll.u32 v39, $0x7;
	v19 =	vand.u32 $0x1F, v4;
	v8 =	vor.u32 v13, v37;
	[sflag:s0] =	ssyncset.done @!p1 $0x0  }
0x118: {  	v21 =	vmovc v10;
	v57 =	vand.u32 $0x1F, v1;
	v47 =	vor.u32 v13, v41;
	v36 =	vshll.u32 v19, $0x7;
	[sflag:s0] =	ssyncadd.s32 @!p1 $0xFFFFF000  }
0x119: {  	v5 =	vor.u32 v15, v39;
	v4 =	vor.u32 v10, v24;
	v10 =	vor.u32 v13, v36;
	v3 =	vld.idx.msk [tilespmem:v51+s15+$0x0], $0xffff  }
0x11a: {  	v20 =	vmovc v2;
	v29 =	vshll.u32 v55, $0x7;
	v42 =	vshll.u32 v57, $0x7;
	v11 =	vor.u32 v21, v32;
	v0 =	vld.idx.msk [tilespmem:v45+s15+$0x0], $0xffff;
	[tilespmem:$0x1FDF0] =	vst v5  }
0x11b: {  	v9 =	vor.u32 v13, v29;
	v12 =	vor.u32 v13, v42;
	v13 =	vor.u32 v21, v35;
	v2 =	vld.idx.msk [tilespmem:v46+s15+$0x0], $0xffff  }
0x11c: {  	v15 =	vor.u32 v21, v34;
	v8 =	vld.idx.msk [tilespmem:v8+s15+$0x0], $0xffff  }
0x11d: {  	v23 =	vor.u32 v21, v39;
	v22 =	vor.u32 v7, v37;
	v1 =	vld.idx.msk [tilespmem:v47+s15+$0x0], $0xffff  }
0x11e: {  	v48 =	vor.u32 v7, v41;
	v49 =	vor.u32 v21, v19;
	[tilespmem:v4+s19+$0x0] =	vst.idx.msk $0xffff, v3;
	v4 =	vld.idx.msk [tilespmem:v10+s15+$0x0], $0xffff  }
0x11f: {  	[tilespmem:v11+s19+$0x0] =	vst.idx.msk $0xffff, v0;
	v10 =	vor.u32 v7, v18  }
0x120: {  	[tilespmem:v13+s19+$0x0] =	vst.idx.msk $0xffff, v2  }
0x121: {  	v27 =	vor.u32 v63, v39;
	v12 =	vld.idx.msk [tilespmem:v12+s15+$0x0], $0xffff;
	[tilespmem:v15+s19+$0x0] =	vst.idx.msk $0xffff, v8  }
0x122: {  	v16 =	vor.u32 v7, v33;
	v8 =	vor.u32 v21, v57;
	[tilespmem:v23+s19+$0x0] =	vst.idx.msk $0xffff, v1;
	v22 =	vld.idx.msk [tilespmem:v22+s15+$0x0], $0xffff  }
0x123: {  	v5 =	vor.u32 v59, v29;
	v13 =	vor.u32 v7, v36;
	v3 =	vld.idx.msk [tilespmem:v48+s15+$0x0], $0xffff;
	[tilespmem:v49+s19+$0x0] =	vst.idx.msk $0xffff, v4  }
0x124: {  	v51 =	vld.idx.msk [tilespmem:v10+s15+$0x0], $0xffff;
	v4 =	vor.u32 v63, v35;
	[tilespmem:$0x1FE00] =	vst v5;
	v5 =	vor.u32 v20, v55  }
0x125: {  	v30 =	vor.u32 v56, v18;
	[tilespmem:$0x1FE10] =	vst v5;
	v5 =	vor.u32 v6, v29  }
0x126: {  	v38 =	vor.u32 v60, v24;
	v14 =	vor.u32 v7, v17;
	v15 =	vor.u32 v63, v34;
	[tilespmem:$0x1FE20] =	vst v5  }
0x127: {  	v58 =	vor.u32 v60, v39;
	v23 =	vor.u32 v7, v42;
	[tilespmem:v8+s19+$0x0] =	vst.idx.msk $0xffff, v12  }
0x128: {  	v10 =	vor.u32 v56, v41;
	v8 =	vor.u32 v63, v19;
	v13 =	vld.idx.msk [tilespmem:v13+s15+$0x0], $0xffff;
	[tilespmem:v27+s19+$0x0] =	vst.idx.msk $0xffff, v3  }
0x129: {  	v2 =	vor.u32 v63, v32;
	v1 =	vor.u32 v56, v37;
	v3 =	vld.idx.msk [tilespmem:v16+s15+$0x0], $0xffff;
	[tilespmem:v4+s19+$0x0] =	vst.idx.msk $0xffff, v51  }
0x12a: {  	v31 =	vor.u32 v60, v55;
	v44 =	vor.u32 v56, v33;
	v27 =	vor.u32 v60, v35;
	v4 =	vld.idx.msk [tilespmem:v30+s15+$0x0], $0xffff  }
0x12b: {  	v11 =	vor.u32 v63, v24;
	[tilespmem:v15+s19+$0x0] =	vst.idx.msk $0xffff, v22;
	v15 =	vor.u32 v56, v36;
	v14 =	vld.idx.msk [tilespmem:v14+s15+$0x0], $0xffff  }
0x12c: {  	v25 =	vor.u32 v56, v17;
	v46 =	vor.u32 v61, v18;
	v12 =	vor.u32 v63, v57;
	v23 =	vld.idx.msk [tilespmem:v23+s15+$0x0], $0xffff  }
0x12d: {  	v47 =	vor.u32 v61, v41;
	v16 =	vor.u32 v56, v42;
	v10 =	vld.idx.msk [tilespmem:v10+s15+$0x0], $0xffff;
	[tilespmem:v8+s19+$0x0] =	vst.idx.msk $0xffff, v13  }
0x12e: {  	v22 =	vor.u32 v60, v34;
	v1 =	vld.idx.msk [tilespmem:v1+s15+$0x0], $0xffff;
	v8 =	vor.u32 v60, v19;
	[tilespmem:v2+s19+$0x0] =	vst.idx.msk $0xffff, v3  }
0x12f: {  	v13 =	vor.u32 v60, v57;
	v60 =	vor.u32 v60, v32;
	[tilespmem:v27+s19+$0x0] =	vst.idx.msk $0xffff, v4;
	v27 =	vld.idx.msk [tilespmem:v44+s15+$0x0], $0xffff  }
0x130: {  	[tilespmem:v11+s19+$0x0] =	vst.idx.msk $0xffff, v14;
	v14 =	vor.u32 v61, v33;
	v15 =	vld.idx.msk [tilespmem:v15+s15+$0x0], $0xffff  }
0x131: {  	[tilespmem:v12+s19+$0x0] =	vst.idx.msk $0xffff, v23;
	v25 =	vld.idx.msk [tilespmem:v25+s15+$0x0], $0xffff  }
0x132: {  	v26 =	vor.u32 v61, v29;
	v45 =	vor.u32 v61, v37;
	[tilespmem:v58+s19+$0x0] =	vst.idx.msk $0xffff, v10;
	v16 =	vld.idx.msk [tilespmem:v16+s15+$0x0], $0xffff  }
0x133: {  	v48 =	vor.u32 v61, v17;
	v11 =	vor.u32 v62, v35;
	[tilespmem:v22+s19+$0x0] =	vst.idx.msk $0xffff, v1;
	v46 =	vld.idx.msk [tilespmem:v46+s15+$0x0], $0xffff  }
0x134: {  	v2 =	vor.u32 v61, v36;
	v12 =	vor.u32 v62, v39;
	[tilespmem:v60+s19+$0x0] =	vst.idx.msk $0xffff, v27;
	v27 =	vld.idx.msk [tilespmem:v47+s15+$0x0], $0xffff  }
0x135: {  	v3 =	vor.u32 v61, v42;
	v61 =	vor.u32 v62, v32;
	[tilespmem:v8+s19+$0x0] =	vst.idx.msk $0xffff, v15;
	v14 =	vld.idx.msk [tilespmem:v14+s15+$0x0], $0xffff  }
0x136: {  	[tilespmem:v38+s19+$0x0] =	vst.idx.msk $0xffff, v25  }
0x137: {  	[tilespmem:v13+s19+$0x0] =	vst.idx.msk $0xffff, v16  }
0x138: {  	[tilespmem:v11+s19+$0x0] =	vst.idx.msk $0xffff, v46  }
0x139: {  	v23 =	vor.u32 v6, v18;
	[tilespmem:v12+s19+$0x0] =	vst.idx.msk $0xffff, v27  }
0x13a: {  	[tilespmem:v61+s19+$0x0] =	vst.idx.msk $0xffff, v14  }
0x13b: {  	v5 =	vld [tilespmem:$0x1FF10];
	_ =	sdelay $0x2  }
0x13c: {  	v15 =	vld.idx.msk [tilespmem:v23+s15+$0x0], $0xffff;
	v23 =	vor.u32 v20, v35  }
0x13d: {  	v40 =	vor.u32 v21, v55;
	v21 =	vor.u32 v62, v55;
	v4 =	vor.u32 v62, v34;
	v16 =	vld.idx.msk [tilespmem:v45+s15+$0x0], $0xffff  }
0x13e: {  	v49 =	vor.u32 v62, v57;
	v1 =	vor.u32 v62, v24;
	v3 =	vld.idx.msk [tilespmem:v3+s15+$0x0], $0xffff;
	v5 =	vor.u32 v5, v35  }
0x13f: {  	v44 =	vor.u32 v62, v19;
	v62 =	vor.u32 v59, v18;
	v48 =	vld.idx.msk [tilespmem:v48+s15+$0x0], $0xffff;
	[tilespmem:$0x1FE30] =	vst v5  }
0x140: {  	v58 =	vor.u32 v6, v33;
	v2 =	vld.idx.msk [tilespmem:v2+s15+$0x0], $0xffff  }
0x141: {  	v10 =	vor.u32 v6, v41;
	[tilespmem:v23+s19+$0x0] =	vst.idx.msk $0xffff, v15  }
0x142: {  	v8 =	vor.u32 v6, v42;
	[tilespmem:v4+s19+$0x0] =	vst.idx.msk $0xffff, v16  }
0x143: {  	v0 =	vor.u32 v6, v37;
	v22 =	vor.u32 v6, v17;
	v9 =	vld.idx.msk [tilespmem:v9+s15+$0x0], $0xffff;
	[tilespmem:v49+s19+$0x0] =	vst.idx.msk $0xffff, v3  }
0x144: {  	v11 =	vor.u32 v6, v36;
	v23 =	vor.u32 v50, v35;
	[tilespmem:v1+s19+$0x0] =	vst.idx.msk $0xffff, v48;
	v16 =	vld.idx.msk [tilespmem:v62+s15+$0x0], $0xffff  }
0x145: {  	v61 =	vor.u32 v20, v32;
	v60 =	vld.idx.msk [tilespmem:v58+s15+$0x0], $0xffff;
	v62 =	vor.u32 v53, v37;
	[tilespmem:v44+s19+$0x0] =	vst.idx.msk $0xffff, v2  }
0x146: {  	v43 =	vor.u32 v7, v29;
	v10 =	vld.idx.msk [tilespmem:v10+s15+$0x0], $0xffff;
	[tilespmem:$0x1FE40] =	vst v62  }
0x147: {  	v51 =	vor.u32 v20, v19;
	v30 =	vmov v54;
	v25 =	vor.u32 v20, v39;
	v2 =	vld.idx.msk [tilespmem:v8+s15+$0x0], $0xffff  }
0x148: {  	v38 =	vor.u32 v50, v34;
	v4 =	vor.u32 v20, v57;
	[tilespmem:v40+s19+$0x0] =	vst.idx.msk $0xffff, v9;
	v8 =	vld.idx.msk [tilespmem:v22+s15+$0x0], $0xffff  }
0x149: {  	v13 =	vor.u32 v20, v34;
	v14 =	vor.u32 v20, v24;
	[tilespmem:v23+s19+$0x0] =	vst.idx.msk $0xffff, v16;
	v11 =	vld.idx.msk [tilespmem:v11+s15+$0x0], $0xffff  }
0x14a: {  	v47 =	vor.u32 v59, v37;
	v46 =	vor.u32 v30, v41;
	[tilespmem:v61+s19+$0x0] =	vst.idx.msk $0xffff, v60;
	v0 =	vld.idx.msk [tilespmem:v0+s15+$0x0], $0xffff  }
0x14b: {  	v12 =	vor.u32 v59, v41;
	v15 =	vor.u32 v59, v17;
	v3 =	vor.u32 v59, v36;
	v5 =	vld [tilespmem:$0x1FF10]  }
0x14c: {  	v27 =	vmov v50;
	v1 =	vor.u32 v59, v42;
	v50 =	vor.u32 v50, v39;
	[tilespmem:v25+s19+$0x0] =	vst.idx.msk $0xffff, v10  }
0x14d: {  	v49 =	vor.u32 v54, v42;
	v54 =	vor.u32 v53, v41;
	[tilespmem:v4+s19+$0x0] =	vst.idx.msk $0xffff, v2  }
0x14e: {  	v42 =	vor.u32 v53, v42;
	v9 =	vor.u32 v63, v55;
	[tilespmem:v14+s19+$0x0] =	vst.idx.msk $0xffff, v8  }
0x14f: {  	v28 =	vmov v55;
	v22 =	vor.u32 v53, v18;
	v55 =	vor.u32 v56, v29;
	[tilespmem:v51+s19+$0x0] =	vst.idx.msk $0xffff, v11  }
0x150: {  	v40 =	vor.u32 v52, v34;
	v2 =	vld.idx.msk [tilespmem:v43+s15+$0x0], $0xffff;
	[tilespmem:v13+s19+$0x0] =	vst.idx.msk $0xffff, v0;
	v44 =	vor.u32 v5, v32  }
0x151: {  	v5 =	vmov v52;
	v52 =	vor.u32 v52, v39;
	v39 =	vor.u32 v30, v37;
	v37 =	vld.idx.msk [tilespmem:v15+s15+$0x0], $0xffff  }
0x152: {  	v60 =	vor.u32 v27, v19;
	v16 =	vor.u32 v27, v57;
	v10 =	vor.u32 v59, v33;
	v15 =	vld [tilespmem:$0x1FF10]  }
0x153: {  	v56 =	vor.u32 v30, v36;
	v59 =	vor.u32 v53, v36;
	v61 =	vld.idx.msk [tilespmem:v12+s15+$0x0], $0xffff;
	v4 =	vmov v53  }
0x154: {  	v43 =	vor.u32 v27, v24;
	v45 =	vld.idx.msk [tilespmem:v22+s15+$0x0], $0xffff;
	v51 =	vor.u32 v30, v33;
	v8 =	vor.u32 v27, v32  }
0x155: {  	v36 =	vld.idx.msk [tilespmem:v1+s15+$0x0], $0xffff;
	v23 =	vor.u32 v5, v35;
	v62 =	vor.u32 v5, v24;
	v58 =	vor.u32 v5, v19  }
0x156: {  	v7 =	vlaneseq.u32;
	v25 =	vld.idx.msk [tilespmem:v3+s15+$0x0], $0xffff;
	v53 =	vor.u32 v5, v32;
	v22 =	vor.u32 v5, v57;
	[tilespmem:v9+s19+$0x0] =	vst.idx.msk $0xffff, v2  }
0x157: {  	s29 =	simm.s32 $0x8;
	v35 =	vld.idx.msk [tilespmem:v10+s15+$0x0], $0xffff;
	v9 =	vor.u32 v4, v17;
	v41 =	vor.u32 v15, v34;
	v34 =	vor.u32 v4, v33  }
.LBB2_8:
0x158: {  	v1 =	vld.idx.msk [tilespmem:v55+s15+$0x0], $0xffff  }
0x159: {  	v5 =	vld [tilespmem:$0x1FDF0]  }
0x15a: {  	v27 =	vld [tilespmem:$0x1FF30]  }
0x15b: {  	s30 =	sadd.s32 $0x7, s29;
	v2 =	vmov v17;
	v17 =	vld [tilespmem:$0x1FF70];
	[tilespmem:v50+s19+$0x0] =	vst.idx.msk $0xffff, v61  }
0x15c: {  	v10 =	vadd.s32 s30, v7;
	[tilespmem:v60+s19+$0x0] =	vst.idx.msk $0xffff, v25;
	v60 =	vld [tilespmem:$0x1FFF0]  }
0x15d: {  	v0 =	vadd.s32 s29, v7;
	v32 =	vand.u32 $0x1F, v10;
	[tilespmem:v8+s19+$0x0] =	vst.idx.msk $0xffff, v35;
	v10 =	vld.idx.msk [tilespmem:v54+s15+$0x0], $0xffff  }
0x15e: {  	v55 =	vand.u32 $0x1F, v0;
	[tilespmem:v43+s19+$0x0] =	vst.idx.msk $0xffff, v37;
	v0 =	vld.idx.msk [tilespmem:v34+s15+$0x0], $0xffff  }
0x15f: {  	v33 =	vshll.u32 v32, $0x7;
	[tilespmem:v16+s19+$0x0] =	vst.idx.msk $0xffff, v36;
	v9 =	vld.idx.msk [tilespmem:v9+s15+$0x0], $0xffff  }
0x160: {  	s0 =	sadd.s32 $0x1, s29;
	v3 =	vor.u32 v15, v19;
	v8 =	vor.u32 v7, v33;
	v13 =	vld.idx.msk [tilespmem:v42+s15+$0x0], $0xffff  }
0x161: {  	v4 =	vor.u32 v15, v57;
	[tilespmem:$0x1FD80] =	vst v3;
	v3 =	vadd.s32 s0, v7;
	s0 =	sadd.s32 $0x2, s29;
	v48 =	vld.idx.msk [tilespmem:v59+s15+$0x0], $0xffff  }
0x162: {  	s1 =	sadd.s32 $0x4, s29;
	[tilespmem:$0x1FD90] =	vst v4;
	v57 =	vadd.s32 s0, v7;
	v11 =	vmov v5;
	v5 =	vld [tilespmem:$0x1FF10]  }
0x163: {  	v4 =	vadd.s32 s1, v7;
	v50 =	vand.u32 $0x1F, v57;
	[tilespmem:v31+s19+$0x0] =	vst.idx.msk $0xffff, v1;
	v59 =	vld [tilespmem:$0x1FFE0]  }
0x164: {  	v43 =	vand.u32 $0x1F, v4;
	v20 =	vshll.u32 v50, $0x7;
	v4 =	vld.idx.msk [tilespmem:v26+s15+$0x0], $0xffff  }
0x165: {  	s31 =	sadd.s32 $0x6, s29;
	v63 =	vor.u32 v7, v20;
	v8 =	vld.idx.msk [tilespmem:v8+s15+$0x0], $0xffff  }
0x166: {  	v12 =	vadd.s32 s31, v7;
	[tilespmem:v52+s19+$0x0] =	vst.idx.msk $0xffff, v10;
	v10 =	vld.idx.msk [tilespmem:v47+s15+$0x0], $0xffff  }
0x167: {  	s1 =	sadd.s32 $0x5, s29;
	v37 =	vand.u32 $0x1F, v12;
	[tilespmem:v23+s19+$0x0] =	vst.idx.msk $0xffff, v45;
	v47 =	vld [tilespmem:$0x1FF50]  }
0x168: {  	s30 =	sadd.s32 $0x3, s29;
	v61 =	vmovc v18;
	v54 =	vor.u32 v15, v55;
	v15 =	vadd.s32 s1, v7;
	v18 =	vshll.u32 v37, $0x7;
	[tilespmem:v58+s19+$0x0] =	vst.idx.msk $0xffff, v48;
	v48 =	vld [tilespmem:$0x1FE10]  }
0x169: {  	v14 =	vadd.s32 s30, v7;
	v34 =	vand.u32 $0x1F, v15;
	v25 =	vor.u32 v7, v18;
	[tilespmem:v22+s19+$0x0] =	vst.idx.msk $0xffff, v13;
	v58 =	vld [tilespmem:$0x1FFA0]  }
0x16a: {  	v57 =	vand.u32 $0x1F, v3;
	v45 =	vshll.u32 v34, $0x7;
	v3 =	vld.idx.msk [tilespmem:v63+s15+$0x0], $0xffff;
	[tilespmem:v62+s19+$0x0] =	vst.idx.msk $0xffff, v9;
	v9 =	vor.u32 v60, v50  }
0x16b: {  	v15 =	vor.u32 v7, v45;
	v5 =	vor.u32 v5, v43;
	[tilespmem:v53+s19+$0x0] =	vst.idx.msk $0xffff, v0;
	v16 =	vld.idx.msk [tilespmem:v46+s15+$0x0], $0xffff  }
0x16c: {  	v19 =	vand.u32 $0x1F, v14;
	[tilespmem:$0x1FDF0] =	vst v5;
	v5 =	vld [tilespmem:$0x1FE20]  }
0x16d: {  	v36 =	vshll.u32 v19, $0x7;
	v22 =	vld.idx.msk [tilespmem:v49+s15+$0x0], $0xffff;
	[tilespmem:v21+s19+$0x0] =	vst.idx.msk $0xffff, v4  }
0x16e: {  	v14 =	vor.u32 v7, v36;
	v4 =	vld.idx.msk [tilespmem:v51+s15+$0x0], $0xffff;
	[tilespmem:v38+s19+$0x0] =	vst.idx.msk $0xffff, v10  }
0x16f: {  	[tilespmem:v9+s19+$0x0] =	vst.idx.msk $0xffff, v3;
	v9 =	vld.idx.msk [tilespmem:v25+s15+$0x0], $0xffff  }
0x170: {  	[tilespmem:v11+s19+$0x0] =	vst.idx.msk $0xffff, v16;
	v11 =	vld.idx.msk [tilespmem:v15+s15+$0x0], $0xffff;
	v15 =	vor.u32 v60, v37  }
0x171: {  	v63 =	vld [tilespmem:$0x1FF20]  }
0x172: {  	v35 =	vshll.u32 v55, $0x7;
	v38 =	vld [tilespmem:$0x1FE00]  }
0x173: {  	v12 =	vor.u32 v7, v35;
	v14 =	vld.idx.msk [tilespmem:v14+s15+$0x0], $0xffff  }
0x174: {  	v26 =	vld.idx.msk [tilespmem:v5+s15+$0x0], $0xffff  }
0x175: {  	v42 =	vshll.u32 v57, $0x7;
	[tilespmem:v15+s19+$0x0] =	vst.idx.msk $0xffff, v9;
	v15 =	vld [tilespmem:$0x1FE40]  }
0x176: {  	v23 =	vor.u32 v7, v42;
	v30 =	vor.u32 v60, v32;
	v16 =	vld.idx.msk [tilespmem:v56+s15+$0x0], $0xffff  }
0x177: {  	v56 =	vld [tilespmem:$0x1FF60]  }
0x178: {  	v5 =	vld.idx.msk [tilespmem:v12+s15+$0x0], $0xffff  }
0x179: {  	v31 =	vmov v28;
	v53 =	vor.u32 v60, v55;
	v3 =	vor.u32 v60, v34;
	[tilespmem:v48+s19+$0x0] =	vst.idx.msk $0xffff, v26;
	v48 =	vld [tilespmem:$0x1FF40]  }
0x17a: {  	v52 =	vor.u32 v60, v43;
	v28 =	vor.u32 v63, v28;
	v12 =	vor.u32 v59, v45;
	v49 =	vld.idx.msk [tilespmem:v38+s15+$0x0], $0xffff  }
0x17b: {  	v46 =	vshll.u32 v43, $0x7;
	v21 =	vld.idx.msk [tilespmem:v23+s15+$0x0], $0xffff;
	[tilespmem:v30+s19+$0x0] =	vst.idx.msk $0xffff, v8;
	v8 =	vor.u32 v27, v29  }
0x17c: {  	v23 =	vor.u32 v60, v57;
	v6 =	vor.u32 v47, v29;
	v29 =	vor.u32 v60, v19;
	v60 =	vld [tilespmem:$0x1FFD0]  }
0x17d: {  	v13 =	vor.u32 v7, v46;
	v15 =	vld.idx.msk [tilespmem:v15+s15+$0x0], $0xffff  }
0x17e: {  	v2 =	vor.u32 v47, v2;
	v9 =	vor.u32 v48, v31;
	[tilespmem:v3+s19+$0x0] =	vst.idx.msk $0xffff, v11;
	v31 =	vld [tilespmem:$0x1FD80]  }
0x17f: {  	v10 =	vor.u32 v59, v33;
	v3 =	vor.u32 v56, v34;
	v12 =	vld.idx.msk [tilespmem:v12+s15+$0x0], $0xffff;
	[tilespmem:v28+s19+$0x0] =	vst.idx.msk $0xffff, v49  }
0x180: {  	v8 =	vld.idx.msk [tilespmem:v8+s15+$0x0], $0xffff  }
0x181: {  	[tilespmem:v44+s19+$0x0] =	vst.idx.msk $0xffff, v4;
	v11 =	vld [tilespmem:$0x1FF10]  }
0x182: {  	[tilespmem:v23+s19+$0x0] =	vst.idx.msk $0xffff, v21;
	v13 =	vld.idx.msk [tilespmem:v13+s15+$0x0], $0xffff  }
0x183: {  	v2 =	vld.idx.msk [tilespmem:v2+s15+$0x0], $0xffff;
	[tilespmem:v40+s19+$0x0] =	vst.idx.msk $0xffff, v15  }
0x184: {  	v10 =	vld.idx.msk [tilespmem:v10+s15+$0x0], $0xffff;
	[tilespmem:v3+s19+$0x0] =	vst.idx.msk $0xffff, v12  }
0x185: {  	v30 =	vor.u32 v59, v46;
	v3 =	vld.idx.msk [tilespmem:v39+s15+$0x0], $0xffff;
	[tilespmem:v9+s19+$0x0] =	vst.idx.msk $0xffff, v8  }
0x186: {  	v4 =	vor.u32 v59, v36;
	v11 =	vor.u32 v11, v24;
	[tilespmem:v31+s19+$0x0] =	vst.idx.msk $0xffff, v16;
	v31 =	vld [tilespmem:$0x1FF90]  }
0x187: {  	v0 =	vor.u32 v59, v20;
	[tilespmem:v52+s19+$0x0] =	vst.idx.msk $0xffff, v13;
	v38 =	vor.u32 v47, v61;
	v61 =	vld.idx.msk [tilespmem:v6+s15+$0x0], $0xffff  }
0x188: {  	[tilespmem:$0x1FDA0] =	vst v5;
	v5 =	vor.u32 v59, v35;
	v26 =	vor.u32 v59, v18;
	v6 =	vld [tilespmem:$0x1FD90]  }
0x189: {  	[tilespmem:$0x1FDB0] =	vst v5;
	v16 =	vor.u32 v59, v42;
	v59 =	vld [tilespmem:$0x1FF80]  }
0x18a: {  	[tilespmem:v29+s19+$0x0] =	vst.idx.msk $0xffff, v14;
	v14 =	vld.idx.msk [tilespmem:v30+s15+$0x0], $0xffff  }
0x18b: {  	v15 =	vor.u32 v60, v35;
	v4 =	vld.idx.msk [tilespmem:v4+s15+$0x0], $0xffff;
	[tilespmem:v11+s19+$0x0] =	vst.idx.msk $0xffff, v2  }
0x18c: {  	v1 =	vor.u32 v56, v43;
	[tilespmem:$0x1FE20] =	vst v15;
	v0 =	vld.idx.msk [tilespmem:v0+s15+$0x0], $0xffff;
	v30 =	vor.u32 v31, v35  }
0x18d: {  	v49 =	vor.u32 v56, v37;
	v24 =	vor.u32 v17, v45;
	[tilespmem:$0x1FE00] =	vst v30;
	v30 =	vld.idx.msk [tilespmem:v26+s15+$0x0], $0xffff  }
0x18e: {  	v62 =	vor.u32 v56, v32;
	[tilespmem:v41+s19+$0x0] =	vst.idx.msk $0xffff, v3;
	v2 =	vld.idx.msk [tilespmem:v16+s15+$0x0], $0xffff;
	v26 =	vor.u32 v59, v55  }
0x18f: {  	v21 =	vor.u32 v56, v19;
	v15 =	vor.u32 v17, v18;
	[tilespmem:$0x1FE10] =	vst v26;
	v26 =	vld [tilespmem:$0x1FFB0]  }
0x190: {  	v25 =	vor.u32 v56, v50;
	v29 =	vor.u32 v17, v46;
	[tilespmem:v6+s19+$0x0] =	vst.idx.msk $0xffff, v22;
	v6 =	vld [tilespmem:$0x1FE30]  }
0x191: {  	v28 =	vld [tilespmem:$0x1FFC0];
	v12 =	vor.u32 v56, v57;
	[tilespmem:v1+s19+$0x0] =	vst.idx.msk $0xffff, v14  }
0x192: {  	v23 =	vor.u32 v17, v36;
	v24 =	vld.idx.msk [tilespmem:v24+s15+$0x0], $0xffff;
	v1 =	vor.u32 v58, v34;
	[tilespmem:v49+s19+$0x0] =	vst.idx.msk $0xffff, v30  }
0x193: {  	v51 =	vor.u32 v58, v55;
	[tilespmem:v62+s19+$0x0] =	vst.idx.msk $0xffff, v10;
	v11 =	vor.u32 v17, v42;
	v38 =	vld.idx.msk [tilespmem:v38+s15+$0x0], $0xffff  }
0x194: {  	v8 =	vor.u32 v58, v37;
	v9 =	vor.u32 v17, v33;
	[tilespmem:v21+s19+$0x0] =	vst.idx.msk $0xffff, v4;
	v15 =	vld.idx.msk [tilespmem:v15+s15+$0x0], $0xffff  }
0x195: {  	v14 =	vor.u32 v58, v43;
	v29 =	vld.idx.msk [tilespmem:v29+s15+$0x0], $0xffff;
	[tilespmem:v25+s19+$0x0] =	vst.idx.msk $0xffff, v0;
	v22 =	vor.u32 v26, v18  }
0x196: {  	v5 =	vor.u32 v17, v20;
	v52 =	vor.u32 v28, v55;
	[tilespmem:v12+s19+$0x0] =	vst.idx.msk $0xffff, v2  }
0x197: {  	v41 =	vor.u32 v58, v57;
	v49 =	vmov v55;
	v55 =	vld.idx.msk [tilespmem:v23+s15+$0x0], $0xffff;
	[tilespmem:v1+s19+$0x0] =	vst.idx.msk $0xffff, v24  }
0x198: {  	v4 =	vor.u32 v58, v19;
	v23 =	vor.u32 v28, v37;
	v11 =	vld.idx.msk [tilespmem:v11+s15+$0x0], $0xffff;
	[tilespmem:v6+s19+$0x0] =	vst.idx.msk $0xffff, v38  }
0x199: {  	v16 =	vor.u32 v26, v45;
	v39 =	vor.u32 v26, v46;
	[tilespmem:v8+s19+$0x0] =	vst.idx.msk $0xffff, v15;
	v8 =	vld.idx.msk [tilespmem:v9+s15+$0x0], $0xffff  }
0x19a: {  	v30 =	vor.u32 v26, v35;
	[tilespmem:v14+s19+$0x0] =	vst.idx.msk $0xffff, v29;
	v15 =	vld.idx.msk [tilespmem:v22+s15+$0x0], $0xffff;
	v22 =	vor.u32 v58, v32  }
0x19b: {  	v25 =	vor.u32 v26, v33;
	v29 =	vld.idx.msk [tilespmem:v5+s15+$0x0], $0xffff;
	v5 =	vor.u32 v59, v34;
	[tilespmem:$0x1FDD0] =	vst v30  }
0x19c: {  	v13 =	vor.u32 v58, v50;
	v12 =	vor.u32 v60, v18;
	[tilespmem:$0x1FDC0] =	vst v5;
	v5 =	vld [tilespmem:$0x1FF10]  }
0x19d: {  	v40 =	vor.u32 v60, v20;
	[tilespmem:v4+s19+$0x0] =	vst.idx.msk $0xffff, v55  }
0x19e: {  	v10 =	vor.u32 v26, v42;
	[tilespmem:v41+s19+$0x0] =	vst.idx.msk $0xffff, v11;
	v38 =	vor.u32 v28, v43;
	v39 =	vld.idx.msk [tilespmem:v39+s15+$0x0], $0xffff  }
0x19f: {  	v3 =	vor.u32 v26, v20;
	v30 =	vor.u32 v28, v34;
	v16 =	vld.idx.msk [tilespmem:v16+s15+$0x0], $0xffff;
	[tilespmem:v22+s19+$0x0] =	vst.idx.msk $0xffff, v8  }
0x1a0: {  	v44 =	vor.u32 v26, v36;
	[tilespmem:v23+s19+$0x0] =	vst.idx.msk $0xffff, v15;
	v23 =	vor.u32 v28, v32;
	v15 =	vld.idx.msk [tilespmem:v25+s15+$0x0], $0xffff  }
0x1a1: {  	v55 =	vor.u32 v59, v37;
	[tilespmem:v13+s19+$0x0] =	vst.idx.msk $0xffff, v29;
	v5 =	vor.u32 v5, v37;
	v12 =	vld.idx.msk [tilespmem:v12+s15+$0x0], $0xffff  }
0x1a2: {  	v62 =	vor.u32 v59, v57;
	v21 =	vor.u32 v60, v45;
	v6 =	vld [tilespmem:$0x1FDE0];
	[tilespmem:$0x1FE30] =	vst v5;
	v25 =	vor.u32 v31, v18  }
0x1a3: {  	v14 =	vor.u32 v28, v57;
	v10 =	vld.idx.msk [tilespmem:v10+s15+$0x0], $0xffff;
	v9 =	vor.u32 v60, v46;
	[tilespmem:v38+s19+$0x0] =	vst.idx.msk $0xffff, v39  }
0x1a4: {  	v2 =	vor.u32 v28, v50;
	v1 =	vor.u32 v60, v42;
	v3 =	vld.idx.msk [tilespmem:v3+s15+$0x0], $0xffff;
	[tilespmem:v30+s19+$0x0] =	vst.idx.msk $0xffff, v16  }
0x1a5: {  	v24 =	vmov v50;
	v50 =	vor.u32 v63, v43;
	v29 =	vld.idx.msk [tilespmem:v44+s15+$0x0], $0xffff;
	[tilespmem:v23+s19+$0x0] =	vst.idx.msk $0xffff, v15  }
0x1a6: {  	v26 =	vor.u32 v31, v45;
	v16 =	vld [tilespmem:$0x1FF10];
	v15 =	vor.u32 v27, v45;
	[tilespmem:v55+s19+$0x0] =	vst.idx.msk $0xffff, v12  }
0x1a7: {  	v4 =	vor.u32 v60, v33;
	[tilespmem:$0x1FE40] =	vst v15;
	v12 =	vld.idx.msk [tilespmem:v25+s15+$0x0], $0xffff;
	v15 =	vor.u32 v63, v37  }
0x1a8: {  	v11 =	vor.u32 v59, v24;
	v58 =	vor.u32 v28, v19;
	[tilespmem:v14+s19+$0x0] =	vst.idx.msk $0xffff, v10;
	v9 =	vld.idx.msk [tilespmem:v9+s15+$0x0], $0xffff  }
0x1a9: {  	v41 =	vor.u32 v59, v19;
	v13 =	vor.u32 v31, v20;
	v10 =	vld.idx.msk [tilespmem:v21+s15+$0x0], $0xffff;
	[tilespmem:v2+s19+$0x0] =	vst.idx.msk $0xffff, v3  }
0x1aa: {  	v5 =	vor.u32 v31, v36;
	v1 =	vld.idx.msk [tilespmem:v1+s15+$0x0], $0xffff;
	[tilespmem:v6+s19+$0x0] =	vst.idx.msk $0xffff, v61;
	v61 =	vor.u32 v60, v36  }
0x1ab: {  	v38 =	vor.u32 v63, v34;
	v14 =	vor.u32 v59, v32;
	v8 =	vor.u32 v59, v43;
	v3 =	vld.idx.msk [tilespmem:v40+s15+$0x0], $0xffff  }
0x1ac: {  	v39 =	vor.u32 v47, v45;
	v21 =	vmov v52;
	v22 =	vor.u32 v31, v46;
	[tilespmem:v15+s19+$0x0] =	vst.idx.msk $0xffff, v12;
	v12 =	vld [tilespmem:$0x1FDB0]  }
0x1ad: {  	v52 =	vor.u32 v48, v43;
	[tilespmem:v58+s19+$0x0] =	vst.idx.msk $0xffff, v29;
	v55 =	vor.u32 v17, v35;
	v17 =	vmov v20;
	v20 =	vld [tilespmem:$0x1FDA0]  }
0x1ae: {  	v43 =	vor.u32 v63, v24;
	v6 =	vmov v54;
	v60 =	vor.u32 v63, v19;
	v0 =	vld.idx.msk [tilespmem:v4+s15+$0x0], $0xffff  }
0x1af: {  	[tilespmem:$0x1FDE0] =	vst v6;
	v6 =	vor.u32 v31, v42;
	v44 =	vor.u32 v16, v32;
	v25 =	vld.idx.msk [tilespmem:v61+s15+$0x0], $0xffff  }
0x1b0: {  	v16 =	vor.u32 v63, v57;
	[tilespmem:v8+s19+$0x0] =	vst.idx.msk $0xffff, v9;
	v8 =	vor.u32 v63, v32;
	v63 =	vld [tilespmem:$0x1FDC0]  }
0x1b1: {  	v2 =	vor.u32 v27, v18;
	v59 =	vor.u32 v27, v36;
	[tilespmem:v11+s19+$0x0] =	vst.idx.msk $0xffff, v3;
	v61 =	vld.idx.msk [tilespmem:v22+s15+$0x0], $0xffff  }
0x1b2: {  	v40 =	vor.u32 v48, v34;
	v58 =	vor.u32 v48, v19;
	v23 =	vor.u32 v48, v37;
	v37 =	vld.idx.msk [tilespmem:v13+s15+$0x0], $0xffff  }
0x1b3: {  	v28 =	vmov v49;
	v54 =	vor.u32 v27, v46;
	[tilespmem:v53+s19+$0x0] =	vst.idx.msk $0xffff, v20;
	v53 =	vor.u32 v31, v33;
	v15 =	vld [tilespmem:$0x1FF10]  }
0x1b4: {  	p1 =	slt.u32 s29, $0x18;
	v46 =	vor.u32 v47, v46;
	[tilespmem:v62+s19+$0x0] =	vst.idx.msk $0xffff, v1;
	v4 =	vor.u32 v56, v49;
	v12 =	vld.idx.msk [tilespmem:v12+s15+$0x0], $0xffff  }
.Ltmp7:
0x1b5: {  	v62 =	vor.u32 v48, v24;
	v49 =	vor.u32 v47, v42;
	v56 =	vor.u32 v47, v36;
	v36 =	vld.idx.msk [tilespmem:v6+s15+$0x0], $0xffff;
	(pc) =	sbr.rel @p1 .LBB2_8-.Ltmp7, $4  }
0x1b6: {  	v29 =	vmovc v35;
	v31 =	vmov v51;
	v51 =	vor.u32 v47, v33;
	v47 =	vmov v26;
	v26 =	vld [tilespmem:$0x1FDD0];
	[tilespmem:v14+s19+$0x0] =	vst.idx.msk $0xffff, v0  }
0x1b7: {  	v42 =	vor.u32 v27, v42;
	v22 =	vor.u32 v48, v57;
	[tilespmem:v41+s19+$0x0] =	vst.idx.msk $0xffff, v25;
	v45 =	vld.idx.msk [tilespmem:v2+s15+$0x0], $0xffff  }
0x1b8: {  	v9 =	vor.u32 v27, v17;
	[tilespmem:v63+s19+$0x0] =	vst.idx.msk $0xffff, v10;
	v35 =	vld.idx.msk [tilespmem:v53+s15+$0x0], $0xffff;
	v53 =	vor.u32 v48, v32  }
0x1b9: {  	s29 =	sadd.s32 $0x8, s29;
	v25 =	vld.idx.msk [tilespmem:v5+s15+$0x0], $0xffff;
	v41 =	vor.u32 v15, v34;
	v34 =	vor.u32 v27, v33;
	[tilespmem:v4+s19+$0x0] =	vst.idx.msk $0xffff, v12  }
0x1ba: {  	_ =	sdelay $0x3  }
0x1bb: {  	v0 =	vld.idx.msk [tilespmem:v55+s15+$0x0], $0xffff;
	_ =	sdelay $0x4  }
0x1bc: {  	[tilespmem:v31+s19+$0x0] =	vst.idx.msk $0xffff, v0  }
0x1bd: {  	v0 =	vld.idx.msk [tilespmem:v26+s15+$0x0], $0xffff;
	_ =	sdelay $0x3  }
0x1be: {  	[tilespmem:v50+s19+$0x0] =	vst.idx.msk $0xffff, v61  }
0x1bf: {  	[tilespmem:v21+s19+$0x0] =	vst.idx.msk $0xffff, v0  }
0x1c0: {  	v0 =	vld [tilespmem:$0x1FE20]  }
0x1c1: {  	[tilespmem:v8+s19+$0x0] =	vst.idx.msk $0xffff, v35  }
0x1c2: {  	[tilespmem:v43+s19+$0x0] =	vst.idx.msk $0xffff, v37  }
0x1c3: {  	[tilespmem:v16+s19+$0x0] =	vst.idx.msk $0xffff, v36  }
0x1c4: {  	[tilespmem:v60+s19+$0x0] =	vst.idx.msk $0xffff, v25  }
0x1c5: {  	v5 =	vld [tilespmem:$0x1FE10];
	_ =	sdelay $0x2  }
0x1c6: {  	v0 =	vld.idx.msk [tilespmem:v0+s15+$0x0], $0xffff;
	_ =	sdelay $0x1  }
0x1c7: {  	v1 =	vld.idx.msk [tilespmem:v54+s15+$0x0], $0xffff  }
0x1c8: {  	v2 =	vld.idx.msk [tilespmem:v9+s15+$0x0], $0xffff  }
0x1c9: {  	v3 =	vld.idx.msk [tilespmem:v47+s15+$0x0], $0xffff;
	[tilespmem:v23+s19+$0x0] =	vst.idx.msk $0xffff, v45  }
0x1ca: {  	v4 =	vld.idx.msk [tilespmem:v34+s15+$0x0], $0xffff;
	[tilespmem:v5+s19+$0x0] =	vst.idx.msk $0xffff, v0  }
0x1cb: {  	v5 =	vld [tilespmem:$0x1FE00]  }
0x1cc: {  	v50 =	vld [tilespmem:$0x1FF20];
	[tilespmem:v52+s19+$0x0] =	vst.idx.msk $0xffff, v1  }
0x1cd: {  	v14 =	vld [tilespmem:$0x1FF30];
	[tilespmem:v62+s19+$0x0] =	vst.idx.msk $0xffff, v2  }
0x1ce: {  	[tilespmem:v38+s19+$0x0] =	vst.idx.msk $0xffff, v3  }
0x1cf: {  	v54 =	vld [tilespmem:$0x1FF50];
	[tilespmem:v53+s19+$0x0] =	vst.idx.msk $0xffff, v4  }
0x1d0: {  	v4 =	vld [tilespmem:$0x1FE40];
	_ =	sdelay $0x1  }
0x1d1: {  	v6 =	vld.idx.msk [tilespmem:v59+s15+$0x0], $0xffff  }
0x1d2: {  	v0 =	vor.u32 v50, v28;
	v5 =	vld.idx.msk [tilespmem:v5+s15+$0x0], $0xffff  }
0x1d3: {  	v8 =	vld.idx.msk [tilespmem:v42+s15+$0x0], $0xffff;
	_ =	sdelay $0x2  }
0x1d4: {  	[tilespmem:v58+s19+$0x0] =	vst.idx.msk $0xffff, v6  }
0x1d5: {  	v4 =	vld.idx.msk [tilespmem:v4+s15+$0x0], $0xffff;
	[tilespmem:v0+s19+$0x0] =	vst.idx.msk $0xffff, v5  }
0x1d6: {  	v52 =	vld [tilespmem:$0x1FF40];
	[tilespmem:v22+s19+$0x0] =	vst.idx.msk $0xffff, v8  }
0x1d7: {  	v7 =	vld [tilespmem:$0x1FDF0];
	_ =	sdelay $0x1  }
0x1d8: {  	v9 =	vld.idx.msk [tilespmem:v51+s15+$0x0], $0xffff;
	v1 =	vor.u32 v14, v29  }
0x1d9: {  	v2 =	vld.idx.msk [tilespmem:v46+s15+$0x0], $0xffff;
	v3 =	vor.u32 v54, v17  }
0x1da: {  	v6 =	vor.u32 v15, v19;
	v10 =	vld.idx.msk [tilespmem:v56+s15+$0x0], $0xffff  }
0x1db: {  	v11 =	vor.u32 v15, v57;
	v12 =	vld.idx.msk [tilespmem:v49+s15+$0x0], $0xffff;
	[tilespmem:v40+s19+$0x0] =	vst.idx.msk $0xffff, v4  }
0x1dc: {  	v4 =	vld.idx.msk [tilespmem:v39+s15+$0x0], $0xffff  }
0x1dd: {  	v1 =	vld.idx.msk [tilespmem:v1+s15+$0x0], $0xffff;
	[tilespmem:v44+s19+$0x0] =	vst.idx.msk $0xffff, v9;
	v0 =	vor.u32 v52, v28  }
0x1de: {  	v3 =	vld.idx.msk [tilespmem:v3+s15+$0x0], $0xffff;
	[tilespmem:v7+s19+$0x0] =	vst.idx.msk $0xffff, v2;
	v2 =	vor.u32 v15, v24  }
0x1df: {  	[tilespmem:v6+s19+$0x0] =	vst.idx.msk $0xffff, v10  }
0x1e0: {  	[tilespmem:v11+s19+$0x0] =	vst.idx.msk $0xffff, v12  }
0x1e1: {  	[tilespmem:v41+s19+$0x0] =	vst.idx.msk $0xffff, v4  }
0x1e2: {  	v5 =	vor.u32 v54, v18;
	[tilespmem:v0+s19+$0x0] =	vst.idx.msk $0xffff, v1  }
0x1e3: {  	[tilespmem:v2+s19+$0x0] =	vst.idx.msk $0xffff, v3  }
0x1e4: {  	v1 =	vld [tilespmem:$0x1FE30];
	_ =	sdelay $0x2  }
0x1e5: {  	v5 =	vld.idx.msk [tilespmem:v5+s15+$0x0], $0xffff;
	_ =	sdelay $0x3  }
0x1e6: {  	v8 =	vor.u32 v54, v29  }
0x1e7: {  	[tilespmem:v1+s19+$0x0] =	vst.idx.msk $0xffff, v5  }
0x1e8: {  	v1 =	vld [tilespmem:$0x1FDE0];
	_ =	sdelay $0x2  }
0x1e9: {  	v0 =	vld.idx.msk [tilespmem:v8+s15+$0x0], $0xffff;
	_ =	sdelay $0x4  }
0x1ea: {  	[tilespmem:v1+s19+$0x0] =	vst.idx.msk $0xffff, v0  }
0x1eb: {  	v10 =	vld [tilespmem:$0x1FFF0]  }
0x1ec: {  	v7 =	vld [tilespmem:$0x1FFE0]  }
0x1ed: {  	s0 =	sshll.u32 s28, $0x9;
	v63 =	vld [tilespmem:$0x1FF60]  }
0x1ee: {  	s0 =	sadd.s32 s6, s0;
	v56 =	vld [tilespmem:$0x1FF70]  }
0x1ef: {  	[hbm4b:s0+s3] =	stream.linear.scatter [tilespmem:s19], [sflag:$0x4], $0x1000, $0x38;
	v60 =	vld [tilespmem:$0x1FFA0]  }
.Ltmp8:
0x1f0: {  	s0 =	sadd.s32 s9, s26;
	v61 =	vld [tilespmem:$0x1FFB0];
	(pc) =	sbr.rel .LBB2_10-.Ltmp8, $4  }
0x1f1: {  	v62 =	vld [tilespmem:$0x1FFC0];
	p1 =	sgt.u32 s0, $0x1E83  }
0x1f2: {  	v6 =	vld [tilespmem:$0x1FFD0];
	s0 =	sshll.u32 @!p1 s0, $0x7;
	s1 =	simm.s32 @!p1 $0x400  }
0x1f3: {  	v2 =	vld [tilespmem:$0x1FF80];
	s26 =	simm.s32 @!p1 $0x7A1400;
	s28 =	simm.s32 @!p1 $0x1000;
	s0 =	sadd.s32 @!p1 s2, s0  }
0x1f4: {  	v13 =	vlaneseq.u32;
	v53 =	vmov v14;
	v59 =	vld [tilespmem:$0x1FF90];
	[tilespmem:s28], [sflag:$0x2] =	stream.strided.gather @!p1 [hbm4b:s0+s1], $0x1000, s26, s1, $0x38  }
.LBB2_11:
0x1f5: {  	_ =	swait.ge [sflag:s20], $0x1000  }
.Ltmp9:
0x1f6: {  	[sflag:s20] =	ssyncset.done $0x0;
	(pc) =	sbr.rel @p0 .LBB2_15-.Ltmp9, $4  }
0x1f7: {  	[sflag:s20] =	ssyncadd.s32 $0xFFFFF000  }
0x1f8: {  	_ =	swait.ge [sflag:s21], $0x1000  }
0x1f9: {  	[sflag:s21] =	ssyncset.done $0x0  }
0x1fa: {  	[sflag:s21] =	ssyncadd.s32 $0xFFFFF000  }
0x1fb: {  	s0 =	simm.s32 $0x0;
	s1 =	simm.s32 $0x7;
	s25 =	simm.s32 $0x5;
	v55 =	vmov v7;
	v7 =	vlaneseq.u32  }
0x1fc: {  	s31 =	simm.s32 $0x1;
	s26 =	simm.s32 $0x2;
	v0 =	vadd.s32 s0, v13;
	v1 =	vadd.s32 s1, v13;
	v3 =	vadd.s32 s25, v13  }
0x1fd: {  	s0 =	simm.s32 $0x4;
	v4 =	vadd.s32 s31, v13;
	v5 =	vadd.s32 s26, v7;
	v0 =	vand.u32 $0x1F, v0  }
0x1fe: {  	s25 =	simm.s32 $0x3;
	s26 =	simm.s32 $0x6;
	v51 =	vadd.s32 s0, v13;
	v4 =	vand.u32 $0x1F, v4;
	v5 =	vand.u32 $0x1F, v5  }
0x1ff: {  	v54 =	vmovc v10;
	v10 =	vadd.s32 s25, v7;
	v3 =	vand.u32 $0x1F, v3;
	v52 =	vadd.s32 s26, v7  }
0x200: {  	v1 =	vand.u32 $0x1F, v1;
	v16 =	vor.u32 v62, v0;
	v17 =	vor.u32 v60, v0  }
0x201: {  	v58 =	vmovc v6;
	v6 =	vor.u32 v63, v0;
	v8 =	vshll.u32 v4, $0x7;
	v9 =	vshll.u32 v5, $0x7  }
0x202: {  	v11 =	vor.u32 v54, v4;
	v10 =	vand.u32 $0x1F, v10;
	v14 =	vshll.u32 v0, $0x7  }
0x203: {  	v57 =	vmovc v2;
	v27 =	vshll.u32 v3, $0x7;
	v2 =	vand.u32 $0x1F, v51;
	v15 =	vor.u32 v7, v8  }
0x204: {  	[tilespmem:s22], [sflag:$0x5] =	stream.strided.gather [hbm4b:s10+s13], $0x1000, s14, s13, $0x38;
	v13 =	vand.u32 $0x1F, v52;
	v0 =	vor.u32 v54, v0;
	v22 =	vor.u32 v7, v14;
	[tilespmem:$0x5000] =	vst v63  }
0x205: {  	_ =	swait.ge [sflag:s23], $0x1000;
	v25 =	vor.u32 v54, v5;
	v32 =	vshll.u32 v1, $0x7;
	v12 =	vor.u32 v7, v9  }
0x206: {  	[sflag:s23] =	ssyncset.done $0x0;
	v30 =	vor.u32 v54, v3;
	v41 =	vor.u32 v54, v1;
	v20 =	vor.u32 v7, v27  }
0x207: {  	[sflag:s23] =	ssyncadd.s32 $0xFFFFF000;
	v42 =	vor.u32 v63, v4;
	v24 =	vshll.u32 v10, $0x7;
	v29 =	vor.u32 v7, v32  }
0x208: {  	v45 =	vor.u32 v63, v5;
	v33 =	vshll.u32 v13, $0x7;
	v21 =	vor.u32 v7, v24;
	v15 =	vld.idx.msk [tilespmem:v15+s22+$0x0], $0xffff  }
0x209: {  	v46 =	vor.u32 v63, v3;
	v28 =	vshll.u32 v2, $0x7;
	v35 =	vor.u32 v7, v33;
	v39 =	vld.idx.msk [tilespmem:v22+s22+$0x0], $0xffff  }
0x20a: {  	v51 =	vor.u32 v60, v4;
	v18 =	vor.u32 v62, v2;
	v31 =	vor.u32 v7, v28;
	v12 =	vld.idx.msk [tilespmem:v12+s22+$0x0], $0xffff  }
0x20b: {  	v19 =	vor.u32 v62, v13;
	v23 =	vor.u32 v55, v8;
	v26 =	vor.u32 v55, v9;
	v34 =	vld.idx.msk [tilespmem:v20+s22+$0x0], $0xffff  }
0x20c: {  	v37 =	vor.u32 v54, v10;
	v36 =	vor.u32 v55, v27;
	v40 =	vor.u32 v55, v14;
	v29 =	vld.idx.msk [tilespmem:v29+s22+$0x0], $0xffff  }
0x20d: {  	v47 =	vor.u32 v54, v13;
	v50 =	vor.u32 v63, v10;
	v44 =	vld.idx.msk [tilespmem:v21+s22+$0x0], $0xffff;
	[tilespmem:v11+s17+$0x0] =	vst.idx.msk $0xffff, v15  }
0x20e: {  	v48 =	vor.u32 v54, v2;
	v49 =	vor.u32 v56, v14;
	v35 =	vld.idx.msk [tilespmem:v35+s22+$0x0], $0xffff;
	[tilespmem:v0+s17+$0x0] =	vst.idx.msk $0xffff, v39  }
0x20f: {  	v53 =	vor.u32 v61, v27;
	v0 =	vld.idx.msk [tilespmem:v31+s22+$0x0], $0xffff;
	[tilespmem:v25+s17+$0x0] =	vst.idx.msk $0xffff, v12;
	v12 =	vor.u32 v55, v33  }
0x210: {  	v38 =	vor.u32 v55, v24;
	[tilespmem:v30+s17+$0x0] =	vst.idx.msk $0xffff, v34;
	v30 =	vor.u32 v55, v32;
	v43 =	vld.idx.msk [tilespmem:v23+s22+$0x0], $0xffff  }
0x211: {  	v20 =	vor.u32 v62, v1;
	v22 =	vor.u32 v60, v2;
	v11 =	vor.u32 v56, v8;
	v34 =	vld.idx.msk [tilespmem:v36+s22+$0x0], $0xffff  }
0x212: {  	v21 =	vor.u32 v61, v28;
	v31 =	vor.u32 v56, v27;
	[tilespmem:v41+s17+$0x0] =	vst.idx.msk $0xffff, v29;
	v40 =	vld.idx.msk [tilespmem:v40+s22+$0x0], $0xffff  }
0x213: {  	v15 =	vor.u32 v56, v9;
	v39 =	vor.u32 v60, v5;
	v52 =	vld.idx.msk [tilespmem:v26+s22+$0x0], $0xffff;
	[tilespmem:v47+s17+$0x0] =	vst.idx.msk $0xffff, v35  }
0x214: {  	v8 =	vor.u32 v61, v8;
	[tilespmem:v37+s17+$0x0] =	vst.idx.msk $0xffff, v44;
	v44 =	vor.u32 v63, v2;
	v2 =	vld.idx.msk [tilespmem:v12+s22+$0x0], $0xffff  }
0x215: {  	v23 =	vor.u32 v60, v13;
	v26 =	vor.u32 v61, v9;
	[tilespmem:v42+s17+$0x0] =	vst.idx.msk $0xffff, v43;
	v43 =	vld.idx.msk [tilespmem:v30+s22+$0x0], $0xffff  }
0x216: {  	[tilespmem:v46+s17+$0x0] =	vst.idx.msk $0xffff, v34;
	v9 =	vld.idx.msk [tilespmem:v11+s22+$0x0], $0xffff;
	v11 =	vor.u32 v63, v13;
	v13 =	vor.u32 v55, v28  }
0x217: {  	v25 =	vor.u32 v61, v33;
	v29 =	vor.u32 v61, v24;
	v42 =	vor.u32 v60, v3;
	v34 =	vld.idx.msk [tilespmem:v31+s22+$0x0], $0xffff  }
0x218: {  	v33 =	vor.u32 v56, v33;
	v27 =	vor.u32 v61, v32;
	[tilespmem:v6+s17+$0x0] =	vst.idx.msk $0xffff, v40;
	v6 =	vld.idx.msk [tilespmem:v38+s22+$0x0], $0xffff  }
0x219: {  	v36 =	vor.u32 v56, v24;
	v24 =	vor.u32 v62, v5;
	[tilespmem:v45+s17+$0x0] =	vst.idx.msk $0xffff, v52;
	v31 =	vld.idx.msk [tilespmem:v49+s22+$0x0], $0xffff  }
0x21a: {  	v37 =	vor.u32 v60, v1;
	v47 =	vor.u32 v56, v32;
	[tilespmem:v48+s17+$0x0] =	vst.idx.msk $0xffff, v0;
	v35 =	vld.idx.msk [tilespmem:v15+s22+$0x0], $0xffff  }
0x21b: {  	v32 =	vor.u32 v62, v10;
	v49 =	vor.u32 v63, v1;
	[tilespmem:v51+s17+$0x0] =	vst.idx.msk $0xffff, v9;
	v40 =	vld.idx.msk [tilespmem:v13+s22+$0x0], $0xffff  }
0x21c: {  	v48 =	vor.u32 v56, v28;
	v30 =	vor.u32 v60, v10;
	[tilespmem:v42+s17+$0x0] =	vst.idx.msk $0xffff, v34;
	v41 =	vld.idx.msk [tilespmem:v8+s22+$0x0], $0xffff  }
0x21d: {  	s29 =	simm.s32 $0xC;
	s31 =	simm.s32 $0xF;
	s25 =	simm.s32 $0x8;
	v5 =	vlaneseq.u32;
	v46 =	vor.u32 v62, v4;
	v38 =	vor.u32 v61, v14;
	[tilespmem:v11+s17+$0x0] =	vst.idx.msk $0xffff, v2;
	v42 =	vld.idx.msk [tilespmem:v53+s22+$0x0], $0xffff  }
0x21e: {  	s30 =	simm.s32 $0xD;
	s28 =	simm.s32 $0xE;
	s26 =	simm.s32 $0x10;
	v45 =	vadd.s32 s31, v5;
	[tilespmem:v50+s17+$0x0] =	vst.idx.msk $0xffff, v6;
	v34 =	vor.u32 v62, v3;
	v8 =	vadd.s32 s25, v5;
	v50 =	vld.idx.msk [tilespmem:v33+s22+$0x0], $0xffff  }
.LBB2_13:
0x21f: {  	v0 =	vand.u32 $0x1F, v8;
	s0 =	sadd.s32 $0x1, s25;
	v1 =	vadd.s32 s29, v5;
	v2 =	vadd.s32 s30, v5  }
0x220: {  	s1 =	sadd.s32 $0x2, s25;
	s31 =	sadd.s32 $0x3, s25;
	v3 =	vld.idx.msk [tilespmem:v36+s22+$0x0], $0xffff;
	[tilespmem:v49+s17+$0x0] =	vst.idx.msk $0xffff, v43;
	v4 =	vmovc v16;
	v7 =	vlaneseq.u32;
	v5 =	vmovc v18;
	v6 =	vmov v19;
	v8 =	vmov v20;
	s25 =	smov.u32 s26  }
0x221: {  	p1 =	slt.u32 s26, $0x18;
	s26 =	sadd.s32 $0x8, s26;
	v16 =	vor.u32 v62, v0;
	v9 =	vadd.s32 s0, v7;
	v10 =	vadd.s32 s1, v7;
	[tilespmem:v39+s17+$0x0] =	vst.idx.msk $0xffff, v35  }
0x222: {  	v11 =	vor.u32 v60, v0;
	v35 =	vand.u32 $0x1F, v9;
	v33 =	vand.u32 $0x1F, v10;
	[tilespmem:v44+s17+$0x0] =	vst.idx.msk $0xffff, v40;
	v9 =	vld.idx.msk [tilespmem:v47+s22+$0x0], $0xffff  }
0x223: {  	v40 =	vor.u32 v63, v0;
	v10 =	vshll.u32 v35, $0x7;
	v12 =	vshll.u32 v33, $0x7;
	[tilespmem:v46+s17+$0x0] =	vst.idx.msk $0xffff, v41;
	v13 =	vld.idx.msk [tilespmem:v48+s22+$0x0], $0xffff  }
0x224: {  	v18 =	vadd.s32 s31, v7;
	v14 =	vor.u32 v54, v35;
	v15 =	vor.u32 v7, v12;
	[tilespmem:v34+s17+$0x0] =	vst.idx.msk $0xffff, v42  }
0x225: {  	v28 =	vand.u32 $0x1F, v18;
	v34 =	vand.u32 $0x1F, v2;
	v2 =	vadd.s32 s28, v7;
	v20 =	vld.idx.msk [tilespmem:v26+s22+$0x0], $0xffff;
	[tilespmem:v23+s17+$0x0] =	vst.idx.msk $0xffff, v50  }
0x226: {  	v41 =	vshll.u32 v0, $0x7;
	v46 =	vshll.u32 v28, $0x7;
	v23 =	vor.u32 v7, v10;
	[tilespmem:v30+s17+$0x0] =	vst.idx.msk $0xffff, v3;
	v3 =	vld.idx.msk [tilespmem:v25+s22+$0x0], $0xffff  }
0x227: {  	v1 =	vand.u32 $0x1F, v1;
	v47 =	vshll.u32 v34, $0x7;
	v25 =	vor.u32 v7, v46;
	[tilespmem:v17+s17+$0x0] =	vst.idx.msk $0xffff, v31;
	v17 =	vld.idx.msk [tilespmem:v29+s22+$0x0], $0xffff  }
0x228: {  	v42 =	vshll.u32 v1, $0x7;
	v2 =	vand.u32 $0x1F, v2;
	v26 =	vor.u32 v7, v47;
	v29 =	vld.idx.msk [tilespmem:v38+s22+$0x0], $0xffff;
	[tilespmem:v37+s17+$0x0] =	vst.idx.msk $0xffff, v9  }
0x229: {  	v18 =	vor.u32 v62, v1;
	v9 =	vor.u32 v7, v41;
	v37 =	vand.u32 $0x1F, v45;
	[tilespmem:v22+s17+$0x0] =	vst.idx.msk $0xffff, v13  }
0x22a: {  	v0 =	vor.u32 v54, v0;
	v19 =	vor.u32 v62, v2;
	v13 =	vor.u32 v54, v33;
	v21 =	vld.idx.msk [tilespmem:v21+s22+$0x0], $0xffff  }
0x22b: {  	v30 =	vor.u32 v55, v12;
	v22 =	vor.u32 v55, v10;
	[tilespmem:v24+s17+$0x0] =	vst.idx.msk $0xffff, v20;
	v24 =	vld.idx.msk [tilespmem:v27+s22+$0x0], $0xffff  }
0x22c: {  	v38 =	vshll.u32 v2, $0x7;
	v45 =	vshll.u32 v37, $0x7;
	v27 =	vor.u32 v54, v34;
	v23 =	vld.idx.msk [tilespmem:v23+s22+$0x0], $0xffff;
	[tilespmem:v6+s17+$0x0] =	vst.idx.msk $0xffff, v3  }
0x22d: {  	v31 =	vor.u32 v7, v45;
	v3 =	vor.u32 v7, v42;
	v6 =	vld.idx.msk [tilespmem:v26+s22+$0x0], $0xffff;
	v26 =	vor.u32 v7, v38  }
0x22e: {  	v44 =	vor.u32 v54, v28;
	v20 =	vor.u32 v62, v37;
	[tilespmem:v32+s17+$0x0] =	vst.idx.msk $0xffff, v17;
	v17 =	vmov v11  }
0x22f: {  	v32 =	vor.u32 v55, v47;
	v11 =	vld.idx.msk [tilespmem:v15+s22+$0x0], $0xffff;
	v15 =	vor.u32 v55, v46;
	[tilespmem:v4+s17+$0x0] =	vst.idx.msk $0xffff, v29  }
0x230: {  	v29 =	vor.u32 v54, v37;
	v4 =	vld.idx.msk [tilespmem:v9+s22+$0x0], $0xffff;
	v9 =	vor.u32 v55, v41;
	[tilespmem:v5+s17+$0x0] =	vst.idx.msk $0xffff, v21  }
0x231: {  	v48 =	vor.u32 v63, v33;
	v5 =	vor.u32 v63, v35;
	v49 =	vld.idx.msk [tilespmem:v25+s22+$0x0], $0xffff;
	[tilespmem:v8+s17+$0x0] =	vst.idx.msk $0xffff, v24  }
0x232: {  	v8 =	vor.u32 v56, v10;
	[tilespmem:v14+s17+$0x0] =	vst.idx.msk $0xffff, v23;
	v14 =	vor.u32 v56, v12;
	v24 =	vld.idx.msk [tilespmem:v31+s22+$0x0], $0xffff  }
0x233: {  	v23 =	vor.u32 v60, v2;
	v25 =	vld.idx.msk [tilespmem:v22+s22+$0x0], $0xffff;
	[tilespmem:v27+s17+$0x0] =	vst.idx.msk $0xffff, v6;
	v6 =	vor.u32 v55, v45  }
0x234: {  	v21 =	vor.u32 v61, v42;
	v31 =	vor.u32 v63, v34;
	v27 =	vld.idx.msk [tilespmem:v32+s22+$0x0], $0xffff;
	v32 =	vor.u32 v54, v2  }
0x235: {  	v51 =	vor.u32 v54, v1;
	v50 =	vor.u32 v63, v28;
	v22 =	vor.u32 v60, v1;
	v52 =	vld.idx.msk [tilespmem:v26+s22+$0x0], $0xffff  }
0x236: {  	v36 =	vor.u32 v56, v46;
	[tilespmem:v0+s17+$0x0] =	vst.idx.msk $0xffff, v4;
	v0 =	vld.idx.msk [tilespmem:v3+s22+$0x0], $0xffff;
	v3 =	vor.u32 v56, v47  }
0x237: {  	v4 =	vld.idx.msk [tilespmem:v9+s22+$0x0], $0xffff;
	v9 =	vor.u32 v56, v41;
	[tilespmem:v13+s17+$0x0] =	vst.idx.msk $0xffff, v11;
	v11 =	vor.u32 v55, v38  }
0x238: {  	v39 =	vor.u32 v60, v33;
	v13 =	vor.u32 v60, v35;
	v53 =	vld.idx.msk [tilespmem:v30+s22+$0x0], $0xffff;
	[tilespmem:v29+s17+$0x0] =	vst.idx.msk $0xffff, v24  }
0x239: {  	v26 =	vor.u32 v61, v12;
	[tilespmem:v5+s17+$0x0] =	vst.idx.msk $0xffff, v25;
	v5 =	vor.u32 v61, v10;
	v43 =	vld.idx.msk [tilespmem:v6+s22+$0x0], $0xffff  }
0x23a: {  	v2 =	vor.u32 v63, v2;
	v25 =	vor.u32 v61, v38;
	v6 =	vld.idx.msk [tilespmem:v8+s22+$0x0], $0xffff;
	[tilespmem:v31+s17+$0x0] =	vst.idx.msk $0xffff, v27  }
0x23b: {  	v10 =	vor.u32 v60, v34;
	v8 =	vor.u32 v55, v42;
	v3 =	vld.idx.msk [tilespmem:v3+s22+$0x0], $0xffff;
	[tilespmem:v32+s17+$0x0] =	vst.idx.msk $0xffff, v52  }
0x23c: {  	v30 =	vor.u32 v60, v28;
	[tilespmem:v44+s17+$0x0] =	vst.idx.msk $0xffff, v49;
	v44 =	vor.u32 v63, v1;
	v1 =	vld.idx.msk [tilespmem:v11+s22+$0x0], $0xffff  }
0x23d: {  	v29 =	vor.u32 v61, v46;
	v11 =	vor.u32 v61, v47;
	[tilespmem:v40+s17+$0x0] =	vst.idx.msk $0xffff, v4;
	v4 =	vld.idx.msk [tilespmem:v15+s22+$0x0], $0xffff  }
0x23e: {  	v49 =	vor.u32 v63, v37;
	v31 =	vld.idx.msk [tilespmem:v9+s22+$0x0], $0xffff;
	[tilespmem:v48+s17+$0x0] =	vst.idx.msk $0xffff, v53;
	v9 =	vor.u32 v56, v38  }
.Ltmp10:
0x23f: {  	v46 =	vor.u32 v62, v35;
	v24 =	vor.u32 v62, v33;
	v35 =	vld.idx.msk [tilespmem:v14+s22+$0x0], $0xffff;
	[tilespmem:v51+s17+$0x0] =	vst.idx.msk $0xffff, v0;
	(pc) =	sbr.rel @p1 .LBB2_13-.Ltmp10, $4  }
0x240: {  	v37 =	vor.u32 v60, v37;
	v38 =	vor.u32 v61, v41;
	[tilespmem:v13+s17+$0x0] =	vst.idx.msk $0xffff, v6;
	v40 =	vld.idx.msk [tilespmem:v8+s22+$0x0], $0xffff  }
0x241: {  	v27 =	vor.u32 v61, v45;
	v47 =	vor.u32 v56, v45;
	v41 =	vld.idx.msk [tilespmem:v5+s22+$0x0], $0xffff;
	v5 =	vlaneseq.u32;
	[tilespmem:v10+s17+$0x0] =	vst.idx.msk $0xffff, v3  }
0x242: {  	s0 =	sadd.s32 $0x7, s25;
	v34 =	vor.u32 v62, v34;
	v48 =	vor.u32 v56, v42;
	v42 =	vld.idx.msk [tilespmem:v11+s22+$0x0], $0xffff;
	[tilespmem:v2+s17+$0x0] =	vst.idx.msk $0xffff, v1  }
0x243: {  	s29 =	sadd.s32 $0x4, s25;
	s30 =	sadd.s32 $0x5, s25;
	s28 =	sadd.s32 $0x6, s25;
	v32 =	vor.u32 v62, v28;
	v8 =	vadd.s32 s25, v5;
	v45 =	vadd.s32 s0, v5;
	[tilespmem:v50+s17+$0x0] =	vst.idx.msk $0xffff, v4;
	v50 =	vld.idx.msk [tilespmem:v9+s22+$0x0], $0xffff  }
0x244: {  	_ =	sdelay $0x3  }
0x245: {  	[tilespmem:v49+s17+$0x0] =	vst.idx.msk $0xffff, v43  }
0x246: {  	s0 =	sadd.s32 $0x1, s25;
	v0 =	vld.idx.msk [tilespmem:v36+s22+$0x0], $0xffff;
	[tilespmem:v39+s17+$0x0] =	vst.idx.msk $0xffff, v35;
	v28 =	vand.u32 $0x1F, v8;
	s1 =	sadd.s32 $0x2, s25;
	v2 =	vadd.s32 s30, v5  }
0x247: {  	v7 =	vlaneseq.u32;
	v1 =	vadd.s32 s0, v5;
	[tilespmem:v44+s17+$0x0] =	vst.idx.msk $0xffff, v40;
	v3 =	vadd.s32 s1, v5;
	v5 =	vld.idx.msk [tilespmem:v47+s22+$0x0], $0xffff  }
0x248: {  	s31 =	sadd.s32 $0x3, s25;
	[tilespmem:v17+s17+$0x0] =	vst.idx.msk $0xffff, v31;
	v17 =	vand.u32 $0x1F, v45;
	v2 =	vand.u32 $0x1F, v2;
	v1 =	vand.u32 $0x1F, v1;
	v4 =	vld.idx.msk [tilespmem:v48+s22+$0x0], $0xffff  }
0x249: {  	v12 =	vadd.s32 s31, v7;
	v43 =	vld.idx.msk [tilespmem:v38+s22+$0x0], $0xffff;
	v53 =	vor.u32 v54, v17;
	[tilespmem:v46+s17+$0x0] =	vst.idx.msk $0xffff, v41;
	v6 =	vshll.u32 v1, $0x7  }
0x24a: {  	v33 =	vand.u32 $0x1F, v3;
	v3 =	vld.idx.msk [tilespmem:v26+s22+$0x0], $0xffff;
	v10 =	vshll.u32 v2, $0x7;
	[tilespmem:v34+s17+$0x0] =	vst.idx.msk $0xffff, v42;
	v9 =	vor.u32 v7, v6  }
0x24b: {  	v48 =	vor.u32 v54, v2;
	v8 =	vor.u32 v54, v1;
	v11 =	vshll.u32 v33, $0x7;
	[tilespmem:v23+s17+$0x0] =	vst.idx.msk $0xffff, v50  }
0x24c: {  	v13 =	vor.u32 v7, v10;
	v52 =	vor.u32 v54, v33;
	[tilespmem:v30+s17+$0x0] =	vst.idx.msk $0xffff, v0;
	v0 =	vld.idx.msk [tilespmem:v25+s22+$0x0], $0xffff  }
0x24d: {  	v14 =	vor.u32 v7, v11;
	v23 =	vand.u32 $0x1F, v12;
	v12 =	vshll.u32 v28, $0x7;
	v15 =	vld.idx.msk [tilespmem:v29+s22+$0x0], $0xffff;
	[tilespmem:v22+s17+$0x0] =	vst.idx.msk $0xffff, v4  }
0x24e: {  	v44 =	vor.u32 v7, v12;
	[tilespmem:v37+s17+$0x0] =	vst.idx.msk $0xffff, v5;
	v4 =	vadd.s32 s28, v7;
	v5 =	vld.idx.msk [tilespmem:v21+s22+$0x0], $0xffff;
	v21 =	vshll.u32 v17, $0x7  }
0x24f: {  	[tilespmem:v24+s17+$0x0] =	vst.idx.msk $0xffff, v3;
	v4 =	vand.u32 $0x1F, v4;
	v3 =	vld.idx.msk [tilespmem:v9+s22+$0x0], $0xffff;
	v9 =	vor.u32 v7, v21  }
0x250: {  	v47 =	vor.u32 v55, v6;
	[tilespmem:v16+s17+$0x0] =	vst.idx.msk $0xffff, v43;
	v49 =	vld.idx.msk [tilespmem:v27+s22+$0x0], $0xffff;
	v27 =	vshll.u32 v4, $0x7  }
0x251: {  	v50 =	vor.u32 v54, v28;
	[tilespmem:v19+s17+$0x0] =	vst.idx.msk $0xffff, v0;
	v0 =	vld.idx.msk [tilespmem:v13+s22+$0x0], $0xffff;
	v51 =	vor.u32 v7, v27  }
0x252: {  	v46 =	vadd.s32 s29, v7;
	v25 =	vshll.u32 v23, $0x7;
	v14 =	vld.idx.msk [tilespmem:v14+s22+$0x0], $0xffff;
	[tilespmem:v32+s17+$0x0] =	vst.idx.msk $0xffff, v15;
	v15 =	vor.u32 v55, v10  }
0x253: {  	v45 =	vor.u32 v7, v25;
	v13 =	vand.u32 $0x1F, v46;
	v16 =	vld.idx.msk [tilespmem:v44+s22+$0x0], $0xffff;
	[tilespmem:v18+s17+$0x0] =	vst.idx.msk $0xffff, v5  }
0x254: {  	v26 =	vshll.u32 v13, $0x7;
	v5 =	vor.u32 v55, v12;
	[tilespmem:v8+s17+$0x0] =	vst.idx.msk $0xffff, v3;
	v3 =	vld.idx.msk [tilespmem:v9+s22+$0x0], $0xffff  }
0x255: {  	[tilespmem:v20+s17+$0x0] =	vst.idx.msk $0xffff, v49;
	v8 =	vor.u32 v55, v11;
	v9 =	vor.u32 v63, v1;
	v24 =	vld.idx.msk [tilespmem:v47+s22+$0x0], $0xffff  }
0x256: {  	v38 =	vor.u32 v54, v4;
	[tilespmem:v48+s17+$0x0] =	vst.idx.msk $0xffff, v0;
	v0 =	vor.u32 v7, v26;
	v32 =	vld.idx.msk [tilespmem:v51+s22+$0x0], $0xffff  }
0x257: {  	v36 =	vor.u32 v63, v2;
	v37 =	vor.u32 v56, v6;
	[tilespmem:v52+s17+$0x0] =	vst.idx.msk $0xffff, v14;
	v15 =	vld.idx.msk [tilespmem:v15+s22+$0x0], $0xffff  }
0x258: {  	v40 =	vor.u32 v55, v27;
	v22 =	vld.idx.msk [tilespmem:v45+s22+$0x0], $0xffff;
	[tilespmem:v50+s17+$0x0] =	vst.idx.msk $0xffff, v16;
	v16 =	vor.u32 v54, v23  }
0x259: {  	v39 =	vor.u32 v56, v10;
	v14 =	vor.u32 v63, v28;
	v5 =	vld.idx.msk [tilespmem:v5+s22+$0x0], $0xffff;
	[tilespmem:v53+s17+$0x0] =	vst.idx.msk $0xffff, v3  }
0x25a: {  	v41 =	vor.u32 v63, v33;
	v3 =	vor.u32 v55, v25;
	v8 =	vld.idx.msk [tilespmem:v8+s22+$0x0], $0xffff;
	[tilespmem:v9+s17+$0x0] =	vst.idx.msk $0xffff, v24  }
0x25b: {  	v42 =	vor.u32 v54, v13;
	v9 =	vor.u32 v55, v21;
	v0 =	vld.idx.msk [tilespmem:v0+s22+$0x0], $0xffff;
	[tilespmem:v38+s17+$0x0] =	vst.idx.msk $0xffff, v32  }
0x25c: {  	v43 =	vor.u32 v60, v1;
	[tilespmem:v36+s17+$0x0] =	vst.idx.msk $0xffff, v15;
	v15 =	vor.u32 v56, v11;
	v20 =	vld.idx.msk [tilespmem:v37+s22+$0x0], $0xffff  }
0x25d: {  	v44 =	vor.u32 v55, v26;
	[tilespmem:v16+s17+$0x0] =	vst.idx.msk $0xffff, v22;
	v16 =	vor.u32 v63, v4;
	v46 =	vld.idx.msk [tilespmem:v40+s22+$0x0], $0xffff  }
0x25e: {  	v6 =	vor.u32 v61, v6;
	v45 =	vor.u32 v60, v2;
	v30 =	vld.idx.msk [tilespmem:v39+s22+$0x0], $0xffff;
	[tilespmem:v14+s17+$0x0] =	vst.idx.msk $0xffff, v5  }
0x25f: {  	v10 =	vor.u32 v61, v10;
	v5 =	vor.u32 v63, v23;
	v3 =	vld.idx.msk [tilespmem:v3+s22+$0x0], $0xffff;
	[tilespmem:v41+s17+$0x0] =	vst.idx.msk $0xffff, v8  }
0x260: {  	v14 =	vor.u32 v63, v17;
	v8 =	vld.idx.msk [tilespmem:v9+s22+$0x0], $0xffff;
	v9 =	vor.u32 v56, v27;
	[tilespmem:v42+s17+$0x0] =	vst.idx.msk $0xffff, v0  }
0x261: {  	v47 =	vor.u32 v60, v33;
	v0 =	vor.u32 v56, v25;
	v15 =	vld.idx.msk [tilespmem:v15+s22+$0x0], $0xffff;
	[tilespmem:v43+s17+$0x0] =	vst.idx.msk $0xffff, v20  }
0x262: {  	v49 =	vor.u32 v63, v13;
	v48 =	vor.u32 v56, v12;
	v24 =	vld.idx.msk [tilespmem:v44+s22+$0x0], $0xffff;
	[tilespmem:v16+s17+$0x0] =	vst.idx.msk $0xffff, v46  }
0x263: {  	v1 =	vor.u32 v62, v1;
	v50 =	vor.u32 v56, v26;
	[tilespmem:v45+s17+$0x0] =	vst.idx.msk $0xffff, v30;
	v6 =	vld.idx.msk [tilespmem:v6+s22+$0x0], $0xffff  }
0x264: {  	v2 =	vor.u32 v62, v2;
	v16 =	vor.u32 v56, v21;
	v10 =	vld.idx.msk [tilespmem:v10+s22+$0x0], $0xffff;
	[tilespmem:v5+s17+$0x0] =	vst.idx.msk $0xffff, v3  }
0x265: {  	v3 =	vor.u32 v60, v4;
	v5 =	vor.u32 v61, v11;
	v9 =	vld.idx.msk [tilespmem:v9+s22+$0x0], $0xffff;
	[tilespmem:v14+s17+$0x0] =	vst.idx.msk $0xffff, v8  }
0x266: {  	v11 =	vor.u32 v60, v23;
	v8 =	vor.u32 v61, v27;
	v0 =	vld.idx.msk [tilespmem:v0+s22+$0x0], $0xffff;
	[tilespmem:v47+s17+$0x0] =	vst.idx.msk $0xffff, v15  }
0x267: {  	v51 =	vld.idx.msk [tilespmem:v48+s22+$0x0], $0xffff;
	v14 =	vor.u32 v60, v28;
	v15 =	vor.u32 v61, v25;
	[tilespmem:v49+s17+$0x0] =	vst.idx.msk $0xffff, v24  }
0x268: {  	v52 =	vor.u32 v60, v13;
	v12 =	vor.u32 v61, v12;
	[tilespmem:v1+s17+$0x0] =	vst.idx.msk $0xffff, v6;
	v1 =	vld.idx.msk [tilespmem:v50+s22+$0x0], $0xffff  }
0x269: {  	v53 =	vor.u32 v60, v17;
	v16 =	vld.idx.msk [tilespmem:v16+s22+$0x0], $0xffff;
	v6 =	vor.u32 v61, v26;
	[tilespmem:v2+s17+$0x0] =	vst.idx.msk $0xffff, v10  }
0x26a: {  	v2 =	vor.u32 v62, v33;
	v10 =	vor.u32 v61, v21;
	v5 =	vld.idx.msk [tilespmem:v5+s22+$0x0], $0xffff;
	[tilespmem:v3+s17+$0x0] =	vst.idx.msk $0xffff, v9  }
0x26b: {  	v3 =	vor.u32 v62, v4;
	[tilespmem:v11+s17+$0x0] =	vst.idx.msk $0xffff, v0;
	v0 =	vld.idx.msk [tilespmem:v8+s22+$0x0], $0xffff  }
0x26c: {  	v4 =	vor.u32 v62, v23;
	[tilespmem:v14+s17+$0x0] =	vst.idx.msk $0xffff, v51;
	v8 =	vld.idx.msk [tilespmem:v15+s22+$0x0], $0xffff  }
0x26d: {  	v9 =	vor.u32 v62, v28;
	v11 =	vld.idx.msk [tilespmem:v12+s22+$0x0], $0xffff;
	[tilespmem:v52+s17+$0x0] =	vst.idx.msk $0xffff, v1  }
0x26e: {  	[tilespmem:v53+s17+$0x0] =	vst.idx.msk $0xffff, v16;
	v1 =	vor.u32 v62, v13;
	v6 =	vld.idx.msk [tilespmem:v6+s22+$0x0], $0xffff  }
0x26f: {  	v12 =	vor.u32 v62, v17;
	[tilespmem:v2+s17+$0x0] =	vst.idx.msk $0xffff, v5;
	v2 =	vld.idx.msk [tilespmem:v10+s22+$0x0], $0xffff  }
0x270: {  	[tilespmem:v3+s17+$0x0] =	vst.idx.msk $0xffff, v0  }
0x271: {  	[tilespmem:v4+s17+$0x0] =	vst.idx.msk $0xffff, v8  }
0x272: {  	[tilespmem:v9+s17+$0x0] =	vst.idx.msk $0xffff, v11  }
0x273: {  	[tilespmem:v1+s17+$0x0] =	vst.idx.msk $0xffff, v6  }
0x274: {  	[tilespmem:v12+s17+$0x0] =	vst.idx.msk $0xffff, v2  }
0x275: {  	[hbm4b:s11+s3] =	stream.linear.scatter [tilespmem:s17], [sflag:$0x5], $0x800, $0x38;
	[tilespmem:$0x5000] =	vst v63  }
0x276: {  	_ =	swait.ge [sflag:s23], $0x800  }
.Ltmp11:
0x277: {  	v50 =	vld [tilespmem:$0x1FF20];
	(pc) =	sbr.rel .LBB2_15-.Ltmp11, $4  }
0x278: {  	v53 =	vld [tilespmem:$0x1FF30]  }
0x279: {  	v52 =	vld [tilespmem:$0x1FF40]  }
0x27a: {  	v10 =	vmov v54;
	[sflag:s23] =	ssyncset.done $0x0;
	v54 =	vld [tilespmem:$0x1FF50]  }
0x27b: {  	v7 =	vmovc v55;
	v13 =	vlaneseq.u32;
	v6 =	vmov v58;
	v2 =	vmov v57;
	v15 =	vld [tilespmem:$0x1FF10];
	[sflag:s23] =	ssyncadd.s32 $0xFFFFF800  }
.LBB2_16:
0x27c: {  	_ =	sfence.sel $0x180000  }
0x27d: {  	[bflag:$0x0] =	sbarrier.arrive $0xFFFF  }
0x27e: {  	_ =	strace $0x90000047  }
0x27f: {  	s0 =	stileid.u32;
	[bflag:$0x2] =	sbarrier.arrive $0xFFFF  }
0x280: {  	p0 =	sne.s32 s0, $0x0;
	s0 =	rddreg [dreg:$0x2]  }
0x281: {  	s0 =	sadd.s32 @!p0 $0x100000, s0  }
0x282: {  	[sflag:s0] =	ssyncadd.tile.s32 @!p0 $0x1;
	_ =	shalt  }
.Lfunc_end2:
_tile_overlayer_lowered:
.L_overlay_start_2:
0x283: {  	(tag) =	ssettag $0x2  }
0x284: {  	s0 =	rddreg [dreg:$0x0];
	s2 =	stileid.u32  }
0x285: {  	s1 =	rddreg [dreg:$0x1];
	p0 =	sne.s32 s2, $0x0  }
0x286: {  	s3 =	rddreg [dreg:$0x2];
	[bflag:$0x3] =	sbarrier.arrive $0xFFFF;
	s2 =	simm.s32 @!p0 $0x1C05  }
0x287: {  	[timem:s3], [sflag:s2] =	dma.local @!p0 [hbm:s0], s1  }
0x288: {  	s0 =	simm.s32 @!p0 $0x5  }
0x289: {  	_ =	swait.ge @!p0 [sflag:s0], s1  }
0x28a: {  	s1 =	ssub.s32 @!p0 $0x0, s1;
	[sflag:s0] =	ssyncset.done @!p0 $0x0  }
0x28b: {  	[sflag:s0] =	ssyncadd.s32 @!p0 s1  }
0x28c: {  	[bflag:$0x3] =	sbarrier.arrive $0xFFFF  }
0x28d: {  	_ =	shalt  }

// kernel: kernel.7.cloned.1.call-start
scs
__scs_entry_jumppad:
0x0: {  	(pc) =	sbr.rel $0x88, $3  }
0x1: {  	(tag) =	ssettag $0x0;
	lr =	simm.s32 $0x1  }
0x2: {  	[smem:$0x3F9F] =	sst lr;
	_ =	strace $0xD0000000  }
0x3: {  	_ = 	snop  }
0x4: {  	_ = 	snop  }
0x5: {  	_ = 	snop  }
0x6: {  	_ = 	snop  }
0x7: {  	_ = 	snop  }
__scs_overlays_trampoline_lowered:
0x8: {  	[smem:$0x3FAE] =	sst s0  }
0x9: {  	[smem:$0x3FAF] =	sst s1  }
0xa: {  	[smem:$0x3FB0] =	sst s2  }
0xb: {  	[smem:$0x3FB1] =	sst s3  }
0xc: {  	[smem:$0x3FB2] =	sst s4  }
0xd: {  	[smem:$0x3FB3] =	sst s5  }
0xe: {  	[smem:$0x3FB4] =	sst s6  }
0xf: {  	[smem:$0x3FB5] =	sst s7  }
0x10: {  	[smem:$0x3FB6] =	sst s8  }
0x11: {  	[smem:$0x3FB7] =	sst s9;
	s0 =	simm.s32 @!p0 $0x0  }
0x12: {  	s1 =	sld [smem:$0x3F9D];
	s0 =	simm.s32 @p0 $0x1  }
0x13: {  	[smem:$0x3FB8] =	sst s0;
	s0 =	simm.s32 @!p1 $0x0  }
0x14: {  	s2 =	sld [smem:$0x3F9C];
	s0 =	simm.s32 @p1 $0x1  }
0x15: {  	[smem:$0x3FB9] =	sst s0;
	s0 =	simm.s32 @!p2 $0x0  }
0x16: {  	s3 =	sld [smem:$0x3FDB];
	s0 =	simm.s32 @p2 $0x1  }
0x17: {  	s4 =	simm.s32 $0x1BF5;
	[smem:$0x3FBB] =	sst s0  }
0x18: {  	s0 =	sld [smem:$0x3F9E];
	_ =	swait.ge [sflag:s4], $0x0  }
0x19: {  	s7 =	sld [smem:$0x3F9F]  }
0x1a: {  	s8 =	sadd.s32 $0xFFFFE003, lr  }
0x1b: {  	s9 =	sadd.s32 $0xFFFFFEF7, lr;
	s5 =	simm.s32 $0xFFFFFFFF;
	p2 =	slt.u32 s8, $0xFFFFF086  }
0x1c: {  	p1 =	slt.u32 s9, $0xF7A;
	s5 =	simm.s32 @!p2 $0x0  }
0x1d: {  	s5 =	simm.s32 @p1 $0x1;
	p0 =	seq.s32 s7, s2  }
0x1e: {  	s7 =	smul.u32 @!p0 $0xF7A, s2;
	p2 =	seq.s32 @!p0 s5, $0x0  }
0x1f: {  	s9 =	smul.u32 $0xF7A, s1;
	s8 =	simm.s32 @!p0 $0x1BF5;
	p2 =	por !p2, p0  }
0x20: {  	[sflag:s8] =	ssyncset.s32 @!p0 $0xFFFFF086;
	s6 =	sadd.s32 @!p0 s3, s7;
	s7 =	simm.s32 @!p0 $0x108  }
0x21: {  	s3 =	sadd.s32 s3, s9;
	s6 =	sadd.s32 @!p0 $0x88, s6;
	s7 =	simm.s32 @p2 $0x1082  }
0x22: {  	[simem:s7], [sflag:s8] =	dma.local @!p0 [hbm:s6], $0xF7A  }
0x23: {  	s9 =	sor.u32 $0xD0000000, s2;
	s6 =	simm.s32 $0x108;
	_ =	swait.ge @!p0 [sflag:s8], $0x0  }
0x24: {  	s3 =	sadd.s32 $0x88, s3;
	s6 =	simm.s32 @!p1 $0x1082;
	[sflag:s4] =	ssyncset.s32 $0xFFFFF086  }
0x25: {  	[simem:s6], [sflag:s4] =	dma.local [hbm:s3], $0xF7A  }
0x26: {  	[smem:$0x3F9F] =	sst s1;
	(tag) =	ssettag s2;
	_ =	strace s9  }
0x27: {  	s1 =	sld [smem:$0x3FAF]  }
0x28: {  	s2 =	sld [smem:$0x3FB0]  }
0x29: {  	s4 =	sld [smem:$0x3FB2]  }
0x2a: {  	p0 =	seq.s32 s5, $0x0;
	s5 =	sld [smem:$0x3FB3]  }
0x2b: {  	s6 =	sld [smem:$0x3FB4]  }
0x2c: {  	s7 =	sld [smem:$0x3FB5]  }
0x2d: {  	s3 =	simm.s32 $0x108;
	s8 =	sld [smem:$0x3FB6]  }
0x2e: {  	s3 =	simm.s32 @!p0 $0x1082;
	s9 =	sld [smem:$0x3FB7]  }
0x2f: {  	lr =	sadd.s32 s0, s3;
	s0 =	sld [smem:$0x3FAE]  }
0x30: {  	s3 =	sld [smem:$0x3FB1]  }
0x31: {  	[smem:$0x3FBA] =	sst s10  }
0x32: {  	s10 =	sld [smem:$0x3FB8];
	_ =	sdelay $0x3  }
0x33: {  	p0 =	seq.s32 s10, $0x1;
	s10 =	sld [smem:$0x3FBA];
	_ =	sdelay $0x3  }
0x34: {  	[smem:$0x3FBA] =	sst s10  }
0x35: {  	s10 =	sld [smem:$0x3FB9];
	_ =	sdelay $0x3  }
0x36: {  	p1 =	seq.s32 s10, $0x1;
	s10 =	sld [smem:$0x3FBA];
	_ =	sdelay $0x3  }
0x37: {  	[smem:$0x3FBA] =	sst s10  }
0x38: {  	s10 =	sld [smem:$0x3FBB]  }
0x39: {  	_ = 	snop;
	(pc) =	sbr.ind lr, $3  }
0x3a: {  	_ = 	snop  }
0x3b: {  	_ = 	snop  }
0x3c: {  	p2 =	seq.s32 s10, $0x1;
	s10 =	sld [smem:$0x3FBA]  }
0x3d: {  	_ =	shalt  }
0x3e: {  	_ =	shalt  }
0x3f: {  	_ =	shalt  }
0x40: {  	_ =	shalt  }
0x41: {  	_ =	shalt  }
0x42: {  	_ =	shalt  }
0x43: {  	_ =	shalt  }
0x44: {  	_ =	shalt  }
0x45: {  	_ =	shalt  }
0x46: {  	_ =	shalt  }
0x47: {  	_ =	shalt  }
0x48: {  	_ =	shalt  }
0x49: {  	_ =	shalt  }
0x4a: {  	_ =	shalt  }
0x4b: {  	_ =	shalt  }
0x4c: {  	_ =	shalt  }
0x4d: {  	_ =	shalt  }
0x4e: {  	_ =	shalt  }
0x4f: {  	_ =	shalt  }
0x50: {  	_ =	shalt  }
0x51: {  	_ =	shalt  }
0x52: {  	_ =	shalt  }
0x53: {  	_ =	shalt  }
0x54: {  	_ =	shalt  }
0x55: {  	_ =	shalt  }
0x56: {  	_ =	shalt  }
0x57: {  	_ =	shalt  }
0x58: {  	_ =	shalt  }
0x59: {  	_ =	shalt  }
0x5a: {  	_ =	shalt  }
0x5b: {  	_ =	shalt  }
0x5c: {  	_ =	shalt  }
0x5d: {  	_ =	shalt  }
0x5e: {  	_ =	shalt  }
0x5f: {  	_ =	shalt  }
0x60: {  	_ =	shalt  }
0x61: {  	_ =	shalt  }
0x62: {  	_ =	shalt  }
0x63: {  	_ =	shalt  }
0x64: {  	_ =	shalt  }
0x65: {  	_ =	shalt  }
0x66: {  	_ =	shalt  }
0x67: {  	_ =	shalt  }
0x68: {  	_ =	shalt  }
0x69: {  	_ =	shalt  }
0x6a: {  	_ =	shalt  }
0x6b: {  	_ =	shalt  }
0x6c: {  	_ =	shalt  }
0x6d: {  	_ =	shalt  }
0x6e: {  	_ =	shalt  }
0x6f: {  	_ =	shalt  }
0x70: {  	_ =	shalt  }
0x71: {  	_ =	shalt  }
0x72: {  	_ =	shalt  }
0x73: {  	_ =	shalt  }
0x74: {  	_ =	shalt  }
0x75: {  	_ =	shalt  }
0x76: {  	_ =	shalt  }
0x77: {  	_ =	shalt  }
0x78: {  	_ =	shalt  }
0x79: {  	_ =	shalt  }
0x7a: {  	_ =	shalt  }
0x7b: {  	_ =	shalt  }
0x7c: {  	_ =	shalt  }
0x7d: {  	_ =	shalt  }
0x7e: {  	_ =	shalt  }
0x7f: {  	_ =	shalt  }
0x80: {  	_ =	shalt  }
0x81: {  	_ =	shalt  }
0x82: {  	_ =	shalt  }
0x83: {  	_ =	shalt  }
0x84: {  	_ =	shalt  }
0x85: {  	_ =	shalt  }
0x86: {  	_ =	shalt  }
0x87: {  	_ =	shalt  }
.Lfunc_end0:
.L_simem_size_0:
called_computation.1_lowered:
.L_overlay_start_0:
0x88: {  	s2 =	sld [smem:$0x3FD9]  }
0x89: {  	s3 =	sld [smem:$0x3FFE];
	_ =	sdelay $0x1  }
0x8a: {  	s1 =	srdreg.scid  }
0x8b: {  	s0 =	sand.u32 $0x1, s1  }
0x8c: {  	s17 =	sshll.u32 s0, $0xA;
	s2 =	sadd.s32 s3, s2  }
0x8d: {  	s2 =	sadd.s32 s2, s17  }
0x8e: {  	[smem:$0x3FC6] =	sst s2  }
0x8f: {  	_ = 	snop  }
0x90: {  	s2 =	sld [smem:$0x3FD0];
	(tm) =	ssettm $0x1  }
0x91: {  	s18 =	sld [smem:$0x3FFB];
	_ =	sdelay $0x3  }
0x92: {  	_ =	strace s18  }
0x93: {  	s3 =	sld [smem:$0x3FFC];
	_ =	sdelay $0x3  }
0x94: {  	_ =	strace s3  }
0x95: {  	s3 =	sld [smem:$0x3FFD];
	_ =	sdelay $0x3  }
0x96: {  	_ =	strace s3  }
0x97: {  	_ =	strace $0x8FFFFFFF  }
0x98: {  	s19 =	sld [smem:$0x3FDB];
	_ =	sdelay $0x1  }
0x99: {  	s4 =	simm.s32 $_scs_section_size  }
0x9a: {  	s5 =	simm.s32 $_size__tile_overlayer_lowered;
	s6 =	simm.s32 $_tile_overlayer_lowered  }
0x9b: {  	s22 =	simm.s32 $0x1BFF;
	s21 =	sshll.u32 s6, $0x1;
	s3 =	sadd.s32 s4, s19  }
0x9c: {  	s7 =	simm.s32 $0x0;
	s20 =	sshll.u32 s5, $0x1;
	s5 =	sadd.s32 s21, s3  }
0x9d: {  	[timem:s7], [sflag:s22] =	dma.local [hbm:s5], s20  }
0x9e: {  	_ =	swait.ge [sflag:s22], s20  }
0x9f: {  	s4 =	ssub.s32 $0x0, s20;
	[sflag:s22] =	ssyncset.done $0x0  }
0xa0: {  	[sflag:s22] =	ssyncadd.s32 s4;
	_ =	sdelay $0x1  }
0xa1: {  	s23 =	simm.s32 $0x1B8B  }
0xa2: {  	_ =	swait.ge [sflag:s23], $0x1  }
0xa3: {  	[sflag:s23] =	ssyncset.done $0x0  }
0xa4: {  	s25 =	simm.s32 $0x1B8E;
	s24 =	sld [smem:$0x3FFE];
	[sflag:s23] =	ssyncadd.s32 $0xFFFFFFFF  }
0xa5: {  	s26 =	simm.s32 $execute0_lowered;
	[smem:$0x3FD2] =	sst s25  }
0xa6: {  	s5 =	sshll.u32 s26, $0x1;
	_ =	strace $0x80000049;
	[dreg:$0x1] =	wrdreg $0xFFFFFFFF  }
0xa7: {  	s28 =	simm.s32 $_size_execute0_lowered;
	s3 =	sadd.s32 s3, s5;
	[dreg:$0x0] =	wrdreg $0x0  }
0xa8: {  	s5 =	sshll.u32 s28, $0x1;
	[dreg:$0x2] =	wrdreg s3  }
0xa9: {  	[dreg:$0x3] =	wrdreg s5  }
0xaa: {  	[dreg:$0x4] =	wrdreg $0xC0  }
0xab: {  	_ =	task [dreg:s7], $0x5FFFF  }
0xac: {  	[dreg:$0x1] =	wrdreg $0xFFFFFFFF  }
0xad: {  	[dreg:$0x0] =	wrdreg $0x60  }
0xae: {  	[dreg:$0x2] =	wrdreg s24  }
0xaf: {  	[dreg:$0x3] =	wrdreg s2  }
0xb0: {  	[dreg:$0x4] =	wrdreg $0x9  }
0xb1: {  	_ =	task.clear_ibuf [dreg:s7], $0x5FFFF;
	_ =	strace $0x90000049  }
0xb2: {  	s29 =	simm.s32 $0x9;
	_ =	strace $0x8000004B  }
0xb3: {  	_ =	swait.ge [sflag:s29], $0x1  }
0xb4: {  	[sflag:s29] =	ssyncadd.s32 $0xFFFFFFFF  }
0xb5: {  	_ =	strace $0x9000004B  }
0xb6: {  	_ =	sfence  }
0xb7: {  	s30 =	sld [smem:$0x0];
	_ =	sdelay $0x2  }
0xb8: {  	s31 =	sshll.u32 s1, $0xD;
	s1 =	sshrl.u32 s1, $0x2  }
0xb9: {  	s3 =	sand.u32 $0x4000, s31;
	s1 =	sadd.s32 s1, s30  }
0xba: {  	s0 =	sor.u32 s3, s0;
	s1 =	sshll.u32 s1, $0x11  }
0xbb: {  	s0 =	sor.u32 s1, s0  }
0xbc: {  	s0 =	sadd.s32 $0x8F2B, s0  }
0xbd: {  	[sflag:s0] =	ssyncadd.remote.s32 $0x1  }
0xbe: {  	_ =	sfence.sel $0xFFFF  }
0xbf: {  	[dreg:$0x0] =	wrdreg $0xFFFFFFFF;
	(pc) =	sbr.abs _section_cstart, $3  }
0xc0: {  	[dreg:$0x1] =	wrdreg $0xFFFFFFFF  }
0xc1: {  	_ =	task.clear_ibuf [dreg:s7], $0x2FFFF;
	_ =	strace $0x9FFFFFFF  }
0xc2: {  	(tm) =	ssettm $0x7FFFFFFF  }
0xc3: {  	_ =	shalt  }
tec
execute0_lowered:
.L_overlay_start_1:
0x0: {  	(tag) =	ssettag $0x1  }
0x1: {  	s0 =	rddreg [dreg:$0x0];
	v0 =	vimm.s32 $0x787;
	vm0 =	vcmask $0x300;
	vm1 =	vcmask $0x704  }
0x2: {  	s1 =	rddreg [dreg:$0x1];
	vm2 =	vcmask $0xB08;
	v1 =	vimm.s32 $0xF87;
	v0 =	vsel vm0, $0x0, v0  }
0x3: {  	s2 =	srdreg.scid;
	s3 =	stileid.u32;
	vm3 =	vcmask $0xF0C;
	v1 =	vsel vm0, $0x800, v1;
	v0 =	vsel vm1, $0x81, v0  }
0x4: {  	s4 =	simm.s32 $0x0;
	vm15 =	vcmask $0x1310;
	s14 =	simm.s32 $0x80;
	s15 =	simm.s32 $0x6400;
	v1 =	vsel vm1, $0x881, v1;
	v0 =	vsel vm2, $0x102, v0  }
0x5: {  	vm6 =	vcmask $0x1714;
	s16 =	simm.s32 $0x7400;
	s18 =	simm.s32 $0x8400;
	s20 =	simm.s32 $0x9400;
	v1 =	vsel vm2, $0x902, v1;
	v0 =	vsel vm3, $0x183, v0  }
0x6: {  	vm7 =	vcmask $0x1B18;
	s21 =	simm.s32 $0x1;
	s22 =	simm.s32 $0xA400;
	s23 =	simm.s32 $0x400;
	v1 =	vsel vm3, $0x983, v1;
	v0 =	vsel vm15, $0x204, v0  }
0x7: {  	vm8 =	vcmask $0x1F1C;
	s28 =	simm.s32 $0xB400;
	s29 =	simm.s32 $0x3;
	s30 =	simm.s32 $0x7;
	v1 =	vsel vm15, $0xA04, v1;
	v0 =	vsel vm6, $0x285, v0  }
0x8: {  	vm9 =	vcmask $0x2320;
	s31 =	simm.s32 $0xC400;
	s11 =	simm.s32 $0xD400;
	s2 =	sand.u32 $0x1, s2;
	v1 =	vsel vm6, $0xA85, v1;
	v0 =	vsel vm7, $0x306, v0  }
0x9: {  	vm10 =	vcmask $0x2724;
	s3 =	sshll.u32 s3, $0x1;
	[smem:$0x7FF] =	sst s4;
	s4 =	sadd.s32 $0xA00, s0;
	v1 =	vsel vm7, $0xB06, v1;
	v0 =	vsel vm8, $0x387, v0  }
0xa: {  	vm11 =	vcmask $0x2B28;
	s3 =	sor.u32 s2, s3;
	_ =	strace $0x8000004A;
	s2 =	ssub.s32 $0x2, s2;
	v1 =	vsel vm8, $0xB87, v1;
	v0 =	vsel vm9, $0x400, v0  }
0xb: {  	vm12 =	vcmask $0x2F2C;
	s5 =	sshll.u32 s3, $0x6;
	s24 =	sshrl.u32 s2, $0x1;
	s3 =	sshll.u32 s3, $0xC;
	v1 =	vsel vm9, $0xC00, v1;
	v0 =	vsel vm10, $0x481, v0  }
0xc: {  	vm13 =	vcmask $0x3330;
	s0 =	sadd.s32 s5, s0;
	s25 =	ssub.s32 s2, s24;
	s26 =	sor.u32 $0x400, s3;
	v1 =	vsel vm10, $0xC81, v1;
	v0 =	vsel vm11, $0x502, v0  }
.Ltmp0:
0xd: {  	vm14 =	vcmask $0x3734;
	s8 =	sor.u32 $0x800, s3;
	s7 =	smov.u32 s3;
	v1 =	vsel vm11, $0xD02, v1;
	v0 =	vsel vm12, $0x583, v0;
	(pc) =	sbr.rel .LBB2_1-.Ltmp0, $4  }
0xe: {  	s9 =	sor.u32 $0xC00, s3;
	s24 =	simm.s32 $0x20000;
	s2 =	simm.s32 $0x8;
	v1 =	vsel vm12, $0xD83, v1;
	v2 =	vsel vm13, $0x604, v0;
	v0 =	vlaneseq.u32  }
0xf: {  	s5 =	simm.s32 $0x0;
	s0 =	sadd.s32 $0x3D1400, s0;
	[dreg:$0x4] =	wrdreg s26;
	vm15 =	vcmask $0x3B38;
	v3 =	vsel vm13, $0xE04, v1;
	v1 =	vmul.u32 $0x80, v0  }
0x10: {  	s26 =	simm.s32 $0x6;
	[dreg:$0x3] =	wrdreg s0;
	s0 =	smax.u32 s25, $0x1;
	v2 =	vsel vm14, $0x685, v2;
	v4 =	vsel vm14, $0xE85, v3;
	v3 =	vor.u32 $0x10, v0  }
0x11: {  	s25 =	simm.s32 $0x2;
	[dreg:$0x5] =	wrdreg s0;
	s0 =	simm.s32 $0x4;
	v2 =	vsel vm15, $0x706, v2;
	v4 =	vsel vm15, $0xF06, v4;
	v5 =	vor.u32 $0x800, v1  }
.LBB2_24:
0x12: {  	s3 =	simm.s32 $0x5  }
0x13: {  	_ =	swait.ge [sflag:s3], $0x1000  }
0x14: {  	[sflag:s3] =	ssyncset.done $0x0  }
0x15: {  	[sflag:s3] =	ssyncadd.s32 $0xFFFFF000  }
0x16: {  	_ =	swait.ge [sflag:s26], $0x1000  }
0x17: {  	[sflag:s26] =	ssyncset.done $0x0  }
0x18: {  	[sflag:s26] =	ssyncadd.s32 $0xFFFFF000  }
0x19: {  	_ =	swait.ge [sflag:s30], $0x1000  }
0x1a: {  	[sflag:s30] =	ssyncset.done $0x0  }
0x1b: {  	[sflag:s30] =	ssyncadd.s32 $0xFFFFF000  }
0x1c: {  	_ =	swait.ge [sflag:s2], $0x1000  }
0x1d: {  	s5 =	rddreg [dreg:$0x6]  }
0x1e: {  	s19 =	rddreg [dreg:$0x5];
	s5 =	sadd.s32 $0x1, s5  }
0x1f: {  	p0 =	sne.s32 s5, s19  }
.Ltmp1:
0x20: {  	_ = 	snop;
	(pc) =	sbr.rel @!p0 .LBB2_25-.Ltmp1, $3  }
0x21: {  	_ =	sdelay $0x1  }
0x22: {  	[sflag:s2] =	ssyncset.done $0x0  }
0x23: {  	[sflag:s2] =	ssyncadd.s32 $0xFFFFF000  }
.LBB2_1:
0x24: {  	[dreg:$0x6] =	wrdreg s5  }
0x25: {  	s3 =	simm.s32 $0x0;
	s12 =	rddreg [dreg:$0x3]  }
0x26: {  	s6 =	simm.s32 $0x200;
	s10 =	simm.s32 $0x4000;
	s13 =	simm.s32 $0x9  }
0x27: {  	[tilespmem:s3], [sflag:$0x9] =	stream.strided.gather [hbm4b:s12+s6], $0x6400, s10, s6, $0x38;
	[tilespmem:$0xE400] =	vst v63  }
0x28: {  	_ =	swait.ge [sflag:s13], $0x6400  }
0x29: {  	[sflag:s13] =	ssyncset.done $0x0  }
0x2a: {  	[sflag:s13] =	ssyncadd.s32 $0xFFFF9C00  }
0x2b: {  	[tilespmem:s15], [sflag:$0x1] =	stream.indirect.gather [hbm4b:s4+s14], $0x20, s3, s14, $0xb8;
	[tilespmem:$0xE400] =	vst v63  }
0x2c: {  	_ = 	snop  }
0x2d: {  	[tilespmem:s16], [sflag:$0x2] =	stream.indirect.gather [hbm4b:s4+s14], $0x20, s14, s14, $0xb8;
	[tilespmem:$0xE400] =	vst v63  }
0x2e: {  	s17 =	simm.s32 $0x100  }
0x2f: {  	[tilespmem:s18], [sflag:$0x3] =	stream.indirect.gather [hbm4b:s4+s14], $0x20, s17, s14, $0xb8;
	[tilespmem:$0xE400] =	vst v63  }
0x30: {  	s19 =	simm.s32 $0x180  }
0x31: {  	[tilespmem:s20], [sflag:$0x4] =	stream.indirect.gather [hbm4b:s4+s14], $0x20, s19, s14, $0xb8;
	[tilespmem:$0xE400] =	vst v63  }
0x32: {  	s19 =	simm.s32 $0x0  }
.LBB2_2:
0x33: {  	s3 =	simm.s32 $0x1;
	s5 =	simm.s32 $0x2  }
0x34: {  	s13 =	simm.s32 $0x4;
	s17 =	simm.s32 $0x5;
	s6 =	simm.s32 $0x7;
	v6 =	vadd.s32 s3, v0;
	v7 =	vadd.s32 s5, v0  }
0x35: {  	s10 =	simm.s32 $0x6;
	s12 =	simm.s32 $0x3;
	v8 =	vadd.s32 s13, v0;
	v9 =	vadd.s32 s17, v0;
	v12 =	vadd.s32 s6, v0  }
0x36: {  	v15 =	vadd.s32 s10, v0;
	v18 =	vadd.s32 s12, v0;
	v10 =	vshll.u32 v6, $0x5  }
0x37: {  	v11 =	vshll.u32 v9, $0x5;
	v13 =	vshll.u32 v8, $0x5;
	v16 =	vshll.u32 v12, $0x5  }
0x38: {  	v20 =	vshll.u32 v7, $0x5;
	v21 =	vshll.u32 v18, $0x5;
	v23 =	vshll.u32 v15, $0x5  }
0x39: {  	s13 =	simm.s32 $0x0;
	s10 =	simm.s32 $0xA;
	v12 =	vand.u32 $0x7F, v12;
	v18 =	vand.u32 $0x7F, v18;
	v7 =	vand.u32 $0x7F, v7  }
0x3a: {  	v8 =	vand.u32 $0x7F, v8;
	v32 =	vadd.s32 s13, v0;
	v38 =	vadd.s32 s10, v0  }
0x3b: {  	v10 =	vand.u32 $0xFE0, v10;
	v11 =	vand.u32 $0xFE0, v11;
	v13 =	vand.u32 $0xFE0, v13  }
0x3c: {  	v16 =	vand.u32 $0xFE0, v16;
	v20 =	vand.u32 $0xFE0, v20;
	v21 =	vand.u32 $0xFE0, v21  }
0x3d: {  	_ =	swait.ge [sflag:s21], $0x1000;
	v23 =	vand.u32 $0xFE0, v23;
	v26 =	vor.u32 v1, v12;
	v27 =	vor.u32 v1, v18  }
0x3e: {  	p0 =	seq.s32 s19, $0x0;
	[sflag:s21] =	ssyncset.done $0x0;
	v33 =	vor.u32 v5, v12;
	v29 =	vor.u32 v1, v7;
	v22 =	vor.u32 v0, v11  }
0x3f: {  	s3 =	simm.s32 @!p0 $0x5;
	[sflag:s21] =	ssyncadd.s32 $0xFFFFF000;
	v34 =	vor.u32 v5, v7;
	v17 =	vor.u32 v3, v13;
	v13 =	vor.u32 v0, v13  }
0x40: {  	s10 =	simm.s32 $0xD;
	_ =	swait.ge @!p0 [sflag:s3], $0x1000;
	v7 =	vand.u32 $0x7F, v9;
	v35 =	vor.u32 v5, v8;
	v25 =	vor.u32 v0, v21  }
0x41: {  	v42 =	vadd.s32 s10, v0;
	v14 =	vor.u32 v0, v10;
	v19 =	vor.u32 v0, v16;
	[sflag:s3] =	ssyncset.done @!p0 $0x0  }
0x42: {  	v24 =	vor.u32 v0, v20;
	v20 =	vor.u32 v3, v20;
	v28 =	vor.u32 v3, v16;
	[sflag:s3] =	ssyncadd.s32 @!p0 $0xFFFFF000  }
0x43: {  	v16 =	vand.u32 $0x7F, v6;
	v9 =	vor.u32 v3, v11;
	v11 =	vor.u32 v1, v7;
	v22 =	vld.idx.msk [tilespmem:v22+s15+$0x0], $0xffff  }
0x44: {  	v21 =	vor.u32 v3, v21;
	v6 =	vor.u32 v5, v18;
	v18 =	vor.u32 v1, v8;
	v13 =	vld.idx.msk [tilespmem:v13+s15+$0x0], $0xffff  }
0x45: {  	v8 =	vand.u32 $0x7F, v15;
	v15 =	vor.u32 v5, v7;
	v36 =	vor.u32 v3, v10;
	v10 =	vld.idx.msk [tilespmem:v25+s15+$0x0], $0xffff  }
0x46: {  	v31 =	vor.u32 v0, v23;
	v41 =	vshll.u32 v42, $0x5;
	v12 =	vor.u32 v1, v16;
	v39 =	vld.idx.msk [tilespmem:v14+s15+$0x0], $0xffff  }
0x47: {  	s17 =	simm.s32 $0x9;
	v23 =	vor.u32 v3, v23;
	v30 =	vor.u32 v1, v8;
	v44 =	vand.u32 $0xFE0, v41;
	v19 =	vld.idx.msk [tilespmem:v19+s15+$0x0], $0xffff  }
0x48: {  	v37 =	vadd.s32 s17, v0;
	v7 =	vor.u32 v5, v8;
	v59 =	vor.u32 v0, v44;
	[tilespmem:v11+s22+$0x0] =	vst.idx.msk $0xffff, v22  }
0x49: {  	s6 =	simm.s32 $0xC;
	v25 =	vor.u32 v5, v16;
	v16 =	vand.u32 $0x78, v32;
	v14 =	vshll.u32 v37, $0x5;
	[tilespmem:v18+s22+$0x0] =	vst.idx.msk $0xffff, v13  }
0x4a: {  	s12 =	simm.s32 $0xF;
	v40 =	vadd.s32 s6, v0;
	v24 =	vld.idx.msk [tilespmem:v24+s15+$0x0], $0xffff;
	v8 =	vor.u32 v4, v16;
	v14 =	vand.u32 $0xFE0, v14;
	[tilespmem:v27+s22+$0x0] =	vst.idx.msk $0xffff, v10  }
0x4b: {  	v43 =	vadd.s32 s12, v0;
	s13 =	simm.s32 $0xE;
	v45 =	vor.u32 v0, v14;
	v11 =	vshll.u32 v40, $0x5;
	[tilespmem:v12+s22+$0x0] =	vst.idx.msk $0xffff, v39;
	v12 =	vld.idx.msk [tilespmem:v31+s15+$0x0], $0xffff  }
0x4c: {  	v27 =	vadd.s32 s13, v0;
	v18 =	vor.u32 v2, v16;
	[tilespmem:v26+s22+$0x0] =	vst.idx.msk $0xffff, v19;
	v19 =	vand.u32 $0x7F, v43;
	v13 =	vld.idx.msk [tilespmem:v9+s15+$0x0], $0xffff  }
0x4d: {  	s17 =	simm.s32 $0xB;
	v9 =	vshll.u32 v43, $0x5;
	v58 =	vand.u32 $0xFE0, v11;
	v47 =	vld.idx.msk [tilespmem:v17+s15+$0x0], $0xffff;
	v11 =	vshll.u32 v32, $0x5  }
0x4e: {  	v17 =	vadd.s32 s17, v0;
	v10 =	vld.idx.msk [tilespmem:v21+s15+$0x0], $0xffff;
	v21 =	vshll.u32 v38, $0x5;
	v32 =	vand.u32 $0x7F, v37  }
0x4f: {  	[tilespmem:v29+s22+$0x0] =	vst.idx.msk $0xffff, v24;
	v24 =	vld.idx.msk [tilespmem:v36+s15+$0x0], $0xffff;
	v63 =	vand.u32 $0x7F, v27;
	v46 =	vand.u32 $0xFE0, v9;
	v9 =	vor.u32 v3, v58  }
0x50: {  	v11 =	vand.u32 $0xFE0, v11;
	v31 =	vshll.u32 v17, $0x5;
	v29 =	vand.u32 $0xFE0, v21  }
0x51: {  	v49 =	vld.idx.msk [tilespmem:v28+s15+$0x0], $0xffff;
	v41 =	vor.u32 v0, v58;
	v28 =	vor.u32 v1, v32;
	v16 =	vor.u32 v0, v46  }
0x52: {  	v17 =	vand.u32 $0x7F, v17;
	v22 =	vor.u32 v3, v11;
	v21 =	vor.u32 v0, v29;
	[tilespmem:v30+s22+$0x0] =	vst.idx.msk $0xffff, v12  }
0x53: {  	v61 =	vor.u32 v0, v11;
	v11 =	vor.u32 v3, v29;
	[tilespmem:v15+s22+$0x0] =	vst.idx.msk $0xffff, v13;
	v15 =	vld.idx.msk [tilespmem:v20+s15+$0x0], $0xffff  }
0x54: {  	v60 =	vand.u32 $0xFE0, v31;
	v26 =	vor.u32 v1, v17;
	v29 =	vor.u32 v5, v19;
	[tilespmem:v25+s22+$0x0] =	vst.idx.msk $0xffff, v24  }
0x55: {  	v48 =	vor.u32 v0, v60;
	v12 =	vor.u32 v3, v46;
	v13 =	vshll.u32 v27, $0x5;
	[tilespmem:v35+s22+$0x0] =	vst.idx.msk $0xffff, v47  }
0x56: {  	v36 =	vld.idx.msk [tilespmem:v45+s15+$0x0], $0xffff;
	v20 =	vor.u32 v3, v60;
	v24 =	vand.u32 $0x7F, v38;
	[tilespmem:v33+s22+$0x0] =	vst.idx.msk $0xffff, v49;
	v62 =	vand.u32 $0xFE0, v13  }
0x57: {  	v31 =	vld.idx.msk [tilespmem:v23+s15+$0x0], $0xffff;
	v13 =	vor.u32 v1, v19;
	v19 =	vor.u32 v5, v17;
	v23 =	vor.u32 v1, v24  }
0x58: {  	v17 =	vor.u32 v5, v24;
	v24 =	vand.u32 $0x7F, v42;
	v39 =	vld.idx.msk [tilespmem:v61+s15+$0x0], $0xffff;
	[tilespmem:v34+s22+$0x0] =	vst.idx.msk $0xffff, v15;
	v15 =	vand.u32 $0x7F, v40  }
0x59: {  	v35 =	vor.u32 v5, v63;
	v38 =	vld.idx.msk [tilespmem:v41+s15+$0x0], $0xffff;
	v27 =	vor.u32 v5, v24;
	v41 =	vor.u32 v1, v15  }
0x5a: {  	v30 =	vld.idx.msk [tilespmem:v59+s15+$0x0], $0xffff;
	v33 =	vor.u32 v0, v62;
	v25 =	vor.u32 v3, v62;
	v34 =	vor.u32 v3, v44  }
0x5b: {  	s10 =	simm.s32 $0x10;
	s3 =	simm.s32 $0x8;
	v37 =	vld.idx.msk [tilespmem:v48+s15+$0x0], $0xffff;
	v40 =	vor.u32 v1, v24;
	v24 =	vor.u32 v1, v63;
	v15 =	vor.u32 v5, v15  }
.LBB2_3:
0x5c: {  	s13 =	sadd.s32 $0x1, s10;
	v42 =	vadd.s32 s3, v0  }
0x5d: {  	s12 =	sadd.s32 $0x2, s10;
	v43 =	vor.u32 v3, v14;
	v32 =	vor.u32 v5, v32;
	[tilespmem:v18+s22+$0x0] =	vst.idx.msk $0xffff, v39;
	v44 =	vmov v29;
	s3 =	smov.u32 s10;
	s5 =	sadd.s32 $0x8, s10  }
0x5e: {  	v29 =	vadd.s32 s13, v0;
	v39 =	vadd.s32 s12, v0;
	s12 =	sadd.s32 $0x4, s3;
	s13 =	sadd.s32 $0x5, s3;
	s17 =	sadd.s32 $0x6, s3;
	v18 =	vand.u32 $0x78, v42;
	[tilespmem:v41+s22+$0x0] =	vst.idx.msk $0xffff, v38;
	v22 =	vld.idx.msk [tilespmem:v22+s15+$0x0], $0xffff  }
0x5f: {  	p1 =	slt.u32 s10, $0x78;
	v41 =	vadd.s32 s12, v0;
	v45 =	vadd.s32 s13, v0;
	s12 =	sadd.s32 $0x7, s3;
	v38 =	vor.u32 v4, v18;
	v46 =	vld.idx.msk [tilespmem:v16+s15+$0x0], $0xffff;
	[tilespmem:v7+s22+$0x0] =	vst.idx.msk $0xffff, v31  }
0x60: {  	v14 =	vshll.u32 v29, $0x5;
	v7 =	vmovc v35;
	v16 =	vshll.u32 v45, $0x5;
	v31 =	vadd.s32 s12, v0;
	v21 =	vld.idx.msk [tilespmem:v21+s15+$0x0], $0xffff;
	[tilespmem:v40+s22+$0x0] =	vst.idx.msk $0xffff, v30  }
0x61: {  	v14 =	vand.u32 $0xFE0, v14;
	v30 =	vshll.u32 v41, $0x5;
	v35 =	vand.u32 $0xFE0, v16;
	[tilespmem:v26+s22+$0x0] =	vst.idx.msk $0xffff, v37;
	v26 =	vld.idx.msk [tilespmem:v34+s15+$0x0], $0xffff  }
0x62: {  	v47 =	vor.u32 v0, v14;
	v37 =	vadd.s32 s17, v0;
	v16 =	vshll.u32 v31, $0x5;
	v34 =	vld.idx.msk [tilespmem:v9+s15+$0x0], $0xffff;
	[tilespmem:v6+s22+$0x0] =	vst.idx.msk $0xffff, v10  }
0x63: {  	v18 =	vor.u32 v2, v18;
	v30 =	vand.u32 $0xFE0, v30;
	v40 =	vand.u32 $0xFE0, v16;
	[tilespmem:v28+s22+$0x0] =	vst.idx.msk $0xffff, v36;
	v10 =	vld.idx.msk [tilespmem:v20+s15+$0x0], $0xffff  }
0x64: {  	s10 =	sadd.s32 $0x3, s3;
	v9 =	vor.u32 v3, v30;
	v6 =	vmovc v19;
	v16 =	vor.u32 v0, v40;
	v20 =	vshll.u32 v42, $0x5;
	v28 =	vld.idx.msk [tilespmem:v33+s15+$0x0], $0xffff  }
0x65: {  	v19 =	vadd.s32 s10, v0;
	v33 =	vor.u32 v0, v35;
	v20 =	vand.u32 $0xFE0, v20;
	v36 =	vld.idx.msk [tilespmem:v43+s15+$0x0], $0xffff;
	[tilespmem:v8+s22+$0x0] =	vst.idx.msk $0xffff, v22  }
0x66: {  	v42 =	vshll.u32 v39, $0x5;
	v43 =	vshll.u32 v19, $0x5;
	v22 =	vor.u32 v3, v20;
	v8 =	vmovc v38;
	[tilespmem:v23+s22+$0x0] =	vst.idx.msk $0xffff, v21  }
0x67: {  	v23 =	vand.u32 $0xFE0, v42;
	v38 =	vand.u32 $0xFE0, v43;
	v42 =	vshll.u32 v37, $0x5;
	v43 =	vld.idx.msk [tilespmem:v11+s15+$0x0], $0xffff;
	[tilespmem:v27+s22+$0x0] =	vst.idx.msk $0xffff, v26  }
0x68: {  	v48 =	vor.u32 v0, v20;
	v21 =	vor.u32 v0, v23;
	v27 =	vor.u32 v0, v38  }
0x69: {  	v49 =	vor.u32 v0, v30;
	v11 =	vor.u32 v3, v23;
	v23 =	vand.u32 $0x7F, v31;
	[tilespmem:v13+s22+$0x0] =	vst.idx.msk $0xffff, v46  }
0x6a: {  	v19 =	vand.u32 $0x7F, v19;
	v42 =	vand.u32 $0xFE0, v42;
	v13 =	vor.u32 v1, v23;
	[tilespmem:v24+s22+$0x0] =	vst.idx.msk $0xffff, v28;
	v24 =	vld.idx.msk [tilespmem:v12+s15+$0x0], $0xffff  }
0x6b: {  	v26 =	vor.u32 v1, v19;
	v12 =	vor.u32 v3, v40;
	[tilespmem:v32+s22+$0x0] =	vst.idx.msk $0xffff, v36;
	v31 =	vld.idx.msk [tilespmem:v25+s15+$0x0], $0xffff  }
0x6c: {  	v20 =	vor.u32 v3, v38;
	v32 =	vand.u32 $0x7F, v29;
	v29 =	vor.u32 v5, v23;
	v30 =	vld.idx.msk [tilespmem:v33+s15+$0x0], $0xffff  }
0x6d: {  	v19 =	vor.u32 v5, v19;
	v25 =	vand.u32 $0x7F, v39;
	v39 =	vld.idx.msk [tilespmem:v48+s15+$0x0], $0xffff;
	[tilespmem:v17+s22+$0x0] =	vst.idx.msk $0xffff, v43  }
.Ltmp2:
0x6e: {  	v28 =	vor.u32 v1, v32;
	v23 =	vor.u32 v1, v25;
	v33 =	vand.u32 $0x7F, v41;
	v38 =	vld.idx.msk [tilespmem:v49+s15+$0x0], $0xffff;
	(pc) =	sbr.rel @p1 .LBB2_3-.Ltmp2, $4  }
0x6f: {  	v17 =	vor.u32 v5, v25;
	v41 =	vor.u32 v1, v33;
	v25 =	vand.u32 $0x7F, v45;
	[tilespmem:v15+s22+$0x0] =	vst.idx.msk $0xffff, v34  }
0x70: {  	v15 =	vor.u32 v5, v33;
	v34 =	vor.u32 v3, v35;
	v35 =	vand.u32 $0x7F, v37;
	[tilespmem:v44+s22+$0x0] =	vst.idx.msk $0xffff, v24  }
0x71: {  	v40 =	vor.u32 v1, v25;
	v24 =	vor.u32 v1, v35;
	v37 =	vld.idx.msk [tilespmem:v27+s15+$0x0], $0xffff;
	v27 =	vor.u32 v5, v25  }
0x72: {  	s10 =	smov.u32 s5;
	v33 =	vor.u32 v0, v42;
	v35 =	vor.u32 v5, v35;
	v25 =	vor.u32 v3, v42;
	v36 =	vld.idx.msk [tilespmem:v47+s15+$0x0], $0xffff  }
0x73: {  	_ =	sdelay $0x3  }
0x74: {  	v42 =	vadd.s32 s3, v0;
	[tilespmem:v18+s22+$0x0] =	vst.idx.msk $0xffff, v39  }
0x75: {  	[tilespmem:v41+s22+$0x0] =	vst.idx.msk $0xffff, v38;
	v53 =	vshll.u32 v42, $0x5  }
0x76: {  	[tilespmem:v7+s22+$0x0] =	vst.idx.msk $0xffff, v31;
	v54 =	vld.idx.msk [tilespmem:v21+s15+$0x0], $0xffff;
	v7 =	vand.u32 $0xFE0, v53  }
0x77: {  	[tilespmem:v40+s22+$0x0] =	vst.idx.msk $0xffff, v30;
	v16 =	vld.idx.msk [tilespmem:v16+s15+$0x0], $0xffff;
	v55 =	vor.u32 v0, v7  }
0x78: {  	[tilespmem:v6+s22+$0x0] =	vst.idx.msk $0xffff, v10;
	v6 =	vld.idx.msk [tilespmem:v33+s15+$0x0], $0xffff  }
0x79: {  	v14 =	vor.u32 v3, v14;
	v22 =	vld.idx.msk [tilespmem:v22+s15+$0x0], $0xffff;
	[tilespmem:v26+s22+$0x0] =	vst.idx.msk $0xffff, v37  }
0x7a: {  	v56 =	vld.idx.msk [tilespmem:v34+s15+$0x0], $0xffff;
	[tilespmem:v28+s22+$0x0] =	vst.idx.msk $0xffff, v36  }
0x7b: {  	v58 =	vand.u32 $0x78, v42;
	v9 =	vld.idx.msk [tilespmem:v9+s15+$0x0], $0xffff;
	[tilespmem:v23+s22+$0x0] =	vst.idx.msk $0xffff, v54  }
0x7c: {  	v59 =	vor.u32 v2, v58;
	[tilespmem:v13+s22+$0x0] =	vst.idx.msk $0xffff, v16;
	v60 =	vld.idx.msk [tilespmem:v55+s15+$0x0], $0xffff  }
0x7d: {  	v7 =	vor.u32 v3, v7;
	v62 =	vld.idx.msk [tilespmem:v20+s15+$0x0], $0xffff;
	[tilespmem:v24+s22+$0x0] =	vst.idx.msk $0xffff, v6  }
0x7e: {  	v57 =	vor.u32 v5, v32;
	v14 =	vld.idx.msk [tilespmem:v14+s15+$0x0], $0xffff;
	[tilespmem:v8+s22+$0x0] =	vst.idx.msk $0xffff, v22  }
0x7f: {  	v11 =	vld.idx.msk [tilespmem:v11+s15+$0x0], $0xffff;
	[tilespmem:v27+s22+$0x0] =	vst.idx.msk $0xffff, v56  }
0x80: {  	v6 =	vld.idx.msk [tilespmem:v12+s15+$0x0], $0xffff;
	[tilespmem:v15+s22+$0x0] =	vst.idx.msk $0xffff, v9  }
0x81: {  	v61 =	vld.idx.msk [tilespmem:v25+s15+$0x0], $0xffff;
	[tilespmem:v59+s22+$0x0] =	vst.idx.msk $0xffff, v60  }
0x82: {  	v63 =	vor.u32 v4, v58;
	[tilespmem:v19+s22+$0x0] =	vst.idx.msk $0xffff, v62;
	v7 =	vld.idx.msk [tilespmem:v7+s15+$0x0], $0xffff  }
0x83: {  	p1 =	sne.s32 s19, $0x31;
	[tilespmem:v57+s22+$0x0] =	vst.idx.msk $0xffff, v14  }
.Ltmp3:
0x84: {  	s3 =	sshll.u32 s19, $0x13;
	[tilespmem:v17+s22+$0x0] =	vst.idx.msk $0xffff, v11;
	(pc) =	sbr.rel @p1 .LBB2_6-.Ltmp3, $4  }
0x85: {  	s5 =	sor.u32 s7, s3;
	[tilespmem:v29+s22+$0x0] =	vst.idx.msk $0xffff, v6  }
0x86: {  	s5 =	sshrl.u32 s5, $0x3;
	[tilespmem:v35+s22+$0x0] =	vst.idx.msk $0xffff, v61  }
0x87: {  	s5 =	sadd.s32 s1, s5;
	[tilespmem:v63+s22+$0x0] =	vst.idx.msk $0xffff, v7  }
0x88: {  	[hbm4b:s5+s23] =	stream.strided.scatter [tilespmem:s22], [sflag:$0x5], $0x1000, s24, s23, $0x38;
	[tilespmem:$0xE400] =	vst v63  }
.Ltmp4:
0x89: {  	(pc) =	sbr.rel .LBB2_7-.Ltmp4, $4  }
0x8a: {  	_ = 	snop  }
0x8b: {  	_ =	swait.ge [sflag:s25], $0x1000  }
0x8c: {  	[sflag:s25] =	ssyncset.done $0x0  }
0x8d: {  	[sflag:s25] =	ssyncadd.s32 $0xFFFFF000  }
.LBB2_6:
0x8e: {  	s5 =	sshll.u32 s19, $0x9  }
0x8f: {  	s5 =	sand.u32 $0x3FFFFE00, s5  }
.Ltmp5:
0x90: {  	s5 =	sadd.s32 $0x200, s5;
	(pc) =	sbr.rel @p0 .LBB2_8-.Ltmp5, $4  }
0x91: {  	[tilespmem:s15], [sflag:$0x1] =	stream.indirect.gather [hbm4b:s4+s14], $0x20, s5, s14, $0xb8;
	[tilespmem:$0xE400] =	vst v63  }
0x92: {  	_ =	swait.ge [sflag:s25], $0x1000  }
0x93: {  	[sflag:s25] =	ssyncset.done $0x0  }
0x94: {  	[sflag:s25] =	ssyncadd.s32 $0xFFFFF000  }
.LBB2_7:
0x95: {  	_ =	swait.ge [sflag:s26], $0x1000  }
0x96: {  	[sflag:s26] =	ssyncset.done $0x0  }
0x97: {  	[sflag:s26] =	ssyncadd.s32 $0xFFFFF000  }
.LBB2_8:
0x98: {  	s5 =	simm.s32 $0x1;
	s10 =	simm.s32 $0x2  }
0x99: {  	s12 =	simm.s32 $0x5;
	s13 =	simm.s32 $0x7;
	s17 =	simm.s32 $0x6;
	v6 =	vadd.s32 s5, v0;
	v7 =	vadd.s32 s10, v0  }
0x9a: {  	s6 =	simm.s32 $0x3;
	s10 =	simm.s32 $0x4;
	v9 =	vadd.s32 s12, v0;
	v12 =	vadd.s32 s13, v0;
	v15 =	vadd.s32 s17, v0  }
0x9b: {  	v18 =	vadd.s32 s6, v0;
	v8 =	vadd.s32 s10, v0;
	v10 =	vshll.u32 v6, $0x5  }
0x9c: {  	v11 =	vshll.u32 v9, $0x5;
	v16 =	vshll.u32 v12, $0x5;
	v20 =	vshll.u32 v7, $0x5  }
0x9d: {  	s13 =	simm.s32 $0x9;
	v21 =	vshll.u32 v18, $0x5;
	v23 =	vshll.u32 v15, $0x5;
	v12 =	vand.u32 $0x7F, v12  }
0x9e: {  	s12 =	simm.s32 $0xA;
	s17 =	simm.s32 $0xC;
	s6 =	simm.s32 $0xD;
	v18 =	vand.u32 $0x7F, v18;
	v7 =	vand.u32 $0x7F, v7;
	v37 =	vadd.s32 s13, v0  }
0x9f: {  	v38 =	vadd.s32 s12, v0;
	v40 =	vadd.s32 s17, v0;
	v42 =	vadd.s32 s6, v0  }
0xa0: {  	v10 =	vand.u32 $0xFE0, v10;
	v13 =	vshll.u32 v8, $0x5;
	v11 =	vand.u32 $0xFE0, v11  }
0xa1: {  	v16 =	vand.u32 $0xFE0, v16;
	v20 =	vand.u32 $0xFE0, v20;
	v21 =	vand.u32 $0xFE0, v21  }
0xa2: {  	v23 =	vand.u32 $0xFE0, v23;
	v26 =	vor.u32 v1, v12;
	v27 =	vor.u32 v1, v18  }
0xa3: {  	v33 =	vor.u32 v5, v12;
	v8 =	vand.u32 $0x7F, v8;
	v22 =	vor.u32 v0, v11  }
0xa4: {  	s10 =	simm.s32 $0x0;
	v29 =	vor.u32 v1, v7;
	v34 =	vor.u32 v5, v7;
	v25 =	vor.u32 v0, v21  }
0xa5: {  	v7 =	vand.u32 $0x7F, v9;
	v32 =	vadd.s32 s10, v0;
	v14 =	vor.u32 v0, v10  }
0xa6: {  	v41 =	vshll.u32 v42, $0x5;
	v13 =	vand.u32 $0xFE0, v13;
	v19 =	vor.u32 v0, v16  }
0xa7: {  	v24 =	vor.u32 v0, v20;
	v17 =	vor.u32 v3, v13;
	v13 =	vor.u32 v0, v13  }
0xa8: {  	v20 =	vor.u32 v3, v20;
	v9 =	vor.u32 v3, v11;
	v11 =	vor.u32 v1, v7;
	v22 =	vld.idx.msk [tilespmem:v22+s16+$0x0], $0xffff  }
0xa9: {  	v28 =	vor.u32 v3, v16;
	v16 =	vand.u32 $0x7F, v6;
	v36 =	vor.u32 v3, v10;
	v10 =	vld.idx.msk [tilespmem:v25+s16+$0x0], $0xffff  }
0xaa: {  	v21 =	vor.u32 v3, v21;
	v6 =	vor.u32 v5, v18;
	v12 =	vor.u32 v1, v16;
	v39 =	vld.idx.msk [tilespmem:v14+s16+$0x0], $0xffff  }
0xab: {  	v18 =	vor.u32 v1, v8;
	v35 =	vor.u32 v5, v8;
	v31 =	vor.u32 v0, v23;
	v19 =	vld.idx.msk [tilespmem:v19+s16+$0x0], $0xffff  }
0xac: {  	v8 =	vand.u32 $0x7F, v15;
	v15 =	vor.u32 v5, v7;
	v23 =	vor.u32 v3, v23;
	v13 =	vld.idx.msk [tilespmem:v13+s16+$0x0], $0xffff  }
0xad: {  	v44 =	vand.u32 $0xFE0, v41;
	v30 =	vor.u32 v1, v8;
	v7 =	vor.u32 v5, v8;
	[tilespmem:v11+s28+$0x0] =	vst.idx.msk $0xffff, v22  }
0xae: {  	v25 =	vor.u32 v5, v16;
	v16 =	vand.u32 $0x78, v32;
	v14 =	vshll.u32 v37, $0x5;
	v24 =	vld.idx.msk [tilespmem:v24+s16+$0x0], $0xffff;
	[tilespmem:v27+s28+$0x0] =	vst.idx.msk $0xffff, v10  }
0xaf: {  	s12 =	simm.s32 $0xF;
	v59 =	vor.u32 v0, v44;
	v8 =	vor.u32 v4, v16;
	v14 =	vand.u32 $0xFE0, v14;
	[tilespmem:v12+s28+$0x0] =	vst.idx.msk $0xffff, v39  }
0xb0: {  	s13 =	simm.s32 $0xE;
	v43 =	vadd.s32 s12, v0;
	v45 =	vor.u32 v0, v14;
	v11 =	vshll.u32 v40, $0x5;
	v12 =	vld.idx.msk [tilespmem:v31+s16+$0x0], $0xffff;
	[tilespmem:v26+s28+$0x0] =	vst.idx.msk $0xffff, v19  }
0xb1: {  	v27 =	vadd.s32 s13, v0;
	v19 =	vand.u32 $0x7F, v43;
	[tilespmem:v18+s28+$0x0] =	vst.idx.msk $0xffff, v13;
	v13 =	vld.idx.msk [tilespmem:v9+s16+$0x0], $0xffff;
	v9 =	vshll.u32 v43, $0x5  }
0xb2: {  	v58 =	vand.u32 $0xFE0, v11;
	v18 =	vor.u32 v2, v16;
	v11 =	vshll.u32 v32, $0x5;
	v10 =	vld.idx.msk [tilespmem:v21+s16+$0x0], $0xffff  }
0xb3: {  	s17 =	simm.s32 $0xB;
	[tilespmem:v29+s28+$0x0] =	vst.idx.msk $0xffff, v24;
	v21 =	vshll.u32 v38, $0x5;
	v24 =	vld.idx.msk [tilespmem:v36+s16+$0x0], $0xffff;
	v32 =	vand.u32 $0x7F, v37;
	v46 =	vand.u32 $0xFE0, v9  }
0xb4: {  	v47 =	vld.idx.msk [tilespmem:v17+s16+$0x0], $0xffff;
	v9 =	vor.u32 v3, v58;
	v17 =	vadd.s32 s17, v0;
	v11 =	vand.u32 $0xFE0, v11  }
0xb5: {  	v49 =	vld.idx.msk [tilespmem:v28+s16+$0x0], $0xffff;
	v29 =	vand.u32 $0xFE0, v21;
	v41 =	vor.u32 v0, v58;
	v28 =	vor.u32 v1, v32  }
0xb6: {  	v16 =	vor.u32 v0, v46;
	v31 =	vshll.u32 v17, $0x5;
	v22 =	vor.u32 v3, v11  }
0xb7: {  	v21 =	vor.u32 v0, v29;
	v61 =	vor.u32 v0, v11;
	v11 =	vor.u32 v3, v29  }
0xb8: {  	v17 =	vand.u32 $0x7F, v17;
	v29 =	vor.u32 v5, v19;
	v60 =	vand.u32 $0xFE0, v31;
	[tilespmem:v15+s28+$0x0] =	vst.idx.msk $0xffff, v13;
	v15 =	vld.idx.msk [tilespmem:v20+s16+$0x0], $0xffff  }
0xb9: {  	v63 =	vand.u32 $0x7F, v27;
	v26 =	vor.u32 v1, v17;
	v48 =	vor.u32 v0, v60;
	[tilespmem:v30+s28+$0x0] =	vst.idx.msk $0xffff, v12  }
0xba: {  	v12 =	vor.u32 v3, v46;
	v13 =	vshll.u32 v27, $0x5;
	[tilespmem:v25+s28+$0x0] =	vst.idx.msk $0xffff, v24;
	v20 =	vor.u32 v3, v60  }
0xbb: {  	v36 =	vld.idx.msk [tilespmem:v45+s16+$0x0], $0xffff;
	v24 =	vand.u32 $0x7F, v38;
	[tilespmem:v33+s28+$0x0] =	vst.idx.msk $0xffff, v49;
	v62 =	vand.u32 $0xFE0, v13;
	v13 =	vor.u32 v1, v19  }
0xbc: {  	v31 =	vld.idx.msk [tilespmem:v23+s16+$0x0], $0xffff;
	v19 =	vor.u32 v5, v17;
	v23 =	vor.u32 v1, v24;
	[tilespmem:v35+s28+$0x0] =	vst.idx.msk $0xffff, v47  }
0xbd: {  	v17 =	vor.u32 v5, v24;
	v24 =	vand.u32 $0x7F, v42;
	v39 =	vld.idx.msk [tilespmem:v61+s16+$0x0], $0xffff;
	[tilespmem:v34+s28+$0x0] =	vst.idx.msk $0xffff, v15;
	v15 =	vand.u32 $0x7F, v40  }
0xbe: {  	v38 =	vld.idx.msk [tilespmem:v41+s16+$0x0], $0xffff;
	v35 =	vor.u32 v5, v63;
	v27 =	vor.u32 v5, v24;
	v41 =	vor.u32 v1, v15  }
0xbf: {  	v30 =	vld.idx.msk [tilespmem:v59+s16+$0x0], $0xffff;
	v33 =	vor.u32 v0, v62;
	v25 =	vor.u32 v3, v62;
	v34 =	vor.u32 v3, v44  }
0xc0: {  	s5 =	simm.s32 $0x8;
	s10 =	simm.s32 $0x10;
	v37 =	vld.idx.msk [tilespmem:v48+s16+$0x0], $0xffff;
	v40 =	vor.u32 v1, v24;
	v24 =	vor.u32 v1, v63;
	v15 =	vor.u32 v5, v15  }
.LBB2_9:
0xc1: {  	s12 =	sadd.s32 $0x1, s10;
	v42 =	vadd.s32 s5, v0  }
0xc2: {  	s17 =	sadd.s32 $0x2, s10;
	v43 =	vor.u32 v3, v14;
	v32 =	vor.u32 v5, v32;
	[tilespmem:v18+s28+$0x0] =	vst.idx.msk $0xffff, v39;
	v44 =	vmov v29;
	s5 =	smov.u32 s10;
	s13 =	sadd.s32 $0x8, s10  }
0xc3: {  	v29 =	vadd.s32 s12, v0;
	v39 =	vadd.s32 s17, v0;
	s12 =	sadd.s32 $0x4, s5;
	s17 =	sadd.s32 $0x5, s5;
	s6 =	sadd.s32 $0x6, s5;
	v18 =	vand.u32 $0x78, v42;
	[tilespmem:v41+s28+$0x0] =	vst.idx.msk $0xffff, v38;
	v22 =	vld.idx.msk [tilespmem:v22+s16+$0x0], $0xffff  }
0xc4: {  	p2 =	slt.u32 s10, $0x78;
	v41 =	vadd.s32 s12, v0;
	v45 =	vadd.s32 s17, v0;
	s12 =	sadd.s32 $0x7, s5;
	v38 =	vor.u32 v4, v18;
	v46 =	vld.idx.msk [tilespmem:v16+s16+$0x0], $0xffff;
	[tilespmem:v7+s28+$0x0] =	vst.idx.msk $0xffff, v31  }
0xc5: {  	v14 =	vshll.u32 v29, $0x5;
	v7 =	vmovc v35;
	v16 =	vshll.u32 v45, $0x5;
	v31 =	vadd.s32 s12, v0;
	v21 =	vld.idx.msk [tilespmem:v21+s16+$0x0], $0xffff;
	[tilespmem:v40+s28+$0x0] =	vst.idx.msk $0xffff, v30  }
0xc6: {  	v14 =	vand.u32 $0xFE0, v14;
	v30 =	vshll.u32 v41, $0x5;
	v35 =	vand.u32 $0xFE0, v16;
	[tilespmem:v26+s28+$0x0] =	vst.idx.msk $0xffff, v37;
	v26 =	vld.idx.msk [tilespmem:v34+s16+$0x0], $0xffff  }
0xc7: {  	v47 =	vor.u32 v0, v14;
	v37 =	vadd.s32 s6, v0;
	v16 =	vshll.u32 v31, $0x5;
	v34 =	vld.idx.msk [tilespmem:v9+s16+$0x0], $0xffff;
	[tilespmem:v6+s28+$0x0] =	vst.idx.msk $0xffff, v10  }
0xc8: {  	v18 =	vor.u32 v2, v18;
	v30 =	vand.u32 $0xFE0, v30;
	v40 =	vand.u32 $0xFE0, v16;
	[tilespmem:v28+s28+$0x0] =	vst.idx.msk $0xffff, v36;
	v10 =	vld.idx.msk [tilespmem:v20+s16+$0x0], $0xffff  }
0xc9: {  	s6 =	sadd.s32 $0x3, s5;
	v9 =	vor.u32 v3, v30;
	v6 =	vmovc v19;
	v16 =	vor.u32 v0, v40;
	v20 =	vshll.u32 v42, $0x5;
	v28 =	vld.idx.msk [tilespmem:v33+s16+$0x0], $0xffff  }
0xca: {  	v19 =	vadd.s32 s6, v0;
	v33 =	vor.u32 v0, v35;
	v20 =	vand.u32 $0xFE0, v20;
	v36 =	vld.idx.msk [tilespmem:v43+s16+$0x0], $0xffff;
	[tilespmem:v8+s28+$0x0] =	vst.idx.msk $0xffff, v22  }
0xcb: {  	v42 =	vshll.u32 v39, $0x5;
	v43 =	vshll.u32 v19, $0x5;
	v22 =	vor.u32 v3, v20;
	v8 =	vmovc v38;
	[tilespmem:v23+s28+$0x0] =	vst.idx.msk $0xffff, v21  }
0xcc: {  	v23 =	vand.u32 $0xFE0, v42;
	v38 =	vand.u32 $0xFE0, v43;
	v42 =	vshll.u32 v37, $0x5;
	v43 =	vld.idx.msk [tilespmem:v11+s16+$0x0], $0xffff;
	[tilespmem:v27+s28+$0x0] =	vst.idx.msk $0xffff, v26  }
0xcd: {  	v48 =	vor.u32 v0, v20;
	v21 =	vor.u32 v0, v23;
	v27 =	vor.u32 v0, v38  }
0xce: {  	v49 =	vor.u32 v0, v30;
	v11 =	vor.u32 v3, v23;
	v23 =	vand.u32 $0x7F, v31;
	[tilespmem:v13+s28+$0x0] =	vst.idx.msk $0xffff, v46  }
0xcf: {  	v19 =	vand.u32 $0x7F, v19;
	v42 =	vand.u32 $0xFE0, v42;
	v13 =	vor.u32 v1, v23;
	[tilespmem:v24+s28+$0x0] =	vst.idx.msk $0xffff, v28;
	v24 =	vld.idx.msk [tilespmem:v12+s16+$0x0], $0xffff  }
0xd0: {  	v26 =	vor.u32 v1, v19;
	v12 =	vor.u32 v3, v40;
	[tilespmem:v32+s28+$0x0] =	vst.idx.msk $0xffff, v36;
	v31 =	vld.idx.msk [tilespmem:v25+s16+$0x0], $0xffff  }
0xd1: {  	v20 =	vor.u32 v3, v38;
	v32 =	vand.u32 $0x7F, v29;
	v29 =	vor.u32 v5, v23;
	v30 =	vld.idx.msk [tilespmem:v33+s16+$0x0], $0xffff  }
0xd2: {  	v19 =	vor.u32 v5, v19;
	v25 =	vand.u32 $0x7F, v39;
	v39 =	vld.idx.msk [tilespmem:v48+s16+$0x0], $0xffff;
	[tilespmem:v17+s28+$0x0] =	vst.idx.msk $0xffff, v43  }
.Ltmp6:
0xd3: {  	v28 =	vor.u32 v1, v32;
	v23 =	vor.u32 v1, v25;
	v33 =	vand.u32 $0x7F, v41;
	v38 =	vld.idx.msk [tilespmem:v49+s16+$0x0], $0xffff;
	(pc) =	sbr.rel @p2 .LBB2_9-.Ltmp6, $4  }
0xd4: {  	v17 =	vor.u32 v5, v25;
	v41 =	vor.u32 v1, v33;
	v25 =	vand.u32 $0x7F, v45;
	[tilespmem:v15+s28+$0x0] =	vst.idx.msk $0xffff, v34  }
0xd5: {  	v15 =	vor.u32 v5, v33;
	v34 =	vor.u32 v3, v35;
	v35 =	vand.u32 $0x7F, v37;
	[tilespmem:v44+s28+$0x0] =	vst.idx.msk $0xffff, v24  }
0xd6: {  	v40 =	vor.u32 v1, v25;
	v24 =	vor.u32 v1, v35;
	v37 =	vld.idx.msk [tilespmem:v27+s16+$0x0], $0xffff;
	v27 =	vor.u32 v5, v25  }
0xd7: {  	s10 =	smov.u32 s13;
	v33 =	vor.u32 v0, v42;
	v35 =	vor.u32 v5, v35;
	v25 =	vor.u32 v3, v42;
	v36 =	vld.idx.msk [tilespmem:v47+s16+$0x0], $0xffff  }
0xd8: {  	_ =	sdelay $0x3  }
0xd9: {  	[tilespmem:v18+s28+$0x0] =	vst.idx.msk $0xffff, v39  }
0xda: {  	[tilespmem:v41+s28+$0x0] =	vst.idx.msk $0xffff, v38  }
0xdb: {  	v42 =	vadd.s32 s5, v0;
	[tilespmem:v7+s28+$0x0] =	vst.idx.msk $0xffff, v31;
	v54 =	vld.idx.msk [tilespmem:v21+s16+$0x0], $0xffff  }
0xdc: {  	v14 =	vor.u32 v3, v14;
	[tilespmem:v40+s28+$0x0] =	vst.idx.msk $0xffff, v30;
	v16 =	vld.idx.msk [tilespmem:v16+s16+$0x0], $0xffff;
	v53 =	vshll.u32 v42, $0x5  }
0xdd: {  	[tilespmem:v6+s28+$0x0] =	vst.idx.msk $0xffff, v10;
	v6 =	vld.idx.msk [tilespmem:v33+s16+$0x0], $0xffff;
	v7 =	vand.u32 $0xFE0, v53  }
0xde: {  	v22 =	vld.idx.msk [tilespmem:v22+s16+$0x0], $0xffff;
	v55 =	vor.u32 v0, v7;
	[tilespmem:v26+s28+$0x0] =	vst.idx.msk $0xffff, v37  }
0xdf: {  	v56 =	vld.idx.msk [tilespmem:v34+s16+$0x0], $0xffff;
	[tilespmem:v28+s28+$0x0] =	vst.idx.msk $0xffff, v36  }
0xe0: {  	v9 =	vld.idx.msk [tilespmem:v9+s16+$0x0], $0xffff;
	[tilespmem:v23+s28+$0x0] =	vst.idx.msk $0xffff, v54  }
0xe1: {  	v57 =	vor.u32 v5, v32;
	v14 =	vld.idx.msk [tilespmem:v14+s16+$0x0], $0xffff;
	[tilespmem:v13+s28+$0x0] =	vst.idx.msk $0xffff, v16  }
0xe2: {  	v58 =	vand.u32 $0x78, v42;
	[tilespmem:v24+s28+$0x0] =	vst.idx.msk $0xffff, v6;
	v11 =	vld.idx.msk [tilespmem:v11+s16+$0x0], $0xffff  }
0xe3: {  	v59 =	vor.u32 v2, v58;
	[tilespmem:v8+s28+$0x0] =	vst.idx.msk $0xffff, v22;
	v60 =	vld.idx.msk [tilespmem:v55+s16+$0x0], $0xffff  }
0xe4: {  	v7 =	vor.u32 v3, v7;
	[tilespmem:v27+s28+$0x0] =	vst.idx.msk $0xffff, v56;
	v6 =	vld.idx.msk [tilespmem:v12+s16+$0x0], $0xffff  }
0xe5: {  	v61 =	vld.idx.msk [tilespmem:v25+s16+$0x0], $0xffff;
	[tilespmem:v15+s28+$0x0] =	vst.idx.msk $0xffff, v9  }
0xe6: {  	[tilespmem:v57+s28+$0x0] =	vst.idx.msk $0xffff, v14  }
0xe7: {  	[tilespmem:v17+s28+$0x0] =	vst.idx.msk $0xffff, v11  }
0xe8: {  	v62 =	vld.idx.msk [tilespmem:v20+s16+$0x0], $0xffff;
	[tilespmem:v59+s28+$0x0] =	vst.idx.msk $0xffff, v60  }
0xe9: {  	v63 =	vor.u32 v4, v58;
	[tilespmem:v29+s28+$0x0] =	vst.idx.msk $0xffff, v6;
	v7 =	vld.idx.msk [tilespmem:v7+s16+$0x0], $0xffff  }
0xea: {  	[tilespmem:v35+s28+$0x0] =	vst.idx.msk $0xffff, v61  }
.Ltmp7:
0xeb: {  	s17 =	rddreg [dreg:$0x4];
	(pc) =	sbr.rel @p1 .LBB2_12-.Ltmp7, $4  }
0xec: {  	s5 =	sor.u32 s17, s3  }
0xed: {  	[tilespmem:v19+s28+$0x0] =	vst.idx.msk $0xffff, v62;
	s5 =	sshrl.u32 s5, $0x3  }
0xee: {  	s5 =	sadd.s32 s1, s5;
	[tilespmem:v63+s28+$0x0] =	vst.idx.msk $0xffff, v7  }
0xef: {  	[hbm4b:s5+s23] =	stream.strided.scatter [tilespmem:s28], [sflag:$0x6], $0x1000, s24, s23, $0x38;
	[tilespmem:$0xE400] =	vst v63  }
.Ltmp8:
0xf0: {  	(pc) =	sbr.rel .LBB2_13-.Ltmp8, $4  }
0xf1: {  	_ = 	snop  }
0xf2: {  	_ =	swait.ge [sflag:s29], $0x1000  }
0xf3: {  	[sflag:s29] =	ssyncset.done $0x0  }
0xf4: {  	[sflag:s29] =	ssyncadd.s32 $0xFFFFF000  }
.LBB2_12:
0xf5: {  	s5 =	sshll.u32 s19, $0x9  }
0xf6: {  	s5 =	sand.u32 $0x3FFFFE00, s5  }
.Ltmp9:
0xf7: {  	s5 =	sadd.s32 $0x280, s5;
	(pc) =	sbr.rel @p0 .LBB2_14-.Ltmp9, $4  }
0xf8: {  	[tilespmem:s16], [sflag:$0x2] =	stream.indirect.gather [hbm4b:s4+s14], $0x20, s5, s14, $0xb8;
	[tilespmem:$0xE400] =	vst v63  }
0xf9: {  	_ =	swait.ge [sflag:s29], $0x1000  }
0xfa: {  	[sflag:s29] =	ssyncset.done $0x0  }
0xfb: {  	[sflag:s29] =	ssyncadd.s32 $0xFFFFF000  }
.LBB2_13:
0xfc: {  	_ =	swait.ge [sflag:s30], $0x1000  }
0xfd: {  	[sflag:s30] =	ssyncset.done $0x0  }
0xfe: {  	[sflag:s30] =	ssyncadd.s32 $0xFFFFF000  }
.LBB2_14:
0xff: {  	s5 =	simm.s32 $0x1;
	s6 =	simm.s32 $0x2;
	s13 =	simm.s32 $0x4  }
0x100: {  	s17 =	simm.s32 $0x5;
	s10 =	simm.s32 $0x6;
	s12 =	simm.s32 $0x3;
	v6 =	vadd.s32 s5, v0;
	v7 =	vadd.s32 s6, v0;
	v8 =	vadd.s32 s13, v0  }
0x101: {  	v9 =	vadd.s32 s17, v0;
	s6 =	simm.s32 $0x7;
	v15 =	vadd.s32 s10, v0;
	v18 =	vadd.s32 s12, v0  }
0x102: {  	v10 =	vshll.u32 v6, $0x5;
	v11 =	vshll.u32 v9, $0x5;
	v12 =	vadd.s32 s6, v0  }
0x103: {  	v13 =	vshll.u32 v8, $0x5;
	v20 =	vshll.u32 v7, $0x5;
	v21 =	vshll.u32 v18, $0x5  }
0x104: {  	s13 =	simm.s32 $0x0;
	s17 =	simm.s32 $0x9;
	v23 =	vshll.u32 v15, $0x5;
	v18 =	vand.u32 $0x7F, v18;
	v7 =	vand.u32 $0x7F, v7  }
0x105: {  	s10 =	simm.s32 $0xA;
	s12 =	simm.s32 $0xF;
	v8 =	vand.u32 $0x7F, v8;
	v32 =	vadd.s32 s13, v0;
	v37 =	vadd.s32 s17, v0  }
0x106: {  	v38 =	vadd.s32 s10, v0;
	v43 =	vadd.s32 s12, v0;
	v10 =	vand.u32 $0xFE0, v10  }
0x107: {  	v11 =	vand.u32 $0xFE0, v11;
	v16 =	vshll.u32 v12, $0x5;
	v13 =	vand.u32 $0xFE0, v13  }
0x108: {  	v20 =	vand.u32 $0xFE0, v20;
	v21 =	vand.u32 $0xFE0, v21;
	v12 =	vand.u32 $0x7F, v12  }
0x109: {  	v23 =	vand.u32 $0xFE0, v23;
	v27 =	vor.u32 v1, v18;
	v29 =	vor.u32 v1, v7  }
0x10a: {  	s10 =	simm.s32 $0xD;
	v34 =	vor.u32 v5, v7;
	v7 =	vand.u32 $0x7F, v9;
	v35 =	vor.u32 v5, v8  }
0x10b: {  	v42 =	vadd.s32 s10, v0;
	v14 =	vor.u32 v0, v10;
	v22 =	vor.u32 v0, v11  }
0x10c: {  	v16 =	vand.u32 $0xFE0, v16;
	v17 =	vor.u32 v3, v13;
	v13 =	vor.u32 v0, v13  }
0x10d: {  	v24 =	vor.u32 v0, v20;
	v25 =	vor.u32 v0, v21;
	v20 =	vor.u32 v3, v20  }
0x10e: {  	v26 =	vor.u32 v1, v12;
	v21 =	vor.u32 v3, v21;
	v33 =	vor.u32 v5, v12  }
0x10f: {  	v9 =	vor.u32 v3, v11;
	v11 =	vor.u32 v1, v7;
	v31 =	vor.u32 v0, v23  }
0x110: {  	v23 =	vor.u32 v3, v23;
	v19 =	vor.u32 v0, v16;
	v28 =	vor.u32 v3, v16;
	v22 =	vld.idx.msk [tilespmem:v22+s18+$0x0], $0xffff  }
0x111: {  	v16 =	vand.u32 $0x7F, v6;
	v6 =	vor.u32 v5, v18;
	v18 =	vor.u32 v1, v8;
	v13 =	vld.idx.msk [tilespmem:v13+s18+$0x0], $0xffff  }
0x112: {  	v36 =	vor.u32 v3, v10;
	v41 =	vshll.u32 v42, $0x5;
	v8 =	vand.u32 $0x7F, v15;
	v10 =	vld.idx.msk [tilespmem:v25+s18+$0x0], $0xffff  }
0x113: {  	v15 =	vor.u32 v5, v7;
	v44 =	vand.u32 $0xFE0, v41;
	v12 =	vor.u32 v1, v16  }
0x114: {  	v30 =	vor.u32 v1, v8;
	v7 =	vor.u32 v5, v8;
	v59 =	vor.u32 v0, v44;
	v39 =	vld.idx.msk [tilespmem:v14+s18+$0x0], $0xffff  }
0x115: {  	s6 =	simm.s32 $0xC;
	v25 =	vor.u32 v5, v16;
	v16 =	vand.u32 $0x78, v32;
	v14 =	vshll.u32 v37, $0x5;
	v19 =	vld.idx.msk [tilespmem:v19+s18+$0x0], $0xffff;
	[tilespmem:v11+s31+$0x0] =	vst.idx.msk $0xffff, v22  }
0x116: {  	s13 =	simm.s32 $0xE;
	v40 =	vadd.s32 s6, v0;
	v24 =	vld.idx.msk [tilespmem:v24+s18+$0x0], $0xffff;
	v8 =	vor.u32 v4, v16;
	v14 =	vand.u32 $0xFE0, v14;
	[tilespmem:v18+s31+$0x0] =	vst.idx.msk $0xffff, v13  }
0x117: {  	v45 =	vor.u32 v0, v14;
	v11 =	vshll.u32 v40, $0x5;
	[tilespmem:v27+s31+$0x0] =	vst.idx.msk $0xffff, v10;
	v27 =	vadd.s32 s13, v0;
	v13 =	vld.idx.msk [tilespmem:v9+s18+$0x0], $0xffff  }
0x118: {  	s17 =	simm.s32 $0xB;
	v18 =	vor.u32 v2, v16;
	v9 =	vshll.u32 v43, $0x5;
	v58 =	vand.u32 $0xFE0, v11;
	v47 =	vld.idx.msk [tilespmem:v17+s18+$0x0], $0xffff  }
0x119: {  	v11 =	vshll.u32 v32, $0x5;
	v17 =	vadd.s32 s17, v0;
	v10 =	vld.idx.msk [tilespmem:v21+s18+$0x0], $0xffff;
	v21 =	vshll.u32 v38, $0x5  }
0x11a: {  	[tilespmem:v26+s31+$0x0] =	vst.idx.msk $0xffff, v19;
	v19 =	vand.u32 $0x7F, v43;
	v32 =	vand.u32 $0x7F, v37;
	v46 =	vand.u32 $0xFE0, v9  }
0x11b: {  	[tilespmem:v12+s31+$0x0] =	vst.idx.msk $0xffff, v39;
	v12 =	vld.idx.msk [tilespmem:v31+s18+$0x0], $0xffff;
	v9 =	vor.u32 v3, v58;
	v11 =	vand.u32 $0xFE0, v11;
	v31 =	vshll.u32 v17, $0x5  }
0x11c: {  	[tilespmem:v29+s31+$0x0] =	vst.idx.msk $0xffff, v24;
	v24 =	vld.idx.msk [tilespmem:v36+s18+$0x0], $0xffff;
	v29 =	vand.u32 $0xFE0, v21;
	v41 =	vor.u32 v0, v58;
	v17 =	vand.u32 $0x7F, v17  }
0x11d: {  	v49 =	vld.idx.msk [tilespmem:v28+s18+$0x0], $0xffff;
	v28 =	vor.u32 v1, v32;
	v16 =	vor.u32 v0, v46;
	v22 =	vor.u32 v3, v11  }
0x11e: {  	v60 =	vand.u32 $0xFE0, v31;
	v21 =	vor.u32 v0, v29;
	v61 =	vor.u32 v0, v11  }
0x11f: {  	v11 =	vor.u32 v3, v29;
	v26 =	vor.u32 v1, v17;
	[tilespmem:v15+s31+$0x0] =	vst.idx.msk $0xffff, v13;
	v15 =	vld.idx.msk [tilespmem:v20+s18+$0x0], $0xffff  }
0x120: {  	v63 =	vand.u32 $0x7F, v27;
	v29 =	vor.u32 v5, v19;
	v48 =	vor.u32 v0, v60;
	[tilespmem:v30+s31+$0x0] =	vst.idx.msk $0xffff, v12  }
0x121: {  	v12 =	vor.u32 v3, v46;
	v13 =	vshll.u32 v27, $0x5;
	[tilespmem:v25+s31+$0x0] =	vst.idx.msk $0xffff, v24;
	v20 =	vor.u32 v3, v60  }
0x122: {  	v36 =	vld.idx.msk [tilespmem:v45+s18+$0x0], $0xffff;
	v24 =	vand.u32 $0x7F, v38;
	[tilespmem:v35+s31+$0x0] =	vst.idx.msk $0xffff, v47;
	v35 =	vor.u32 v5, v63;
	v62 =	vand.u32 $0xFE0, v13  }
0x123: {  	v31 =	vld.idx.msk [tilespmem:v23+s18+$0x0], $0xffff;
	v13 =	vor.u32 v1, v19;
	v19 =	vor.u32 v5, v17;
	v23 =	vor.u32 v1, v24  }
0x124: {  	v17 =	vor.u32 v5, v24;
	v24 =	vand.u32 $0x7F, v42;
	v39 =	vld.idx.msk [tilespmem:v61+s18+$0x0], $0xffff;
	[tilespmem:v34+s31+$0x0] =	vst.idx.msk $0xffff, v15;
	v15 =	vand.u32 $0x7F, v40  }
0x125: {  	v38 =	vld.idx.msk [tilespmem:v41+s18+$0x0], $0xffff;
	[tilespmem:v33+s31+$0x0] =	vst.idx.msk $0xffff, v49;
	v27 =	vor.u32 v5, v24;
	v41 =	vor.u32 v1, v15  }
0x126: {  	v30 =	vld.idx.msk [tilespmem:v59+s18+$0x0], $0xffff;
	v33 =	vor.u32 v0, v62;
	v25 =	vor.u32 v3, v62;
	v34 =	vor.u32 v3, v44  }
0x127: {  	s5 =	simm.s32 $0x8;
	s13 =	simm.s32 $0x10;
	v37 =	vld.idx.msk [tilespmem:v48+s18+$0x0], $0xffff;
	v40 =	vor.u32 v1, v24;
	v24 =	vor.u32 v1, v63;
	v15 =	vor.u32 v5, v15  }
.LBB2_15:
0x128: {  	s6 =	sadd.s32 $0x1, s13;
	v42 =	vadd.s32 s5, v0  }
0x129: {  	s12 =	sadd.s32 $0x2, s13;
	v43 =	vor.u32 v3, v14;
	v32 =	vor.u32 v5, v32;
	[tilespmem:v18+s31+$0x0] =	vst.idx.msk $0xffff, v39;
	v44 =	vmov v29;
	s5 =	smov.u32 s13;
	s10 =	sadd.s32 $0x8, s13  }
0x12a: {  	v29 =	vadd.s32 s6, v0;
	v39 =	vadd.s32 s12, v0;
	s6 =	sadd.s32 $0x4, s5;
	s12 =	sadd.s32 $0x5, s5;
	s17 =	sadd.s32 $0x6, s5;
	v18 =	vand.u32 $0x78, v42;
	[tilespmem:v41+s31+$0x0] =	vst.idx.msk $0xffff, v38;
	v22 =	vld.idx.msk [tilespmem:v22+s18+$0x0], $0xffff  }
0x12b: {  	p2 =	slt.u32 s13, $0x78;
	v41 =	vadd.s32 s6, v0;
	v45 =	vadd.s32 s12, v0;
	s6 =	sadd.s32 $0x7, s5;
	v38 =	vor.u32 v4, v18;
	v46 =	vld.idx.msk [tilespmem:v16+s18+$0x0], $0xffff;
	[tilespmem:v7+s31+$0x0] =	vst.idx.msk $0xffff, v31  }
0x12c: {  	v14 =	vshll.u32 v29, $0x5;
	v7 =	vmovc v35;
	v16 =	vshll.u32 v45, $0x5;
	v31 =	vadd.s32 s6, v0;
	v21 =	vld.idx.msk [tilespmem:v21+s18+$0x0], $0xffff;
	[tilespmem:v40+s31+$0x0] =	vst.idx.msk $0xffff, v30  }
0x12d: {  	v14 =	vand.u32 $0xFE0, v14;
	v30 =	vshll.u32 v41, $0x5;
	v35 =	vand.u32 $0xFE0, v16;
	[tilespmem:v26+s31+$0x0] =	vst.idx.msk $0xffff, v37;
	v26 =	vld.idx.msk [tilespmem:v34+s18+$0x0], $0xffff  }
0x12e: {  	v47 =	vor.u32 v0, v14;
	v37 =	vadd.s32 s17, v0;
	v16 =	vshll.u32 v31, $0x5;
	v34 =	vld.idx.msk [tilespmem:v9+s18+$0x0], $0xffff;
	[tilespmem:v6+s31+$0x0] =	vst.idx.msk $0xffff, v10  }
0x12f: {  	v18 =	vor.u32 v2, v18;
	v30 =	vand.u32 $0xFE0, v30;
	v40 =	vand.u32 $0xFE0, v16;
	[tilespmem:v28+s31+$0x0] =	vst.idx.msk $0xffff, v36;
	v10 =	vld.idx.msk [tilespmem:v20+s18+$0x0], $0xffff  }
0x130: {  	s6 =	sadd.s32 $0x3, s5;
	v9 =	vor.u32 v3, v30;
	v6 =	vmovc v19;
	v16 =	vor.u32 v0, v40;
	v20 =	vshll.u32 v42, $0x5;
	v28 =	vld.idx.msk [tilespmem:v33+s18+$0x0], $0xffff  }
0x131: {  	v19 =	vadd.s32 s6, v0;
	v33 =	vor.u32 v0, v35;
	v20 =	vand.u32 $0xFE0, v20;
	v36 =	vld.idx.msk [tilespmem:v43+s18+$0x0], $0xffff;
	[tilespmem:v8+s31+$0x0] =	vst.idx.msk $0xffff, v22  }
0x132: {  	v42 =	vshll.u32 v39, $0x5;
	v43 =	vshll.u32 v19, $0x5;
	v22 =	vor.u32 v3, v20;
	v8 =	vmovc v38;
	[tilespmem:v23+s31+$0x0] =	vst.idx.msk $0xffff, v21  }
0x133: {  	v23 =	vand.u32 $0xFE0, v42;
	v38 =	vand.u32 $0xFE0, v43;
	v42 =	vshll.u32 v37, $0x5;
	v43 =	vld.idx.msk [tilespmem:v11+s18+$0x0], $0xffff;
	[tilespmem:v27+s31+$0x0] =	vst.idx.msk $0xffff, v26  }
0x134: {  	v48 =	vor.u32 v0, v20;
	v21 =	vor.u32 v0, v23;
	v27 =	vor.u32 v0, v38  }
0x135: {  	v49 =	vor.u32 v0, v30;
	v11 =	vor.u32 v3, v23;
	v23 =	vand.u32 $0x7F, v31;
	[tilespmem:v13+s31+$0x0] =	vst.idx.msk $0xffff, v46  }
0x136: {  	v19 =	vand.u32 $0x7F, v19;
	v42 =	vand.u32 $0xFE0, v42;
	v13 =	vor.u32 v1, v23;
	[tilespmem:v24+s31+$0x0] =	vst.idx.msk $0xffff, v28;
	v24 =	vld.idx.msk [tilespmem:v12+s18+$0x0], $0xffff  }
0x137: {  	v26 =	vor.u32 v1, v19;
	v12 =	vor.u32 v3, v40;
	[tilespmem:v32+s31+$0x0] =	vst.idx.msk $0xffff, v36;
	v31 =	vld.idx.msk [tilespmem:v25+s18+$0x0], $0xffff  }
0x138: {  	v20 =	vor.u32 v3, v38;
	v32 =	vand.u32 $0x7F, v29;
	v29 =	vor.u32 v5, v23;
	v30 =	vld.idx.msk [tilespmem:v33+s18+$0x0], $0xffff  }
0x139: {  	v19 =	vor.u32 v5, v19;
	v25 =	vand.u32 $0x7F, v39;
	v39 =	vld.idx.msk [tilespmem:v48+s18+$0x0], $0xffff;
	[tilespmem:v17+s31+$0x0] =	vst.idx.msk $0xffff, v43  }
.Ltmp10:
0x13a: {  	v28 =	vor.u32 v1, v32;
	v23 =	vor.u32 v1, v25;
	v33 =	vand.u32 $0x7F, v41;
	v38 =	vld.idx.msk [tilespmem:v49+s18+$0x0], $0xffff;
	(pc) =	sbr.rel @p2 .LBB2_15-.Ltmp10, $4  }
0x13b: {  	v17 =	vor.u32 v5, v25;
	v41 =	vor.u32 v1, v33;
	v25 =	vand.u32 $0x7F, v45;
	[tilespmem:v15+s31+$0x0] =	vst.idx.msk $0xffff, v34  }
0x13c: {  	v15 =	vor.u32 v5, v33;
	v34 =	vor.u32 v3, v35;
	v35 =	vand.u32 $0x7F, v37;
	[tilespmem:v44+s31+$0x0] =	vst.idx.msk $0xffff, v24  }
0x13d: {  	v40 =	vor.u32 v1, v25;
	v24 =	vor.u32 v1, v35;
	v37 =	vld.idx.msk [tilespmem:v27+s18+$0x0], $0xffff;
	v27 =	vor.u32 v5, v25  }
0x13e: {  	s13 =	smov.u32 s10;
	v33 =	vor.u32 v0, v42;
	v35 =	vor.u32 v5, v35;
	v25 =	vor.u32 v3, v42;
	v36 =	vld.idx.msk [tilespmem:v47+s18+$0x0], $0xffff  }
0x13f: {  	_ =	sdelay $0x3  }
0x140: {  	v42 =	vadd.s32 s5, v0;
	[tilespmem:v18+s31+$0x0] =	vst.idx.msk $0xffff, v39  }
0x141: {  	[tilespmem:v41+s31+$0x0] =	vst.idx.msk $0xffff, v38;
	v53 =	vshll.u32 v42, $0x5  }
0x142: {  	[tilespmem:v7+s31+$0x0] =	vst.idx.msk $0xffff, v31;
	v54 =	vld.idx.msk [tilespmem:v21+s18+$0x0], $0xffff;
	v7 =	vand.u32 $0xFE0, v53  }
0x143: {  	[tilespmem:v40+s31+$0x0] =	vst.idx.msk $0xffff, v30;
	v16 =	vld.idx.msk [tilespmem:v16+s18+$0x0], $0xffff;
	v55 =	vor.u32 v0, v7  }
0x144: {  	[tilespmem:v6+s31+$0x0] =	vst.idx.msk $0xffff, v10;
	v6 =	vld.idx.msk [tilespmem:v33+s18+$0x0], $0xffff  }
0x145: {  	v14 =	vor.u32 v3, v14;
	v22 =	vld.idx.msk [tilespmem:v22+s18+$0x0], $0xffff;
	[tilespmem:v26+s31+$0x0] =	vst.idx.msk $0xffff, v37  }
0x146: {  	v56 =	vld.idx.msk [tilespmem:v34+s18+$0x0], $0xffff;
	[tilespmem:v28+s31+$0x0] =	vst.idx.msk $0xffff, v36  }
0x147: {  	v58 =	vand.u32 $0x78, v42;
	v9 =	vld.idx.msk [tilespmem:v9+s18+$0x0], $0xffff;
	[tilespmem:v23+s31+$0x0] =	vst.idx.msk $0xffff, v54  }
0x148: {  	v59 =	vor.u32 v2, v58;
	[tilespmem:v13+s31+$0x0] =	vst.idx.msk $0xffff, v16;
	v60 =	vld.idx.msk [tilespmem:v55+s18+$0x0], $0xffff  }
0x149: {  	v7 =	vor.u32 v3, v7;
	v62 =	vld.idx.msk [tilespmem:v20+s18+$0x0], $0xffff;
	[tilespmem:v24+s31+$0x0] =	vst.idx.msk $0xffff, v6  }
0x14a: {  	v57 =	vor.u32 v5, v32;
	v14 =	vld.idx.msk [tilespmem:v14+s18+$0x0], $0xffff;
	[tilespmem:v8+s31+$0x0] =	vst.idx.msk $0xffff, v22  }
0x14b: {  	v11 =	vld.idx.msk [tilespmem:v11+s18+$0x0], $0xffff;
	[tilespmem:v27+s31+$0x0] =	vst.idx.msk $0xffff, v56  }
0x14c: {  	v6 =	vld.idx.msk [tilespmem:v12+s18+$0x0], $0xffff;
	[tilespmem:v15+s31+$0x0] =	vst.idx.msk $0xffff, v9  }
0x14d: {  	v61 =	vld.idx.msk [tilespmem:v25+s18+$0x0], $0xffff;
	[tilespmem:v59+s31+$0x0] =	vst.idx.msk $0xffff, v60  }
0x14e: {  	v63 =	vor.u32 v4, v58;
	[tilespmem:v19+s31+$0x0] =	vst.idx.msk $0xffff, v62;
	v7 =	vld.idx.msk [tilespmem:v7+s18+$0x0], $0xffff  }
0x14f: {  	[tilespmem:v57+s31+$0x0] =	vst.idx.msk $0xffff, v14  }
.Ltmp11:
0x150: {  	[tilespmem:v17+s31+$0x0] =	vst.idx.msk $0xffff, v11;
	(pc) =	sbr.rel @p1 .LBB2_18-.Ltmp11, $4  }
0x151: {  	s17 =	sor.u32 s8, s3;
	[tilespmem:v29+s31+$0x0] =	vst.idx.msk $0xffff, v6  }
0x152: {  	s5 =	sshrl.u32 s17, $0x3;
	[tilespmem:v35+s31+$0x0] =	vst.idx.msk $0xffff, v61  }
0x153: {  	s5 =	sadd.s32 s1, s5;
	[tilespmem:v63+s31+$0x0] =	vst.idx.msk $0xffff, v7  }
0x154: {  	[hbm4b:s5+s23] =	stream.strided.scatter [tilespmem:s31], [sflag:$0x7], $0x1000, s24, s23, $0x38;
	[tilespmem:$0xE400] =	vst v63  }
.Ltmp12:
0x155: {  	(pc) =	sbr.rel .LBB2_19-.Ltmp12, $4  }
0x156: {  	_ = 	snop  }
0x157: {  	_ =	swait.ge [sflag:s0], $0x1000  }
0x158: {  	[sflag:s0] =	ssyncset.done $0x0  }
0x159: {  	[sflag:s0] =	ssyncadd.s32 $0xFFFFF000  }
.LBB2_18:
0x15a: {  	s5 =	sshll.u32 s19, $0x9  }
0x15b: {  	s5 =	sand.u32 $0x3FFFFE00, s5  }
.Ltmp13:
0x15c: {  	s5 =	sadd.s32 $0x300, s5;
	(pc) =	sbr.rel @p0 .LBB2_20-.Ltmp13, $4  }
0x15d: {  	[tilespmem:s18], [sflag:$0x3] =	stream.indirect.gather [hbm4b:s4+s14], $0x20, s5, s14, $0xb8;
	[tilespmem:$0xE400] =	vst v63  }
0x15e: {  	_ =	swait.ge [sflag:s0], $0x1000  }
0x15f: {  	[sflag:s0] =	ssyncset.done $0x0  }
0x160: {  	[sflag:s0] =	ssyncadd.s32 $0xFFFFF000  }
.LBB2_19:
0x161: {  	_ =	swait.ge [sflag:s2], $0x1000  }
0x162: {  	[sflag:s2] =	ssyncset.done $0x0  }
0x163: {  	[sflag:s2] =	ssyncadd.s32 $0xFFFFF000  }
.LBB2_20:
0x164: {  	s5 =	simm.s32 $0x1;
	s6 =	simm.s32 $0x2;
	s13 =	simm.s32 $0x4  }
0x165: {  	s17 =	simm.s32 $0x5;
	s10 =	simm.s32 $0x6;
	s12 =	simm.s32 $0x3;
	v6 =	vadd.s32 s5, v0;
	v7 =	vadd.s32 s6, v0;
	v8 =	vadd.s32 s13, v0  }
0x166: {  	v9 =	vadd.s32 s17, v0;
	s6 =	simm.s32 $0x7;
	v15 =	vadd.s32 s10, v0;
	v18 =	vadd.s32 s12, v0  }
0x167: {  	v10 =	vshll.u32 v6, $0x5;
	v11 =	vshll.u32 v9, $0x5;
	v12 =	vadd.s32 s6, v0  }
0x168: {  	v13 =	vshll.u32 v8, $0x5;
	v20 =	vshll.u32 v7, $0x5;
	v21 =	vshll.u32 v18, $0x5  }
0x169: {  	s13 =	simm.s32 $0x0;
	s17 =	simm.s32 $0x9;
	v23 =	vshll.u32 v15, $0x5;
	v18 =	vand.u32 $0x7F, v18;
	v7 =	vand.u32 $0x7F, v7  }
0x16a: {  	s10 =	simm.s32 $0xA;
	s12 =	simm.s32 $0xF;
	v8 =	vand.u32 $0x7F, v8;
	v32 =	vadd.s32 s13, v0;
	v37 =	vadd.s32 s17, v0  }
0x16b: {  	v38 =	vadd.s32 s10, v0;
	v43 =	vadd.s32 s12, v0;
	v10 =	vand.u32 $0xFE0, v10  }
0x16c: {  	v11 =	vand.u32 $0xFE0, v11;
	v16 =	vshll.u32 v12, $0x5;
	v13 =	vand.u32 $0xFE0, v13  }
0x16d: {  	v20 =	vand.u32 $0xFE0, v20;
	v21 =	vand.u32 $0xFE0, v21;
	v12 =	vand.u32 $0x7F, v12  }
0x16e: {  	v23 =	vand.u32 $0xFE0, v23;
	v27 =	vor.u32 v1, v18;
	v29 =	vor.u32 v1, v7  }
0x16f: {  	s10 =	simm.s32 $0xD;
	v34 =	vor.u32 v5, v7;
	v7 =	vand.u32 $0x7F, v9;
	v35 =	vor.u32 v5, v8  }
0x170: {  	v42 =	vadd.s32 s10, v0;
	v14 =	vor.u32 v0, v10;
	v22 =	vor.u32 v0, v11  }
0x171: {  	v16 =	vand.u32 $0xFE0, v16;
	v17 =	vor.u32 v3, v13;
	v13 =	vor.u32 v0, v13  }
0x172: {  	v24 =	vor.u32 v0, v20;
	v25 =	vor.u32 v0, v21;
	v20 =	vor.u32 v3, v20  }
0x173: {  	v26 =	vor.u32 v1, v12;
	v21 =	vor.u32 v3, v21;
	v33 =	vor.u32 v5, v12  }
0x174: {  	v9 =	vor.u32 v3, v11;
	v11 =	vor.u32 v1, v7;
	v31 =	vor.u32 v0, v23  }
0x175: {  	v23 =	vor.u32 v3, v23;
	v19 =	vor.u32 v0, v16;
	v28 =	vor.u32 v3, v16;
	v22 =	vld.idx.msk [tilespmem:v22+s20+$0x0], $0xffff  }
0x176: {  	v16 =	vand.u32 $0x7F, v6;
	v6 =	vor.u32 v5, v18;
	v18 =	vor.u32 v1, v8;
	v13 =	vld.idx.msk [tilespmem:v13+s20+$0x0], $0xffff  }
0x177: {  	v36 =	vor.u32 v3, v10;
	v41 =	vshll.u32 v42, $0x5;
	v8 =	vand.u32 $0x7F, v15;
	v10 =	vld.idx.msk [tilespmem:v25+s20+$0x0], $0xffff  }
0x178: {  	v15 =	vor.u32 v5, v7;
	v44 =	vand.u32 $0xFE0, v41;
	v12 =	vor.u32 v1, v16  }
0x179: {  	v30 =	vor.u32 v1, v8;
	v7 =	vor.u32 v5, v8;
	v59 =	vor.u32 v0, v44;
	v39 =	vld.idx.msk [tilespmem:v14+s20+$0x0], $0xffff  }
0x17a: {  	s6 =	simm.s32 $0xC;
	v25 =	vor.u32 v5, v16;
	v16 =	vand.u32 $0x78, v32;
	v14 =	vshll.u32 v37, $0x5;
	v19 =	vld.idx.msk [tilespmem:v19+s20+$0x0], $0xffff;
	[tilespmem:v11+s11+$0x0] =	vst.idx.msk $0xffff, v22  }
0x17b: {  	s13 =	simm.s32 $0xE;
	v40 =	vadd.s32 s6, v0;
	v24 =	vld.idx.msk [tilespmem:v24+s20+$0x0], $0xffff;
	v8 =	vor.u32 v4, v16;
	v14 =	vand.u32 $0xFE0, v14;
	[tilespmem:v18+s11+$0x0] =	vst.idx.msk $0xffff, v13  }
0x17c: {  	v45 =	vor.u32 v0, v14;
	v11 =	vshll.u32 v40, $0x5;
	[tilespmem:v27+s11+$0x0] =	vst.idx.msk $0xffff, v10;
	v27 =	vadd.s32 s13, v0;
	v13 =	vld.idx.msk [tilespmem:v9+s20+$0x0], $0xffff  }
0x17d: {  	s17 =	simm.s32 $0xB;
	v18 =	vor.u32 v2, v16;
	v9 =	vshll.u32 v43, $0x5;
	v58 =	vand.u32 $0xFE0, v11;
	v47 =	vld.idx.msk [tilespmem:v17+s20+$0x0], $0xffff  }
0x17e: {  	v11 =	vshll.u32 v32, $0x5;
	v17 =	vadd.s32 s17, v0;
	v10 =	vld.idx.msk [tilespmem:v21+s20+$0x0], $0xffff;
	v21 =	vshll.u32 v38, $0x5  }
0x17f: {  	[tilespmem:v26+s11+$0x0] =	vst.idx.msk $0xffff, v19;
	v19 =	vand.u32 $0x7F, v43;
	v32 =	vand.u32 $0x7F, v37;
	v46 =	vand.u32 $0xFE0, v9  }
0x180: {  	[tilespmem:v12+s11+$0x0] =	vst.idx.msk $0xffff, v39;
	v12 =	vld.idx.msk [tilespmem:v31+s20+$0x0], $0xffff;
	v9 =	vor.u32 v3, v58;
	v11 =	vand.u32 $0xFE0, v11;
	v31 =	vshll.u32 v17, $0x5  }
0x181: {  	[tilespmem:v29+s11+$0x0] =	vst.idx.msk $0xffff, v24;
	v24 =	vld.idx.msk [tilespmem:v36+s20+$0x0], $0xffff;
	v29 =	vand.u32 $0xFE0, v21;
	v41 =	vor.u32 v0, v58;
	v17 =	vand.u32 $0x7F, v17  }
0x182: {  	v49 =	vld.idx.msk [tilespmem:v28+s20+$0x0], $0xffff;
	v28 =	vor.u32 v1, v32;
	v16 =	vor.u32 v0, v46;
	v22 =	vor.u32 v3, v11  }
0x183: {  	v60 =	vand.u32 $0xFE0, v31;
	v21 =	vor.u32 v0, v29;
	v61 =	vor.u32 v0, v11  }
0x184: {  	v11 =	vor.u32 v3, v29;
	v26 =	vor.u32 v1, v17;
	[tilespmem:v15+s11+$0x0] =	vst.idx.msk $0xffff, v13;
	v15 =	vld.idx.msk [tilespmem:v20+s20+$0x0], $0xffff  }
0x185: {  	v63 =	vand.u32 $0x7F, v27;
	v29 =	vor.u32 v5, v19;
	v48 =	vor.u32 v0, v60;
	[tilespmem:v30+s11+$0x0] =	vst.idx.msk $0xffff, v12  }
0x186: {  	v12 =	vor.u32 v3, v46;
	v13 =	vshll.u32 v27, $0x5;
	[tilespmem:v25+s11+$0x0] =	vst.idx.msk $0xffff, v24;
	v20 =	vor.u32 v3, v60  }
0x187: {  	v36 =	vld.idx.msk [tilespmem:v45+s20+$0x0], $0xffff;
	v24 =	vand.u32 $0x7F, v38;
	[tilespmem:v35+s11+$0x0] =	vst.idx.msk $0xffff, v47;
	v35 =	vor.u32 v5, v63;
	v62 =	vand.u32 $0xFE0, v13  }
0x188: {  	v31 =	vld.idx.msk [tilespmem:v23+s20+$0x0], $0xffff;
	v13 =	vor.u32 v1, v19;
	v19 =	vor.u32 v5, v17;
	v23 =	vor.u32 v1, v24  }
0x189: {  	v17 =	vor.u32 v5, v24;
	v24 =	vand.u32 $0x7F, v42;
	v39 =	vld.idx.msk [tilespmem:v61+s20+$0x0], $0xffff;
	[tilespmem:v34+s11+$0x0] =	vst.idx.msk $0xffff, v15;
	v15 =	vand.u32 $0x7F, v40  }
0x18a: {  	v38 =	vld.idx.msk [tilespmem:v41+s20+$0x0], $0xffff;
	[tilespmem:v33+s11+$0x0] =	vst.idx.msk $0xffff, v49;
	v27 =	vor.u32 v5, v24;
	v41 =	vor.u32 v1, v15  }
0x18b: {  	v30 =	vld.idx.msk [tilespmem:v59+s20+$0x0], $0xffff;
	v33 =	vor.u32 v0, v62;
	v25 =	vor.u32 v3, v62;
	v34 =	vor.u32 v3, v44  }
0x18c: {  	s5 =	simm.s32 $0x8;
	s13 =	simm.s32 $0x10;
	v37 =	vld.idx.msk [tilespmem:v48+s20+$0x0], $0xffff;
	v40 =	vor.u32 v1, v24;
	v24 =	vor.u32 v1, v63;
	v15 =	vor.u32 v5, v15  }
.LBB2_21:
0x18d: {  	s6 =	sadd.s32 $0x1, s13;
	v42 =	vadd.s32 s5, v0  }
0x18e: {  	s12 =	sadd.s32 $0x2, s13;
	v43 =	vor.u32 v3, v14;
	v32 =	vor.u32 v5, v32;
	[tilespmem:v18+s11+$0x0] =	vst.idx.msk $0xffff, v39;
	v44 =	vmov v29;
	s5 =	smov.u32 s13;
	s10 =	sadd.s32 $0x8, s13  }
0x18f: {  	v29 =	vadd.s32 s6, v0;
	v39 =	vadd.s32 s12, v0;
	s6 =	sadd.s32 $0x4, s5;
	s12 =	sadd.s32 $0x5, s5;
	s17 =	sadd.s32 $0x6, s5;
	v18 =	vand.u32 $0x78, v42;
	[tilespmem:v41+s11+$0x0] =	vst.idx.msk $0xffff, v38;
	v22 =	vld.idx.msk [tilespmem:v22+s20+$0x0], $0xffff  }
0x190: {  	p0 =	slt.u32 s13, $0x78;
	v41 =	vadd.s32 s6, v0;
	v45 =	vadd.s32 s12, v0;
	s6 =	sadd.s32 $0x7, s5;
	v38 =	vor.u32 v4, v18;
	v46 =	vld.idx.msk [tilespmem:v16+s20+$0x0], $0xffff;
	[tilespmem:v7+s11+$0x0] =	vst.idx.msk $0xffff, v31  }
0x191: {  	v14 =	vshll.u32 v29, $0x5;
	v7 =	vmovc v35;
	v16 =	vshll.u32 v45, $0x5;
	v31 =	vadd.s32 s6, v0;
	v21 =	vld.idx.msk [tilespmem:v21+s20+$0x0], $0xffff;
	[tilespmem:v40+s11+$0x0] =	vst.idx.msk $0xffff, v30  }
0x192: {  	v14 =	vand.u32 $0xFE0, v14;
	v30 =	vshll.u32 v41, $0x5;
	v35 =	vand.u32 $0xFE0, v16;
	[tilespmem:v26+s11+$0x0] =	vst.idx.msk $0xffff, v37;
	v26 =	vld.idx.msk [tilespmem:v34+s20+$0x0], $0xffff  }
0x193: {  	v47 =	vor.u32 v0, v14;
	v37 =	vadd.s32 s17, v0;
	v16 =	vshll.u32 v31, $0x5;
	v34 =	vld.idx.msk [tilespmem:v9+s20+$0x0], $0xffff;
	[tilespmem:v6+s11+$0x0] =	vst.idx.msk $0xffff, v10  }
0x194: {  	v18 =	vor.u32 v2, v18;
	v30 =	vand.u32 $0xFE0, v30;
	v40 =	vand.u32 $0xFE0, v16;
	[tilespmem:v28+s11+$0x0] =	vst.idx.msk $0xffff, v36;
	v10 =	vld.idx.msk [tilespmem:v20+s20+$0x0], $0xffff  }
0x195: {  	s6 =	sadd.s32 $0x3, s5;
	v9 =	vor.u32 v3, v30;
	v6 =	vmovc v19;
	v16 =	vor.u32 v0, v40;
	v20 =	vshll.u32 v42, $0x5;
	v28 =	vld.idx.msk [tilespmem:v33+s20+$0x0], $0xffff  }
0x196: {  	v19 =	vadd.s32 s6, v0;
	v33 =	vor.u32 v0, v35;
	v20 =	vand.u32 $0xFE0, v20;
	v36 =	vld.idx.msk [tilespmem:v43+s20+$0x0], $0xffff;
	[tilespmem:v8+s11+$0x0] =	vst.idx.msk $0xffff, v22  }
0x197: {  	v42 =	vshll.u32 v39, $0x5;
	v43 =	vshll.u32 v19, $0x5;
	v22 =	vor.u32 v3, v20;
	v8 =	vmovc v38;
	[tilespmem:v23+s11+$0x0] =	vst.idx.msk $0xffff, v21  }
0x198: {  	v23 =	vand.u32 $0xFE0, v42;
	v38 =	vand.u32 $0xFE0, v43;
	v42 =	vshll.u32 v37, $0x5;
	v43 =	vld.idx.msk [tilespmem:v11+s20+$0x0], $0xffff;
	[tilespmem:v27+s11+$0x0] =	vst.idx.msk $0xffff, v26  }
0x199: {  	v48 =	vor.u32 v0, v20;
	v21 =	vor.u32 v0, v23;
	v27 =	vor.u32 v0, v38  }
0x19a: {  	v49 =	vor.u32 v0, v30;
	v11 =	vor.u32 v3, v23;
	v23 =	vand.u32 $0x7F, v31;
	[tilespmem:v13+s11+$0x0] =	vst.idx.msk $0xffff, v46  }
0x19b: {  	v19 =	vand.u32 $0x7F, v19;
	v42 =	vand.u32 $0xFE0, v42;
	v13 =	vor.u32 v1, v23;
	[tilespmem:v24+s11+$0x0] =	vst.idx.msk $0xffff, v28;
	v24 =	vld.idx.msk [tilespmem:v12+s20+$0x0], $0xffff  }
0x19c: {  	v26 =	vor.u32 v1, v19;
	v12 =	vor.u32 v3, v40;
	[tilespmem:v32+s11+$0x0] =	vst.idx.msk $0xffff, v36;
	v31 =	vld.idx.msk [tilespmem:v25+s20+$0x0], $0xffff  }
0x19d: {  	v20 =	vor.u32 v3, v38;
	v32 =	vand.u32 $0x7F, v29;
	v29 =	vor.u32 v5, v23;
	v30 =	vld.idx.msk [tilespmem:v33+s20+$0x0], $0xffff  }
0x19e: {  	v19 =	vor.u32 v5, v19;
	v25 =	vand.u32 $0x7F, v39;
	v39 =	vld.idx.msk [tilespmem:v48+s20+$0x0], $0xffff;
	[tilespmem:v17+s11+$0x0] =	vst.idx.msk $0xffff, v43  }
.Ltmp14:
0x19f: {  	v28 =	vor.u32 v1, v32;
	v23 =	vor.u32 v1, v25;
	v33 =	vand.u32 $0x7F, v41;
	v38 =	vld.idx.msk [tilespmem:v49+s20+$0x0], $0xffff;
	(pc) =	sbr.rel @p0 .LBB2_21-.Ltmp14, $4  }
0x1a0: {  	v17 =	vor.u32 v5, v25;
	v41 =	vor.u32 v1, v33;
	v25 =	vand.u32 $0x7F, v45;
	[tilespmem:v15+s11+$0x0] =	vst.idx.msk $0xffff, v34  }
0x1a1: {  	v15 =	vor.u32 v5, v33;
	v34 =	vor.u32 v3, v35;
	v35 =	vand.u32 $0x7F, v37;
	[tilespmem:v44+s11+$0x0] =	vst.idx.msk $0xffff, v24  }
0x1a2: {  	v40 =	vor.u32 v1, v25;
	v24 =	vor.u32 v1, v35;
	v37 =	vld.idx.msk [tilespmem:v27+s20+$0x0], $0xffff;
	v27 =	vor.u32 v5, v25  }
0x1a3: {  	s13 =	smov.u32 s10;
	v33 =	vor.u32 v0, v42;
	v35 =	vor.u32 v5, v35;
	v25 =	vor.u32 v3, v42;
	v36 =	vld.idx.msk [tilespmem:v47+s20+$0x0], $0xffff  }
0x1a4: {  	_ =	sdelay $0x3  }
0x1a5: {  	v42 =	vadd.s32 s5, v0;
	[tilespmem:v18+s11+$0x0] =	vst.idx.msk $0xffff, v39  }
0x1a6: {  	[tilespmem:v41+s11+$0x0] =	vst.idx.msk $0xffff, v38;
	v53 =	vshll.u32 v42, $0x5  }
0x1a7: {  	[tilespmem:v7+s11+$0x0] =	vst.idx.msk $0xffff, v31;
	v54 =	vld.idx.msk [tilespmem:v21+s20+$0x0], $0xffff;
	v7 =	vand.u32 $0xFE0, v53  }
0x1a8: {  	[tilespmem:v40+s11+$0x0] =	vst.idx.msk $0xffff, v30;
	v16 =	vld.idx.msk [tilespmem:v16+s20+$0x0], $0xffff;
	v55 =	vor.u32 v0, v7  }
0x1a9: {  	[tilespmem:v6+s11+$0x0] =	vst.idx.msk $0xffff, v10;
	v6 =	vld.idx.msk [tilespmem:v33+s20+$0x0], $0xffff  }
0x1aa: {  	v14 =	vor.u32 v3, v14;
	v22 =	vld.idx.msk [tilespmem:v22+s20+$0x0], $0xffff;
	[tilespmem:v26+s11+$0x0] =	vst.idx.msk $0xffff, v37  }
0x1ab: {  	v56 =	vld.idx.msk [tilespmem:v34+s20+$0x0], $0xffff;
	[tilespmem:v28+s11+$0x0] =	vst.idx.msk $0xffff, v36  }
0x1ac: {  	v58 =	vand.u32 $0x78, v42;
	v9 =	vld.idx.msk [tilespmem:v9+s20+$0x0], $0xffff;
	[tilespmem:v23+s11+$0x0] =	vst.idx.msk $0xffff, v54  }
0x1ad: {  	v59 =	vor.u32 v2, v58;
	[tilespmem:v13+s11+$0x0] =	vst.idx.msk $0xffff, v16;
	v60 =	vld.idx.msk [tilespmem:v55+s20+$0x0], $0xffff  }
0x1ae: {  	v7 =	vor.u32 v3, v7;
	v62 =	vld.idx.msk [tilespmem:v20+s20+$0x0], $0xffff;
	[tilespmem:v24+s11+$0x0] =	vst.idx.msk $0xffff, v6  }
0x1af: {  	v57 =	vor.u32 v5, v32;
	v14 =	vld.idx.msk [tilespmem:v14+s20+$0x0], $0xffff;
	[tilespmem:v8+s11+$0x0] =	vst.idx.msk $0xffff, v22  }
0x1b0: {  	v11 =	vld.idx.msk [tilespmem:v11+s20+$0x0], $0xffff;
	[tilespmem:v27+s11+$0x0] =	vst.idx.msk $0xffff, v56  }
0x1b1: {  	v6 =	vld.idx.msk [tilespmem:v12+s20+$0x0], $0xffff;
	[tilespmem:v15+s11+$0x0] =	vst.idx.msk $0xffff, v9  }
0x1b2: {  	v61 =	vld.idx.msk [tilespmem:v25+s20+$0x0], $0xffff;
	[tilespmem:v59+s11+$0x0] =	vst.idx.msk $0xffff, v60  }
0x1b3: {  	v63 =	vor.u32 v4, v58;
	[tilespmem:v19+s11+$0x0] =	vst.idx.msk $0xffff, v62;
	v7 =	vld.idx.msk [tilespmem:v7+s20+$0x0], $0xffff  }
0x1b4: {  	p0 =	seq.s32 s19, $0x31;
	[tilespmem:v57+s11+$0x0] =	vst.idx.msk $0xffff, v14  }
.Ltmp15:
0x1b5: {  	[tilespmem:v17+s11+$0x0] =	vst.idx.msk $0xffff, v11;
	(pc) =	sbr.rel @p0 .LBB2_24-.Ltmp15, $4  }
0x1b6: {  	s3 =	sor.u32 s9, s3;
	[tilespmem:v29+s11+$0x0] =	vst.idx.msk $0xffff, v6  }
0x1b7: {  	s3 =	sshrl.u32 s3, $0x3;
	[tilespmem:v35+s11+$0x0] =	vst.idx.msk $0xffff, v61  }
0x1b8: {  	s3 =	sadd.s32 s1, s3;
	[tilespmem:v63+s11+$0x0] =	vst.idx.msk $0xffff, v7  }
0x1b9: {  	[hbm4b:s3+s23] =	stream.strided.scatter [tilespmem:s11], [sflag:$0x8], $0x1000, s24, s23, $0x38;
	[tilespmem:$0xE400] =	vst v63  }
.Ltmp16:
0x1ba: {  	(pc) =	sbr.rel .LBB2_2-.Ltmp16, $4  }
0x1bb: {  	s3 =	sshll.u32 s19, $0x9  }
0x1bc: {  	s3 =	sand.u32 $0x3FFFFE00, s3  }
0x1bd: {  	s19 =	sadd.s32 $0x1, s19;
	s3 =	sadd.s32 $0x380, s3  }
0x1be: {  	[tilespmem:s20], [sflag:$0x4] =	stream.indirect.gather [hbm4b:s4+s14], $0x20, s3, s14, $0xb8;
	[tilespmem:$0xE400] =	vst v63  }
.LBB2_25:
0x1bf: {  	_ =	sfence.sel $0x180000  }
0x1c0: {  	[bflag:$0x0] =	sbarrier.arrive $0xFFFF  }
0x1c1: {  	_ =	strace $0x9000004A  }
0x1c2: {  	s0 =	stileid.u32;
	[bflag:$0x2] =	sbarrier.arrive $0xFFFF  }
0x1c3: {  	p0 =	sne.s32 s0, $0x0;
	s0 =	rddreg [dreg:$0x2]  }
0x1c4: {  	s0 =	sadd.s32 @!p0 $0x100000, s0  }
0x1c5: {  	[sflag:s0] =	ssyncadd.tile.s32 @!p0 $0x1;
	_ =	shalt  }
.Lfunc_end2:
_tile_overlayer_lowered:
.L_overlay_start_2:
0x1c6: {  	(tag) =	ssettag $0x2  }
0x1c7: {  	s0 =	rddreg [dreg:$0x0];
	s2 =	stileid.u32  }
0x1c8: {  	s1 =	rddreg [dreg:$0x1];
	p0 =	sne.s32 s2, $0x0  }
0x1c9: {  	s3 =	rddreg [dreg:$0x2];
	[bflag:$0x3] =	sbarrier.arrive $0xFFFF;
	s2 =	simm.s32 @!p0 $0x1C09  }
0x1ca: {  	[timem:s3], [sflag:s2] =	dma.local @!p0 [hbm:s0], s1  }
0x1cb: {  	s0 =	simm.s32 @!p0 $0x9  }
0x1cc: {  	_ =	swait.ge @!p0 [sflag:s0], s1  }
0x1cd: {  	s1 =	ssub.s32 @!p0 $0x0, s1;
	[sflag:s0] =	ssyncset.done @!p0 $0x0  }
0x1ce: {  	[sflag:s0] =	ssyncadd.s32 @!p0 s1  }
0x1cf: {  	[bflag:$0x3] =	sbarrier.arrive $0xFFFF  }
0x1d0: {  	_ =	shalt  }

</sc_bundles>
